<compile_context>
chip_gen: v7x
topology: tpu7x:2x2x1
jax: 0.10.2.dev20260603
libtpu: 0.0.44.dev20260713+nightly
codegen_flags: <defaults>
</compile_context>

<pallas_src>
import functools
import math

import jax
import jax.numpy as jnp
import numpy as np
from jax import lax
from jax.experimental import pallas as pl
from jax.experimental.pallas import tpu as pltpu
from jax.experimental.pallas import tpu_sc as plsc

H, W = 512, 1024
EPS = 1e-05
B, F = 64, 50
N = H * W
FPAD = 56
NSLOT = 25
L = 16


def _row_tables():
    thetas = np.linspace(0.5, H - 0.5, num=H) * math.pi / H
    weight = 1.0 / np.sin(thetas)
    residual = weight % 2
    mask = residual >= 1
    residual[mask] -= 1
    residual[~mask] += 1
    n_ones = (weight - residual).astype(np.int32)
    edge_values = ((weight - n_ones) / 2).astype(np.float32)
    lengths = n_ones + 2
    return lengths.astype(np.int32), edge_values


_LEN_NP, _EV_NP = _row_tables()


def _moments_kernel(a_ref, b_ref, out_ref):
    ar = a_ref[0, 0].reshape(H // 16, 8, W)
    br = b_ref[0, 0].reshape(H // 16, 8, W)
    s1p = jnp.sum(ar, axis=0) + jnp.sum(br, axis=0)
    s2p = jnp.sum(ar * ar, axis=0) + jnp.sum(br * br, axis=0)
    out_ref[0, 0, 0] = jnp.sum(s1p)
    out_ref[0, 0, 1] = jnp.sum(s2p)


def _sc_kernel(apred, ridx, params, fpars, out, idx_v, par_v, fpar_v, rows_v,
               buf_v, out_v, sem):
    wid = lax.axis_index("s") * 2 + lax.axis_index("c")
    lanes = lax.broadcasted_iota(jnp.int32, (L,), 0)
    zeros_l = jnp.zeros((L,), jnp.float32)

    for z in range(W // L):
        buf_v[NSLOT, pl.ds(z * L, L)] = zeros_l

    def one_sample(b):
        pltpu.sync_copy(ridx.at[b], idx_v)
        pltpu.sync_copy(params.at[b], par_v)
        pltpu.sync_copy(fpars.at[b], fpar_v)
        pltpu.async_copy(apred.at[idx_v], rows_v, sem).wait()

        nsl = par_v[0][3]

        def zrow(r, c):
            def zcol(z, c2):
                buf_v[r, pl.ds(z * L, L)] = zeros_l
                return c2

            return lax.fori_loop(0, W // L, zcol, c, unroll=False)

        lax.fori_loop(0, nsl, zrow, 0, unroll=False)

        def fix_step(f, carry):
            prow = par_v[f]
            left = prow[0]
            kw = prow[1]
            wslot = prow[2]
            frow = fpar_v[f]
            ev = jnp.full((L,), frow[0], jnp.float32)
            chain_vf = jnp.full((L,), frow[1], jnp.float32)
            kw_v = jnp.full((L,), kw, jnp.int32)
            l0 = left & (W - 1)
            l0_v = jnp.full((L,), l0, jnp.int32)

            def chunk_step(c, ccarry):
                cdot, cfm = ccarry
                pos = c * L
                pvec = pos + lanes
                j = (pvec - l0_v) & (W - 1)
                maskf = jnp.where(j < kw_v, 1.0, 0.0)
                aw = rows_v[f, pl.ds(pos, L)]
                raw = buf_v[wslot, pl.ds(pos, L)]
                old = raw * chain_vf * maskf
                val = jnp.where(j == 0, ev,
                                jnp.where(j == kw_v - 1, ev, 1.0))
                delta = (val - old) * maskf
                buf_v[wslot, pl.ds(pos, L)] = val * maskf + raw * (1.0 - maskf)
                return cdot + delta * aw, cfm + delta

            len1 = jnp.minimum(kw, W - l0)
            c_lo = l0 // L
            c_hi = (l0 + len1 + L - 1) // L
            carry2 = lax.fori_loop(c_lo, c_hi, chunk_step, carry,
                                   unroll=False)
            c2_hi = (jnp.maximum(l0 + kw - W, 0) + L - 1) // L
            return lax.fori_loop(0, c2_hi, chunk_step, carry2, unroll=False)

        sdot_acc, sfm_acc = lax.fori_loop(0, F, fix_step, (zeros_l, zeros_l),
                                          unroll=False)
        out_v[pl.ds(0, L)] = sdot_acc
        out_v[pl.ds(L, L)] = sfm_acc
        pltpu.sync_copy(out_v, out.at[pl.ds(b * 2 * L, 2 * L)])

    one_sample(wid * 2)
    one_sample(wid * 2 + 1)


def _sc_fixations(apred_flat, ridx, params, fpars):
    mesh = plsc.VectorSubcoreMesh(core_axis_name="c", subcore_axis_name="s")
    run = functools.partial(
        pl.kernel,
        mesh=mesh,
        out_type=jax.ShapeDtypeStruct((B * 2 * L,), jnp.float32),
        scratch_types=[
            pltpu.VMEM((FPAD,), jnp.int32),
            pltpu.VMEM((F, L), jnp.int32),
            pltpu.VMEM((F, L), jnp.float32),
            pltpu.VMEM((FPAD, W), jnp.float32),
            pltpu.VMEM((NSLOT + 1, W), jnp.float32),
            pltpu.VMEM((2 * L,), jnp.float32),
            pltpu.SemaphoreType.DMA,
        ],
    )(_sc_kernel)
    return run(apred_flat, ridx, params, fpars)


def kernel(y_pred, y_gt):
    tabf = jnp.asarray(np.stack([_LEN_NP.astype(np.float32), _EV_NP], axis=1))

    x_idx = jnp.rint(y_gt[:, :, 0] * (W - 1)).astype(jnp.int32)
    y_idx = jnp.rint(y_gt[:, :, 1] * (H - 1)).astype(jnp.int32)
    g = tabf[y_idx]
    kw = g[:, :, 0].astype(jnp.int32)
    ev = g[:, :, 1]
    left = x_idx - kw // 2
    edge = (y_idx == 0) | (y_idx == H - 1)
    kw = jnp.where(edge, W, kw)
    left = jnp.where(edge, 0, left)
    ev = jnp.where(edge, 1.0, ev)

    jj = jnp.arange(F, dtype=jnp.int32)
    same = y_idx[:, :, None] == y_idx[:, None, :]
    before = jj[None, None, :] < jj[None, :, None]
    has_prev = jnp.any(same & before, axis=2)
    has_next = jnp.any(same & (jj[None, None, :] > jj[None, :, None]), axis=2)
    chained = has_prev | has_next
    chain_first = (chained & jnp.logical_not(has_prev)).astype(jnp.float32)
    first_occ = jnp.min(jnp.where(same & before, jj[None, None, :], F), axis=2)
    first_occ = jnp.minimum(first_occ, jj[None, :])
    occ_le = jnp.where(jj[None, None, :] <= first_occ[:, :, None], 1.0, 0.0)
    slot = jnp.sum(chain_first[:, None, :] * occ_le, axis=2).astype(jnp.int32)
    wslot = jnp.where(chained, slot - 1, NSLOT)
    nslots = jnp.sum(chain_first, axis=1).astype(jnp.int32)
    chainf = jnp.where(chained, 1.0, 0.0)

    params = jnp.stack(
        [left, kw, wslot, jnp.broadcast_to(nslots[:, None], (B, F))], axis=2)
    params = jnp.pad(params, ((0, 0), (0, 0), (0, L - 4)))
    fpars = jnp.pad(jnp.stack([ev, chainf], axis=2),
                    ((0, 0), (0, 0), (0, L - 2)))

    ridx = (jnp.pad(y_idx, ((0, 0), (0, FPAD - F)))
            + jnp.arange(B, dtype=jnp.int32)[:, None] * H)

    apred_flat = y_pred.reshape(B * H, W)
    sc_out = _sc_fixations(apred_flat, ridx, params, fpars).reshape(B, 2, L)

    moments = pl.pallas_call(
        _moments_kernel,
        grid=(B,),
        in_specs=[
            pl.BlockSpec((1, 1, H // 2, W), lambda b: (b, 0, 0, 0)),
            pl.BlockSpec((1, 1, H // 2, W), lambda b: (b, 0, 1, 0)),
        ],
        out_specs=pl.BlockSpec((1, 1, 2), lambda b: (b, 0, 0),
                               memory_space=pltpu.SMEM),
        out_shape=jax.ShapeDtypeStruct((B, 1, 2), jnp.float32),
    )(y_pred, y_pred)

    s1 = moments[:, 0, 0]
    s2 = moments[:, 0, 1]
    sdot = jnp.sum(sc_out[:, 0, :], axis=1)
    sfm = jnp.sum(sc_out[:, 1, :], axis=1)

    mean = s1 / N
    var = (s2 - s1 * s1 / N) / (N - 1)
    std = jnp.sqrt(var)
    denom = std + jnp.where(std < EPS, EPS, 0.0)
    return jnp.mean((sdot - mean * sfm) / (denom * F))

# --- scband reference (transcript-rebuilt; emitter-appended) ---
"""Pipeline reference for scband-spherical-nss-70909910057171 (READ-ONLY COPY).

The authoritative reference and input builder live on the scoring server;
editing this copy changes nothing except your own understanding.
"""

import jax, jax.numpy as jnp
import numpy as np
import math

H, W = 512, 1024
EPS = 1e-05
B, F = 64, 50


def _compute_kernels(h):
    thetas = np.linspace(0.5, h - 0.5, num=h) * math.pi / h
    weight = 1.0 / np.sin(thetas)
    residual = weight % 2
    mask = residual >= 1
    residual[mask] -= 1
    residual[~mask] += 1
    n_ones = (weight - residual).astype(np.int32)
    edge_values = ((weight - n_ones) / 2).astype(np.float32)
    kernels = []
    for size, ev in zip(n_ones, edge_values):
        k = np.ones(int(size) + 2, dtype=np.float32)
        k[0] = ev
        k[-1] = ev
        kernels.append(k)
    return kernels


def _build_fixation_map(y_gt, h, w):
    kernels = _compute_kernels(h)
    maxlen = max(k.shape[0] for k in kernels)
    kernel_table = np.zeros((h, maxlen), dtype=np.float32)
    kernel_lengths = np.zeros((h,), dtype=np.int32)
    for i, k in enumerate(kernels):
        kernel_table[i, : k.shape[0]] = k
        kernel_lengths[i] = k.shape[0]
    K = jnp.asarray(kernel_table)
    L = jnp.asarray(kernel_lengths)
    j = jnp.arange(maxlen)

    def body(fm, fix):
        x = jnp.rint(fix[0] * (w - 1)).astype(jnp.int32)
        y = jnp.rint(fix[1] * (h - 1)).astype(jnp.int32)
        ker = K[y]
        ker_w = L[y]
        left = x - ker_w // 2
        valid = j < ker_w
        pos = jnp.where(valid, (left + j) % w, w)
        row = fm[y]
        new_row = row.at[pos].set(ker, mode="drop")
        edge = (y == 0) | (y == h - 1)
        new_row = jnp.where(edge, jnp.ones_like(new_row), new_row)
        fm = fm.at[y].set(new_row)
        return fm, None

    def per_sample(fixations):
        fm0 = jnp.zeros((h, w), dtype=jnp.float32)
        fm, _ = jax.lax.scan(body, fm0, fixations)
        return fm

    fmap = jax.vmap(per_sample)(y_gt)
    return fmap[:, None, :, :]


def _normalize_batch(x, eps=1e-05):
    mean = jnp.mean(x, axis=(1, 2, 3)).reshape((-1, 1, 1, 1))
    std = jnp.std(x, axis=(1, 2, 3), ddof=1).reshape((-1, 1, 1, 1))
    res = jnp.where(std < eps, eps, 0.0)
    return (x - mean) / (std + res)


def setup_inputs(seed: int = 0) -> dict:
    key = jax.random.key(seed)
    k1, k2 = jax.random.split(key)
    y_pred = jax.random.normal(k1, (B, 1, H, W), dtype=jnp.float32)
    y_gt = jax.random.uniform(k2, (B, F, 2), dtype=jnp.float32)
    return {"y_pred": y_pred, "y_gt": y_gt}


def reference(y_pred, y_gt):
    fmap = _build_fixation_map(y_gt, H, W)
    num_fixations = float(y_gt.shape[1])  # F > eps for all samples
    y = _normalize_batch(y_pred, EPS)
    return jnp.mean(jnp.sum(y * fmap, axis=(1, 2, 3)) / num_fixations)

if __name__ == "__main__":
    import jax
    _d = setup_inputs()
    print(jax.jit(kernel)(*tuple(_d.values())))

</pallas_src>

<mosaic_0001>
#map = affine_map<(d0, d1) -> (0, 0)>
#map1 = affine_map<(d0, d1) -> (0, 0, 0)>
#map2 = affine_map<(d0, d1) -> (0)>
module attributes {stable_mosaic.version = 14 : i64} {
  func.func @_sc_kernel(%arg0: i32, %arg1: i32, %arg2: memref<32768x1024xf32, #tpu.memory_space<hbm>>, %arg3: memref<64x56xi32, #tpu.memory_space<hbm>>, %arg4: memref<64x50x16xi32, #tpu.memory_space<hbm>>, %arg5: memref<64x50x16xf32, #tpu.memory_space<hbm>>, %arg6: memref<2048xf32, #tpu.memory_space<hbm>>, %arg7: memref<56xi32, #tpu.memory_space<vmem>>, %arg8: memref<50x16xi32, #tpu.memory_space<vmem>>, %arg9: memref<50x16xf32, #tpu.memory_space<vmem>>, %arg10: memref<56x1024xf32, #tpu.memory_space<vmem>>, %arg11: memref<26x1024xf32, #tpu.memory_space<vmem>>, %arg12: memref<32xf32, #tpu.memory_space<vmem>>, %arg13: memref<!tpu.dma_semaphore, #tpu.memory_space<semaphore_mem>>) attributes {dimension_semantics = [#tpu.dimension_semantics<core_parallel>, #tpu.dimension_semantics<subcore_parallel>], iteration_bounds = array<i64: 2, 16>, scalar_prefetch = 0 : i64, scratch_operands = 7 : i64, tpu.core_type = #tpu.core_type<sc_vector_subcore>, window_params = [{transform_indices = #map}, {transform_indices = #map}, {transform_indices = #map1}, {transform_indices = #map1}, {transform_indices = #map2}]} {
    %mul3A = arith.constant 2 : i32
    %mul3A_0 = arith.muli %arg1, %mul3A : i32
    %add3A = arith.addi %mul3A_0, %arg0 : i32
    %iota3A = tpu.iota {dimensions = array<i32: 0>} : vector<16xi32>
    %broadcast_in_dim3A = arith.constant 0.000000e+00 : f32
    %broadcast_in_dim3A_1 = vector.broadcast %broadcast_in_dim3A : f32 to vector<16xf32>
    %swap3A = arith.constant 25 : i32
    %swap3A_2 = arith.index_cast %swap3A : i32 to index
    %swap3A_3 = arith.constant 0 : index
    %swap3A_4 = tpu.vector_load %arg11[%swap3A_2, %swap3A_3] {strides = array<i32>} : memref<26x1024xf32, #tpu.memory_space<vmem>>, vector<1x16xf32>,
    %swap3A_5 = vector.shape_cast %swap3A_4 : vector<1x16xf32> to vector<16xf32>
    %swap3A_6 = vector.shape_cast %broadcast_in_dim3A_1 : vector<16xf32> to vector<1x16xf32>
    tpu.vector_store %arg11[%swap3A_2, %swap3A_3], %swap3A_6 {strides = array<i32>} : memref<26x1024xf32, #tpu.memory_space<vmem>>, vector<1x16xf32>,
    %swap3A_7 = arith.constant 25 : i32
    %swap3A_8 = arith.index_cast %swap3A_7 : i32 to index
    %swap3A_9 = arith.constant 16 : index
    %swap3A_10 = tpu.vector_load %arg11[%swap3A_8, %swap3A_9] {strides = array<i32>} : memref<26x1024xf32, #tpu.memory_space<vmem>>, vector<1x16xf32>,
    %swap3A_11 = vector.shape_cast %swap3A_10 : vector<1x16xf32> to vector<16xf32>
    %swap3A_12 = vector.shape_cast %broadcast_in_dim3A_1 : vector<16xf32> to vector<1x16xf32>
    tpu.vector_store %arg11[%swap3A_8, %swap3A_9], %swap3A_12 {strides = array<i32>} : memref<26x1024xf32, #tpu.memory_space<vmem>>, vector<1x16xf32>,
    %swap3A_13 = arith.constant 25 : i32
    %swap3A_14 = arith.index_cast %swap3A_13 : i32 to index
    %swap3A_15 = arith.constant 32 : index
    %swap3A_16 = tpu.vector_load %arg11[%swap3A_14, %swap3A_15] {strides = array<i32>} : memref<26x1024xf32, #tpu.memory_space<vmem>>, vector<1x16xf32>,
    %swap3A_17 = vector.shape_cast %swap3A_16 : vector<1x16xf32> to vector<16xf32>
    %swap3A_18 = vector.shape_cast %broadcast_in_dim3A_1 : vector<16xf32> to vector<1x16xf32>
    tpu.vector_store %arg11[%swap3A_14, %swap3A_15], %swap3A_18 {strides = array<i32>} : memref<26x1024xf32, #tpu.memory_space<vmem>>, vector<1x16xf32>,
    %swap3A_19 = arith.constant 25 : i32
    %swap3A_20 = arith.index_cast %swap3A_19 : i32 to index
    %swap3A_21 = arith.constant 48 : index
    %swap3A_22 = tpu.vector_load %arg11[%swap3A_20, %swap3A_21] {strides = array<i32>} : memref<26x1024xf32, #tpu.memory_space<vmem>>, vector<1x16xf32>,
    %swap3A_23 = vector.shape_cast %swap3A_22 : vector<1x16xf32> to vector<16xf32>
    %swap3A_24 = vector.shape_cast %broadcast_in_dim3A_1 : vector<16xf32> to vector<1x16xf32>
    tpu.vector_store %arg11[%swap3A_20, %swap3A_21], %swap3A_24 {strides = array<i32>} : memref<26x1024xf32, #tpu.memory_space<vmem>>, vector<1x16xf32>,
    %swap3A_25 = arith.constant 25 : i32
    %swap3A_26 = arith.index_cast %swap3A_25 : i32 to index
    %swap3A_27 = arith.constant 64 : index
    %swap3A_28 = tpu.vector_load %arg11[%swap3A_26, %swap3A_27] {strides = array<i32>} : memref<26x1024xf32, #tpu.memory_space<vmem>>, vector<1x16xf32>,
    %swap3A_29 = vector.shape_cast %swap3A_28 : vector<1x16xf32> to vector<16xf32>
    %swap3A_30 = vector.shape_cast %broadcast_in_dim3A_1 : vector<16xf32> to vector<1x16xf32>
    tpu.vector_store %arg11[%swap3A_26, %swap3A_27], %swap3A_30 {strides = array<i32>} : memref<26x1024xf32, #tpu.memory_space<vmem>>, vector<1x16xf32>,
    %swap3A_31 = arith.constant 25 : i32
    %swap3A_32 = arith.index_cast %swap3A_31 : i32 to index
    %swap3A_33 = arith.constant 80 : index
    %swap3A_34 = tpu.vector_load %arg11[%swap3A_32, %swap3A_33] {strides = array<i32>} : memref<26x1024xf32, #tpu.memory_space<vmem>>, vector<1x16xf32>,
    %swap3A_35 = vector.shape_cast %swap3A_34 : vector<1x16xf32> to vector<16xf32>
    %swap3A_36 = vector.shape_cast %broadcast_in_dim3A_1 : vector<16xf32> to vector<1x16xf32>
    tpu.vector_store %arg11[%swap3A_32, %swap3A_33], %swap3A_36 {strides = array<i32>} : memref<26x1024xf32, #tpu.memory_space<vmem>>, vector<1x16xf32>,
    %swap3A_37 = arith.constant 25 : i32
    %swap3A_38 = arith.index_cast %swap3A_37 : i32 to index
    %swap3A_39 = arith.constant 96 : index
    %swap3A_40 = tpu.vector_load %arg11[%swap3A_38, %swap3A_39] {strides = array<i32>} : memref<26x1024xf32, #tpu.memory_space<vmem>>, vector<1x16xf32>,
    %swap3A_41 = vector.shape_cast %swap3A_40 : vector<1x16xf32> to vector<16xf32>
    %swap3A_42 = vector.shape_cast %broadcast_in_dim3A_1 : vector<16xf32> to vector<1x16xf32>
    tpu.vector_store %arg11[%swap3A_38, %swap3A_39], %swap3A_42 {strides = array<i32>} : memref<26x1024xf32, #tpu.memory_space<vmem>>, vector<1x16xf32>,
    %swap3A_43 = arith.constant 25 : i32
    %swap3A_44 = arith.index_cast %swap3A_43 : i32 to index
    %swap3A_45 = arith.constant 112 : index
    %swap3A_46 = tpu.vector_load %arg11[%swap3A_44, %swap3A_45] {strides = array<i32>} : memref<26x1024xf32, #tpu.memory_space<vmem>>, vector<1x16xf32>,
    %swap3A_47 = vector.shape_cast %swap3A_46 : vector<1x16xf32> to vector<16xf32>
    %swap3A_48 = vector.shape_cast %broadcast_in_dim3A_1 : vector<16xf32> to vector<1x16xf32>
    tpu.vector_store %arg11[%swap3A_44, %swap3A_45], %swap3A_48 {strides = array<i32>} : memref<26x1024xf32, #tpu.memory_space<vmem>>, vector<1x16xf32>,
    %swap3A_49 = arith.constant 25 : i32
    %swap3A_50 = arith.index_cast %swap3A_49 : i32 to index
    %swap3A_51 = arith.constant 128 : index
    %swap3A_52 = tpu.vector_load %arg11[%swap3A_50, %swap3A_51] {strides = array<i32>} : memref<26x1024xf32, #tpu.memory_space<vmem>>, vector<1x16xf32>,
    %swap3A_53 = vector.shape_cast %swap3A_52 : vector<1x16xf32> to vector<16xf32>
    %swap3A_54 = vector.shape_cast %broadcast_in_dim3A_1 : vector<16xf32> to vector<1x16xf32>
    tpu.vector_store %arg11[%swap3A_50, %swap3A_51], %swap3A_54 {strides = array<i32>} : memref<26x1024xf32, #tpu.memory_space<vmem>>, vector<1x16xf32>,
    %swap3A_55 = arith.constant 25 : i32
    %swap3A_56 = arith.index_cast %swap3A_55 : i32 to index
    %swap3A_57 = arith.constant 144 : index
    %swap3A_58 = tpu.vector_load %arg11[%swap3A_56, %swap3A_57] {strides = array<i32>} : memref<26x1024xf32, #tpu.memory_space<vmem>>, vector<1x16xf32>,
    %swap3A_59 = vector.shape_cast %swap3A_58 : vector<1x16xf32> to vector<16xf32>
    %swap3A_60 = vector.shape_cast %broadcast_in_dim3A_1 : vector<16xf32> to vector<1x16xf32>
    tpu.vector_store %arg11[%swap3A_56, %swap3A_57], %swap3A_60 {strides = array<i32>} : memref<26x1024xf32, #tpu.memory_space<vmem>>, vector<1x16xf32>,
    %swap3A_61 = arith.constant 25 : i32
    %swap3A_62 = arith.index_cast %swap3A_61 : i32 to index
    %swap3A_63 = arith.constant 160 : index
    %swap3A_64 = tpu.vector_load %arg11[%swap3A_62, %swap3A_63] {strides = array<i32>} : memref<26x1024xf32, #tpu.memory_space<vmem>>, vector<1x16xf32>,
    %swap3A_65 = vector.shape_cast %swap3A_64 : vector<1x16xf32> to vector<16xf32>
    %swap3A_66 = vector.shape_cast %broadcast_in_dim3A_1 : vector<16xf32> to vector<1x16xf32>
    tpu.vector_store %arg11[%swap3A_62, %swap3A_63], %swap3A_66 {strides = array<i32>} : memref<26x1024xf32, #tpu.memory_space<vmem>>, vector<1x16xf32>,
    %swap3A_67 = arith.constant 25 : i32
    %swap3A_68 = arith.index_cast %swap3A_67 : i32 to index
    %swap3A_69 = arith.constant 176 : index
    %swap3A_70 = tpu.vector_load %arg11[%swap3A_68, %swap3A_69] {strides = array<i32>} : memref<26x1024xf32, #tpu.memory_space<vmem>>, vector<1x16xf32>,
    %swap3A_71 = vector.shape_cast %swap3A_70 : vector<1x16xf32> to vector<16xf32>
    %swap3A_72 = vector.shape_cast %broadcast_in_dim3A_1 : vector<16xf32> to vector<1x16xf32>
    tpu.vector_store %arg11[%swap3A_68, %swap3A_69], %swap3A_72 {strides = array<i32>} : memref<26x1024xf32, #tpu.memory_space<vmem>>, vector<1x16xf32>,
    %swap3A_73 = arith.constant 25 : i32
    %swap3A_74 = arith.index_cast %swap3A_73 : i32 to index
    %swap3A_75 = arith.constant 192 : index
    %swap3A_76 = tpu.vector_load %arg11[%swap3A_74, %swap3A_75] {strides = array<i32>} : memref<26x1024xf32, #tpu.memory_space<vmem>>, vector<1x16xf32>,
    %swap3A_77 = vector.shape_cast %swap3A_76 : vector<1x16xf32> to vector<16xf32>
    %swap3A_78 = vector.shape_cast %broadcast_in_dim3A_1 : vector<16xf32> to vector<1x16xf32>
    tpu.vector_store %arg11[%swap3A_74, %swap3A_75], %swap3A_78 {strides = array<i32>} : memref<26x1024xf32, #tpu.memory_space<vmem>>, vector<1x16xf32>,
    %swap3A_79 = arith.constant 25 : i32
    %swap3A_80 = arith.index_cast %swap3A_79 : i32 to index
    %swap3A_81 = arith.constant 208 : index
    %swap3A_82 = tpu.vector_load %arg11[%swap3A_80, %swap3A_81] {strides = array<i32>} : memref<26x1024xf32, #tpu.memory_space<vmem>>, vector<1x16xf32>,
    %swap3A_83 = vector.shape_cast %swap3A_82 : vector<1x16xf32> to vector<16xf32>
    %swap3A_84 = vector.shape_cast %broadcast_in_dim3A_1 : vector<16xf32> to vector<1x16xf32>
    tpu.vector_store %arg11[%swap3A_80, %swap3A_81], %swap3A_84 {strides = array<i32>} : memref<26x1024xf32, #tpu.memory_space<vmem>>, vector<1x16xf32>,
    %swap3A_85 = arith.constant 25 : i32
    %swap3A_86 = arith.index_cast %swap3A_85 : i32 to index
    %swap3A_87 = arith.constant 224 : index
    %swap3A_88 = tpu.vector_load %arg11[%swap3A_86, %swap3A_87] {strides = array<i32>} : memref<26x1024xf32, #tpu.memory_space<vmem>>, vector<1x16xf32>,
    %swap3A_89 = vector.shape_cast %swap3A_88 : vector<1x16xf32> to vector<16xf32>
    %swap3A_90 = vector.shape_cast %broadcast_in_dim3A_1 : vector<16xf32> to vector<1x16xf32>
    tpu.vector_store %arg11[%swap3A_86, %swap3A_87], %swap3A_90 {strides = array<i32>} : memref<26x1024xf32, #tpu.memory_space<vmem>>, vector<1x16xf32>,
    %swap3A_91 = arith.constant 25 : i32
    %swap3A_92 = arith.index_cast %swap3A_91 : i32 to index
    %swap3A_93 = arith.constant 240 : index
    %swap3A_94 = tpu.vector_load %arg11[%swap3A_92, %swap3A_93] {strides = array<i32>} : memref<26x1024xf32, #tpu.memory_space<vmem>>, vector<1x16xf32>,
    %swap3A_95 = vector.shape_cast %swap3A_94 : vector<1x16xf32> to vector<16xf32>
    %swap3A_96 = vector.shape_cast %broadcast_in_dim3A_1 : vector<16xf32> to vector<1x16xf32>
    tpu.vector_store %arg11[%swap3A_92, %swap3A_93], %swap3A_96 {strides = array<i32>} : memref<26x1024xf32, #tpu.memory_space<vmem>>, vector<1x16xf32>,
    %swap3A_97 = arith.constant 25 : i32
    %swap3A_98 = arith.index_cast %swap3A_97 : i32 to index
    %swap3A_99 = arith.constant 256 : index
    %swap3A_100 = tpu.vector_load %arg11[%swap3A_98, %swap3A_99] {strides = array<i32>} : memref<26x1024xf32, #tpu.memory_space<vmem>>, vector<1x16xf32>,
    %swap3A_101 = vector.shape_cast %swap3A_100 : vector<1x16xf32> to vector<16xf32>
    %swap3A_102 = vector.shape_cast %broadcast_in_dim3A_1 : vector<16xf32> to vector<1x16xf32>
    tpu.vector_store %arg11[%swap3A_98, %swap3A_99], %swap3A_102 {strides = array<i32>} : memref<26x1024xf32, #tpu.memory_space<vmem>>, vector<1x16xf32>,
    %swap3A_103 = arith.constant 25 : i32
    %swap3A_104 = arith.index_cast %swap3A_103 : i32 to index
    %swap3A_105 = arith.constant 272 : index
    %swap3A_106 = tpu.vector_load %arg11[%swap3A_104, %swap3A_105] {strides = array<i32>} : memref<26x1024xf32, #tpu.memory_space<vmem>>, vector<1x16xf32>,
    %swap3A_107 = vector.shape_cast %swap3A_106 : vector<1x16xf32> to vector<16xf32>
    %swap3A_108 = vector.shape_cast %broadcast_in_dim3A_1 : vector<16xf32> to vector<1x16xf32>
    tpu.vector_store %arg11[%swap3A_104, %swap3A_105], %swap3A_108 {strides = array<i32>} : memref<26x1024xf32, #tpu.memory_space<vmem>>, vector<1x16xf32>,
    %swap3A_109 = arith.constant 25 : i32
    %swap3A_110 = arith.index_cast %swap3A_109 : i32 to index
    %swap3A_111 = arith.constant 288 : index
    %swap3A_112 = tpu.vector_load %arg11[%swap3A_110, %swap3A_111] {strides = array<i32>} : memref<26x1024xf32, #tpu.memory_space<vmem>>, vector<1x16xf32>,
    %swap3A_113 = vector.shape_cast %swap3A_112 : vector<1x16xf32> to vector<16xf32>
    %swap3A_114 = vector.shape_cast %broadcast_in_dim3A_1 : vector<16xf32> to vector<1x16xf32>
    tpu.vector_store %arg11[%swap3A_110, %swap3A_111], %swap3A_114 {strides = array<i32>} : memref<26x1024xf32, #tpu.memory_space<vmem>>, vector<1x16xf32>,
    %swap3A_115 = arith.constant 25 : i32
    %swap3A_116 = arith.index_cast %swap3A_115 : i32 to index
    %swap3A_117 = arith.constant 304 : index
    %swap3A_118 = tpu.vector_load %arg11[%swap3A_116, %swap3A_117] {strides = array<i32>} : memref<26x1024xf32, #tpu.memory_space<vmem>>, vector<1x16xf32>,
    %swap3A_119 = vector.shape_cast %swap3A_118 : vector<1x16xf32> to vector<16xf32>
    %swap3A_120 = vector.shape_cast %broadcast_in_dim3A_1 : vector<16xf32> to vector<1x16xf32>
    tpu.vector_store %arg11[%swap3A_116, %swap3A_117], %swap3A_120 {strides = array<i32>} : memref<26x1024xf32, #tpu.memory_space<vmem>>, vector<1x16xf32>,
    %swap3A_121 = arith.constant 25 : i32
    %swap3A_122 = arith.index_cast %swap3A_121 : i32 to index
    %swap3A_123 = arith.constant 320 : index
    %swap3A_124 = tpu.vector_load %arg11[%swap3A_122, %swap3A_123] {strides = array<i32>} : memref<26x1024xf32, #tpu.memory_space<vmem>>, vector<1x16xf32>,
    %swap3A_125 = vector.shape_cast %swap3A_124 : vector<1x16xf32> to vector<16xf32>
    %swap3A_126 = vector.shape_cast %broadcast_in_dim3A_1 : vector<16xf32> to vector<1x16xf32>
    tpu.vector_store %arg11[%swap3A_122, %swap3A_123], %swap3A_126 {strides = array<i32>} : memref<26x1024xf32, #tpu.memory_space<vmem>>, vector<1x16xf32>,
    %swap3A_127 = arith.constant 25 : i32
    %swap3A_128 = arith.index_cast %swap3A_127 : i32 to index
    %swap3A_129 = arith.constant 336 : index
    %swap3A_130 = tpu.vector_load %arg11[%swap3A_128, %swap3A_129] {strides = array<i32>} : memref<26x1024xf32, #tpu.memory_space<vmem>>, vector<1x16xf32>,
    %swap3A_131 = vector.shape_cast %swap3A_130 : vector<1x16xf32> to vector<16xf32>
    %swap3A_132 = vector.shape_cast %broadcast_in_dim3A_1 : vector<16xf32> to vector<1x16xf32>
    tpu.vector_store %arg11[%swap3A_128, %swap3A_129], %swap3A_132 {strides = array<i32>} : memref<26x1024xf32, #tpu.memory_space<vmem>>, vector<1x16xf32>,
    %swap3A_133 = arith.constant 25 : i32
    %swap3A_134 = arith.index_cast %swap3A_133 : i32 to index
    %swap3A_135 = arith.constant 352 : index
    %swap3A_136 = tpu.vector_load %arg11[%swap3A_134, %swap3A_135] {strides = array<i32>} : memref<26x1024xf32, #tpu.memory_space<vmem>>, vector<1x16xf32>,
    %swap3A_137 = vector.shape_cast %swap3A_136 : vector<1x16xf32> to vector<16xf32>
    %swap3A_138 = vector.shape_cast %broadcast_in_dim3A_1 : vector<16xf32> to vector<1x16xf32>
    tpu.vector_store %arg11[%swap3A_134, %swap3A_135], %swap3A_138 {strides = array<i32>} : memref<26x1024xf32, #tpu.memory_space<vmem>>, vector<1x16xf32>,
    %swap3A_139 = arith.constant 25 : i32
    %swap3A_140 = arith.index_cast %swap3A_139 : i32 to index
    %swap3A_141 = arith.constant 368 : index
    %swap3A_142 = tpu.vector_load %arg11[%swap3A_140, %swap3A_141] {strides = array<i32>} : memref<26x1024xf32, #tpu.memory_space<vmem>>, vector<1x16xf32>,
    %swap3A_143 = vector.shape_cast %swap3A_142 : vector<1x16xf32> to vector<16xf32>
    %swap3A_144 = vector.shape_cast %broadcast_in_dim3A_1 : vector<16xf32> to vector<1x16xf32>
    tpu.vector_store %arg11[%swap3A_140, %swap3A_141], %swap3A_144 {strides = array<i32>} : memref<26x1024xf32, #tpu.memory_space<vmem>>, vector<1x16xf32>,
    %swap3A_145 = arith.constant 25 : i32
    %swap3A_146 = arith.index_cast %swap3A_145 : i32 to index
    %swap3A_147 = arith.constant 384 : index
    %swap3A_148 = tpu.vector_load %arg11[%swap3A_146, %swap3A_147] {strides = array<i32>} : memref<26x1024xf32, #tpu.memory_space<vmem>>, vector<1x16xf32>,
    %swap3A_149 = vector.shape_cast %swap3A_148 : vector<1x16xf32> to vector<16xf32>
    %swap3A_150 = vector.shape_cast %broadcast_in_dim3A_1 : vector<16xf32> to vector<1x16xf32>
    tpu.vector_store %arg11[%swap3A_146, %swap3A_147], %swap3A_150 {strides = array<i32>} : memref<26x1024xf32, #tpu.memory_space<vmem>>, vector<1x16xf32>,
    %swap3A_151 = arith.constant 25 : i32
    %swap3A_152 = arith.index_cast %swap3A_151 : i32 to index
    %swap3A_153 = arith.constant 400 : index
    %swap3A_154 = tpu.vector_load %arg11[%swap3A_152, %swap3A_153] {strides = array<i32>} : memref<26x1024xf32, #tpu.memory_space<vmem>>, vector<1x16xf32>,
    %swap3A_155 = vector.shape_cast %swap3A_154 : vector<1x16xf32> to vector<16xf32>
    %swap3A_156 = vector.shape_cast %broadcast_in_dim3A_1 : vector<16xf32> to vector<1x16xf32>
    tpu.vector_store %arg11[%swap3A_152, %swap3A_153], %swap3A_156 {strides = array<i32>} : memref<26x1024xf32, #tpu.memory_space<vmem>>, vector<1x16xf32>,
    %swap3A_157 = arith.constant 25 : i32
    %swap3A_158 = arith.index_cast %swap3A_157 : i32 to index
    %swap3A_159 = arith.constant 416 : index
    %swap3A_160 = tpu.vector_load %arg11[%swap3A_158, %swap3A_159] {strides = array<i32>} : memref<26x1024xf32, #tpu.memory_space<vmem>>, vector<1x16xf32>,
    %swap3A_161 = vector.shape_cast %swap3A_160 : vector<1x16xf32> to vector<16xf32>
    %swap3A_162 = vector.shape_cast %broadcast_in_dim3A_1 : vector<16xf32> to vector<1x16xf32>
    tpu.vector_store %arg11[%swap3A_158, %swap3A_159], %swap3A_162 {strides = array<i32>} : memref<26x1024xf32, #tpu.memory_space<vmem>>, vector<1x16xf32>,
    %swap3A_163 = arith.constant 25 : i32
    %swap3A_164 = arith.index_cast %swap3A_163 : i32 to index
    %swap3A_165 = arith.constant 432 : index
    %swap3A_166 = tpu.vector_load %arg11[%swap3A_164, %swap3A_165] {strides = array<i32>} : memref<26x1024xf32, #tpu.memory_space<vmem>>, vector<1x16xf32>,
    %swap3A_167 = vector.shape_cast %swap3A_166 : vector<1x16xf32> to vector<16xf32>
    %swap3A_168 = vector.shape_cast %broadcast_in_dim3A_1 : vector<16xf32> to vector<1x16xf32>
    tpu.vector_store %arg11[%swap3A_164, %swap3A_165], %swap3A_168 {strides = array<i32>} : memref<26x1024xf32, #tpu.memory_space<vmem>>, vector<1x16xf32>,
    %swap3A_169 = arith.constant 25 : i32
    %swap3A_170 = arith.index_cast %swap3A_169 : i32 to index
    %swap3A_171 = arith.constant 448 : index
    %swap3A_172 = tpu.vector_load %arg11[%swap3A_170, %swap3A_171] {strides = array<i32>} : memref<26x1024xf32, #tpu.memory_space<vmem>>, vector<1x16xf32>,
    %swap3A_173 = vector.shape_cast %swap3A_172 : vector<1x16xf32> to vector<16xf32>
    %swap3A_174 = vector.shape_cast %broadcast_in_dim3A_1 : vector<16xf32> to vector<1x16xf32>
    tpu.vector_store %arg11[%swap3A_170, %swap3A_171], %swap3A_174 {strides = array<i32>} : memref<26x1024xf32, #tpu.memory_space<vmem>>, vector<1x16xf32>,
    %swap3A_175 = arith.constant 25 : i32
    %swap3A_176 = arith.index_cast %swap3A_175 : i32 to index
    %swap3A_177 = arith.constant 464 : index
    %swap3A_178 = tpu.vector_load %arg11[%swap3A_176, %swap3A_177] {strides = array<i32>} : memref<26x1024xf32, #tpu.memory_space<vmem>>, vector<1x16xf32>,
    %swap3A_179 = vector.shape_cast %swap3A_178 : vector<1x16xf32> to vector<16xf32>
    %swap3A_180 = vector.shape_cast %broadcast_in_dim3A_1 : vector<16xf32> to vector<1x16xf32>
    tpu.vector_store %arg11[%swap3A_176, %swap3A_177], %swap3A_180 {strides = array<i32>} : memref<26x1024xf32, #tpu.memory_space<vmem>>, vector<1x16xf32>,
    %swap3A_181 = arith.constant 25 : i32
    %swap3A_182 = arith.index_cast %swap3A_181 : i32 to index
    %swap3A_183 = arith.constant 480 : index
    %swap3A_184 = tpu.vector_load %arg11[%swap3A_182, %swap3A_183] {strides = array<i32>} : memref<26x1024xf32, #tpu.memory_space<vmem>>, vector<1x16xf32>,
    %swap3A_185 = vector.shape_cast %swap3A_184 : vector<1x16xf32> to vector<16xf32>
    %swap3A_186 = vector.shape_cast %broadcast_in_dim3A_1 : vector<16xf32> to vector<1x16xf32>
    tpu.vector_store %arg11[%swap3A_182, %swap3A_183], %swap3A_186 {strides = array<i32>} : memref<26x1024xf32, #tpu.memory_space<vmem>>, vector<1x16xf32>,
    %swap3A_187 = arith.constant 25 : i32
    %swap3A_188 = arith.index_cast %swap3A_187 : i32 to index
    %swap3A_189 = arith.constant 496 : index
    %swap3A_190 = tpu.vector_load %arg11[%swap3A_188, %swap3A_189] {strides = array<i32>} : memref<26x1024xf32, #tpu.memory_space<vmem>>, vector<1x16xf32>,
    %swap3A_191 = vector.shape_cast %swap3A_190 : vector<1x16xf32> to vector<16xf32>
    %swap3A_192 = vector.shape_cast %broadcast_in_dim3A_1 : vector<16xf32> to vector<1x16xf32>
    tpu.vector_store %arg11[%swap3A_188, %swap3A_189], %swap3A_192 {strides = array<i32>} : memref<26x1024xf32, #tpu.memory_space<vmem>>, vector<1x16xf32>,
    %swap3A_193 = arith.constant 25 : i32
    %swap3A_194 = arith.index_cast %swap3A_193 : i32 to index
    %swap3A_195 = arith.constant 512 : index
    %swap3A_196 = tpu.vector_load %arg11[%swap3A_194, %swap3A_195] {strides = array<i32>} : memref<26x1024xf32, #tpu.memory_space<vmem>>, vector<1x16xf32>,
    %swap3A_197 = vector.shape_cast %swap3A_196 : vector<1x16xf32> to vector<16xf32>
    %swap3A_198 = vector.shape_cast %broadcast_in_dim3A_1 : vector<16xf32> to vector<1x16xf32>
    tpu.vector_store %arg11[%swap3A_194, %swap3A_195], %swap3A_198 {strides = array<i32>} : memref<26x1024xf32, #tpu.memory_space<vmem>>, vector<1x16xf32>,
    %swap3A_199 = arith.constant 25 : i32
    %swap3A_200 = arith.index_cast %swap3A_199 : i32 to index
    %swap3A_201 = arith.constant 528 : index
    %swap3A_202 = tpu.vector_load %arg11[%swap3A_200, %swap3A_201] {strides = array<i32>} : memref<26x1024xf32, #tpu.memory_space<vmem>>, vector<1x16xf32>,
    %swap3A_203 = vector.shape_cast %swap3A_202 : vector<1x16xf32> to vector<16xf32>
    %swap3A_204 = vector.shape_cast %broadcast_in_dim3A_1 : vector<16xf32> to vector<1x16xf32>
    tpu.vector_store %arg11[%swap3A_200, %swap3A_201], %swap3A_204 {strides = array<i32>} : memref<26x1024xf32, #tpu.memory_space<vmem>>, vector<1x16xf32>,
    %swap3A_205 = arith.constant 25 : i32
    %swap3A_206 = arith.index_cast %swap3A_205 : i32 to index
    %swap3A_207 = arith.constant 544 : index
    %swap3A_208 = tpu.vector_load %arg11[%swap3A_206, %swap3A_207] {strides = array<i32>} : memref<26x1024xf32, #tpu.memory_space<vmem>>, vector<1x16xf32>,
    %swap3A_209 = vector.shape_cast %swap3A_208 : vector<1x16xf32> to vector<16xf32>
    %swap3A_210 = vector.shape_cast %broadcast_in_dim3A_1 : vector<16xf32> to vector<1x16xf32>
    tpu.vector_store %arg11[%swap3A_206, %swap3A_207], %swap3A_210 {strides = array<i32>} : memref<26x1024xf32, #tpu.memory_space<vmem>>, vector<1x16xf32>,
    %swap3A_211 = arith.constant 25 : i32
    %swap3A_212 = arith.index_cast %swap3A_211 : i32 to index
    %swap3A_213 = arith.constant 560 : index
    %swap3A_214 = tpu.vector_load %arg11[%swap3A_212, %swap3A_213] {strides = array<i32>} : memref<26x1024xf32, #tpu.memory_space<vmem>>, vector<1x16xf32>,
    %swap3A_215 = vector.shape_cast %swap3A_214 : vector<1x16xf32> to vector<16xf32>
    %swap3A_216 = vector.shape_cast %broadcast_in_dim3A_1 : vector<16xf32> to vector<1x16xf32>
    tpu.vector_store %arg11[%swap3A_212, %swap3A_213], %swap3A_216 {strides = array<i32>} : memref<26x1024xf32, #tpu.memory_space<vmem>>, vector<1x16xf32>,
    %swap3A_217 = arith.constant 25 : i32
    %swap3A_218 = arith.index_cast %swap3A_217 : i32 to index
    %swap3A_219 = arith.constant 576 : index
    %swap3A_220 = tpu.vector_load %arg11[%swap3A_218, %swap3A_219] {strides = array<i32>} : memref<26x1024xf32, #tpu.memory_space<vmem>>, vector<1x16xf32>,
    %swap3A_221 = vector.shape_cast %swap3A_220 : vector<1x16xf32> to vector<16xf32>
    %swap3A_222 = vector.shape_cast %broadcast_in_dim3A_1 : vector<16xf32> to vector<1x16xf32>
    tpu.vector_store %arg11[%swap3A_218, %swap3A_219], %swap3A_222 {strides = array<i32>} : memref<26x1024xf32, #tpu.memory_space<vmem>>, vector<1x16xf32>,
    %swap3A_223 = arith.constant 25 : i32
    %swap3A_224 = arith.index_cast %swap3A_223 : i32 to index
    %swap3A_225 = arith.constant 592 : index
    %swap3A_226 = tpu.vector_load %arg11[%swap3A_224, %swap3A_225] {strides = array<i32>} : memref<26x1024xf32, #tpu.memory_space<vmem>>, vector<1x16xf32>,
    %swap3A_227 = vector.shape_cast %swap3A_226 : vector<1x16xf32> to vector<16xf32>
    %swap3A_228 = vector.shape_cast %broadcast_in_dim3A_1 : vector<16xf32> to vector<1x16xf32>
    tpu.vector_store %arg11[%swap3A_224, %swap3A_225], %swap3A_228 {strides = array<i32>} : memref<26x1024xf32, #tpu.memory_space<vmem>>, vector<1x16xf32>,
    %swap3A_229 = arith.constant 25 : i32
    %swap3A_230 = arith.index_cast %swap3A_229 : i32 to index
    %swap3A_231 = arith.constant 608 : index
    %swap3A_232 = tpu.vector_load %arg11[%swap3A_230, %swap3A_231] {strides = array<i32>} : memref<26x1024xf32, #tpu.memory_space<vmem>>, vector<1x16xf32>,
    %swap3A_233 = vector.shape_cast %swap3A_232 : vector<1x16xf32> to vector<16xf32>
    %swap3A_234 = vector.shape_cast %broadcast_in_dim3A_1 : vector<16xf32> to vector<1x16xf32>
    tpu.vector_store %arg11[%swap3A_230, %swap3A_231], %swap3A_234 {strides = array<i32>} : memref<26x1024xf32, #tpu.memory_space<vmem>>, vector<1x16xf32>,
    %swap3A_235 = arith.constant 25 : i32
    %swap3A_236 = arith.index_cast %swap3A_235 : i32 to index
    %swap3A_237 = arith.constant 624 : index
    %swap3A_238 = tpu.vector_load %arg11[%swap3A_236, %swap3A_237] {strides = array<i32>} : memref<26x1024xf32, #tpu.memory_space<vmem>>, vector<1x16xf32>,
    %swap3A_239 = vector.shape_cast %swap3A_238 : vector<1x16xf32> to vector<16xf32>
    %swap3A_240 = vector.shape_cast %broadcast_in_dim3A_1 : vector<16xf32> to vector<1x16xf32>
    tpu.vector_store %arg11[%swap3A_236, %swap3A_237], %swap3A_240 {strides = array<i32>} : memref<26x1024xf32, #tpu.memory_space<vmem>>, vector<1x16xf32>,
    %swap3A_241 = arith.constant 25 : i32
    %swap3A_242 = arith.index_cast %swap3A_241 : i32 to index
    %swap3A_243 = arith.constant 640 : index
    %swap3A_244 = tpu.vector_load %arg11[%swap3A_242, %swap3A_243] {strides = array<i32>} : memref<26x1024xf32, #tpu.memory_space<vmem>>, vector<1x16xf32>,
    %swap3A_245 = vector.shape_cast %swap3A_244 : vector<1x16xf32> to vector<16xf32>
    %swap3A_246 = vector.shape_cast %broadcast_in_dim3A_1 : vector<16xf32> to vector<1x16xf32>
    tpu.vector_store %arg11[%swap3A_242, %swap3A_243], %swap3A_246 {strides = array<i32>} : memref<26x1024xf32, #tpu.memory_space<vmem>>, vector<1x16xf32>,
    %swap3A_247 = arith.constant 25 : i32
    %swap3A_248 = arith.index_cast %swap3A_247 : i32 to index
    %swap3A_249 = arith.constant 656 : index
    %swap3A_250 = tpu.vector_load %arg11[%swap3A_248, %swap3A_249] {strides = array<i32>} : memref<26x1024xf32, #tpu.memory_space<vmem>>, vector<1x16xf32>,
    %swap3A_251 = vector.shape_cast %swap3A_250 : vector<1x16xf32> to vector<16xf32>
    %swap3A_252 = vector.shape_cast %broadcast_in_dim3A_1 : vector<16xf32> to vector<1x16xf32>
    tpu.vector_store %arg11[%swap3A_248, %swap3A_249], %swap3A_252 {strides = array<i32>} : memref<26x1024xf32, #tpu.memory_space<vmem>>, vector<1x16xf32>,
    %swap3A_253 = arith.constant 25 : i32
    %swap3A_254 = arith.index_cast %swap3A_253 : i32 to index
    %swap3A_255 = arith.constant 672 : index
    %swap3A_256 = tpu.vector_load %arg11[%swap3A_254, %swap3A_255] {strides = array<i32>} : memref<26x1024xf32, #tpu.memory_space<vmem>>, vector<1x16xf32>,
    %swap3A_257 = vector.shape_cast %swap3A_256 : vector<1x16xf32> to vector<16xf32>
    %swap3A_258 = vector.shape_cast %broadcast_in_dim3A_1 : vector<16xf32> to vector<1x16xf32>
    tpu.vector_store %arg11[%swap3A_254, %swap3A_255], %swap3A_258 {strides = array<i32>} : memref<26x1024xf32, #tpu.memory_space<vmem>>, vector<1x16xf32>,
    %swap3A_259 = arith.constant 25 : i32
    %swap3A_260 = arith.index_cast %swap3A_259 : i32 to index
    %swap3A_261 = arith.constant 688 : index
    %swap3A_262 = tpu.vector_load %arg11[%swap3A_260, %swap3A_261] {strides = array<i32>} : memref<26x1024xf32, #tpu.memory_space<vmem>>, vector<1x16xf32>,
    %swap3A_263 = vector.shape_cast %swap3A_262 : vector<1x16xf32> to vector<16xf32>
    %swap3A_264 = vector.shape_cast %broadcast_in_dim3A_1 : vector<16xf32> to vector<1x16xf32>
    tpu.vector_store %arg11[%swap3A_260, %swap3A_261], %swap3A_264 {strides = array<i32>} : memref<26x1024xf32, #tpu.memory_space<vmem>>, vector<1x16xf32>,
    %swap3A_265 = arith.constant 25 : i32
    %swap3A_266 = arith.index_cast %swap3A_265 : i32 to index
    %swap3A_267 = arith.constant 704 : index
    %swap3A_268 = tpu.vector_load %arg11[%swap3A_266, %swap3A_267] {strides = array<i32>} : memref<26x1024xf32, #tpu.memory_space<vmem>>, vector<1x16xf32>,
    %swap3A_269 = vector.shape_cast %swap3A_268 : vector<1x16xf32> to vector<16xf32>
    %swap3A_270 = vector.shape_cast %broadcast_in_dim3A_1 : vector<16xf32> to vector<1x16xf32>
    tpu.vector_store %arg11[%swap3A_266, %swap3A_267], %swap3A_270 {strides = array<i32>} : memref<26x1024xf32, #tpu.memory_space<vmem>>, vector<1x16xf32>,
    %swap3A_271 = arith.constant 25 : i32
    %swap3A_272 = arith.index_cast %swap3A_271 : i32 to index
    %swap3A_273 = arith.constant 720 : index
    %swap3A_274 = tpu.vector_load %arg11[%swap3A_272, %swap3A_273] {strides = array<i32>} : memref<26x1024xf32, #tpu.memory_space<vmem>>, vector<1x16xf32>,
    %swap3A_275 = vector.shape_cast %swap3A_274 : vector<1x16xf32> to vector<16xf32>
    %swap3A_276 = vector.shape_cast %broadcast_in_dim3A_1 : vector<16xf32> to vector<1x16xf32>
    tpu.vector_store %arg11[%swap3A_272, %swap3A_273], %swap3A_276 {strides = array<i32>} : memref<26x1024xf32, #tpu.memory_space<vmem>>, vector<1x16xf32>,
    %swap3A_277 = arith.constant 25 : i32
    %swap3A_278 = arith.index_cast %swap3A_277 : i32 to index
    %swap3A_279 = arith.constant 736 : index
    %swap3A_280 = tpu.vector_load %arg11[%swap3A_278, %swap3A_279] {strides = array<i32>} : memref<26x1024xf32, #tpu.memory_space<vmem>>, vector<1x16xf32>,
    %swap3A_281 = vector.shape_cast %swap3A_280 : vector<1x16xf32> to vector<16xf32>
    %swap3A_282 = vector.shape_cast %broadcast_in_dim3A_1 : vector<16xf32> to vector<1x16xf32>
    tpu.vector_store %arg11[%swap3A_278, %swap3A_279], %swap3A_282 {strides = array<i32>} : memref<26x1024xf32, #tpu.memory_space<vmem>>, vector<1x16xf32>,
    %swap3A_283 = arith.constant 25 : i32
    %swap3A_284 = arith.index_cast %swap3A_283 : i32 to index
    %swap3A_285 = arith.constant 752 : index
    %swap3A_286 = tpu.vector_load %arg11[%swap3A_284, %swap3A_285] {strides = array<i32>} : memref<26x1024xf32, #tpu.memory_space<vmem>>, vector<1x16xf32>,
    %swap3A_287 = vector.shape_cast %swap3A_286 : vector<1x16xf32> to vector<16xf32>
    %swap3A_288 = vector.shape_cast %broadcast_in_dim3A_1 : vector<16xf32> to vector<1x16xf32>
    tpu.vector_store %arg11[%swap3A_284, %swap3A_285], %swap3A_288 {strides = array<i32>} : memref<26x1024xf32, #tpu.memory_space<vmem>>, vector<1x16xf32>,
    %swap3A_289 = arith.constant 25 : i32
    %swap3A_290 = arith.index_cast %swap3A_289 : i32 to index
    %swap3A_291 = arith.constant 768 : index
    %swap3A_292 = tpu.vector_load %arg11[%swap3A_290, %swap3A_291] {strides = array<i32>} : memref<26x1024xf32, #tpu.memory_space<vmem>>, vector<1x16xf32>,
    %swap3A_293 = vector.shape_cast %swap3A_292 : vector<1x16xf32> to vector<16xf32>
    %swap3A_294 = vector.shape_cast %broadcast_in_dim3A_1 : vector<16xf32> to vector<1x16xf32>
    tpu.vector_store %arg11[%swap3A_290, %swap3A_291], %swap3A_294 {strides = array<i32>} : memref<26x1024xf32, #tpu.memory_space<vmem>>, vector<1x16xf32>,
    %swap3A_295 = arith.constant 25 : i32
    %swap3A_296 = arith.index_cast %swap3A_295 : i32 to index
    %swap3A_297 = arith.constant 784 : index
    %swap3A_298 = tpu.vector_load %arg11[%swap3A_296, %swap3A_297] {strides = array<i32>} : memref<26x1024xf32, #tpu.memory_space<vmem>>, vector<1x16xf32>,
    %swap3A_299 = vector.shape_cast %swap3A_298 : vector<1x16xf32> to vector<16xf32>
    %swap3A_300 = vector.shape_cast %broadcast_in_dim3A_1 : vector<16xf32> to vector<1x16xf32>
    tpu.vector_store %arg11[%swap3A_296, %swap3A_297], %swap3A_300 {strides = array<i32>} : memref<26x1024xf32, #tpu.memory_space<vmem>>, vector<1x16xf32>,
    %swap3A_301 = arith.constant 25 : i32
    %swap3A_302 = arith.index_cast %swap3A_301 : i32 to index
    %swap3A_303 = arith.constant 800 : index
    %swap3A_304 = tpu.vector_load %arg11[%swap3A_302, %swap3A_303] {strides = array<i32>} : memref<26x1024xf32, #tpu.memory_space<vmem>>, vector<1x16xf32>,
    %swap3A_305 = vector.shape_cast %swap3A_304 : vector<1x16xf32> to vector<16xf32>
    %swap3A_306 = vector.shape_cast %broadcast_in_dim3A_1 : vector<16xf32> to vector<1x16xf32>
    tpu.vector_store %arg11[%swap3A_302, %swap3A_303], %swap3A_306 {strides = array<i32>} : memref<26x1024xf32, #tpu.memory_space<vmem>>, vector<1x16xf32>,
    %swap3A_307 = arith.constant 25 : i32
    %swap3A_308 = arith.index_cast %swap3A_307 : i32 to index
    %swap3A_309 = arith.constant 816 : index
    %swap3A_310 = tpu.vector_load %arg11[%swap3A_308, %swap3A_309] {strides = array<i32>} : memref<26x1024xf32, #tpu.memory_space<vmem>>, vector<1x16xf32>,
    %swap3A_311 = vector.shape_cast %swap3A_310 : vector<1x16xf32> to vector<16xf32>
    %swap3A_312 = vector.shape_cast %broadcast_in_dim3A_1 : vector<16xf32> to vector<1x16xf32>
    tpu.vector_store %arg11[%swap3A_308, %swap3A_309], %swap3A_312 {strides = array<i32>} : memref<26x1024xf32, #tpu.memory_space<vmem>>, vector<1x16xf32>,
    %swap3A_313 = arith.constant 25 : i32
    %swap3A_314 = arith.index_cast %swap3A_313 : i32 to index
    %swap3A_315 = arith.constant 832 : index
    %swap3A_316 = tpu.vector_load %arg11[%swap3A_314, %swap3A_315] {strides = array<i32>} : memref<26x1024xf32, #tpu.memory_space<vmem>>, vector<1x16xf32>,
    %swap3A_317 = vector.shape_cast %swap3A_316 : vector<1x16xf32> to vector<16xf32>
    %swap3A_318 = vector.shape_cast %broadcast_in_dim3A_1 : vector<16xf32> to vector<1x16xf32>
    tpu.vector_store %arg11[%swap3A_314, %swap3A_315], %swap3A_318 {strides = array<i32>} : memref<26x1024xf32, #tpu.memory_space<vmem>>, vector<1x16xf32>,
    %swap3A_319 = arith.constant 25 : i32
    %swap3A_320 = arith.index_cast %swap3A_319 : i32 to index
    %swap3A_321 = arith.constant 848 : index
    %swap3A_322 = tpu.vector_load %arg11[%swap3A_320, %swap3A_321] {strides = array<i32>} : memref<26x1024xf32, #tpu.memory_space<vmem>>, vector<1x16xf32>,
    %swap3A_323 = vector.shape_cast %swap3A_322 : vector<1x16xf32> to vector<16xf32>
    %swap3A_324 = vector.shape_cast %broadcast_in_dim3A_1 : vector<16xf32> to vector<1x16xf32>
    tpu.vector_store %arg11[%swap3A_320, %swap3A_321], %swap3A_324 {strides = array<i32>} : memref<26x1024xf32, #tpu.memory_space<vmem>>, vector<1x16xf32>,
    %swap3A_325 = arith.constant 25 : i32
    %swap3A_326 = arith.index_cast %swap3A_325 : i32 to index
    %swap3A_327 = arith.constant 864 : index
    %swap3A_328 = tpu.vector_load %arg11[%swap3A_326, %swap3A_327] {strides = array<i32>} : memref<26x1024xf32, #tpu.memory_space<vmem>>, vector<1x16xf32>,
    %swap3A_329 = vector.shape_cast %swap3A_328 : vector<1x16xf32> to vector<16xf32>
    %swap3A_330 = vector.shape_cast %broadcast_in_dim3A_1 : vector<16xf32> to vector<1x16xf32>
    tpu.vector_store %arg11[%swap3A_326, %swap3A_327], %swap3A_330 {strides = array<i32>} : memref<26x1024xf32, #tpu.memory_space<vmem>>, vector<1x16xf32>,
    %swap3A_331 = arith.constant 25 : i32
    %swap3A_332 = arith.index_cast %swap3A_331 : i32 to index
    %swap3A_333 = arith.constant 880 : index
    %swap3A_334 = tpu.vector_load %arg11[%swap3A_332, %swap3A_333] {strides = array<i32>} : memref<26x1024xf32, #tpu.memory_space<vmem>>, vector<1x16xf32>,
    %swap3A_335 = vector.shape_cast %swap3A_334 : vector<1x16xf32> to vector<16xf32>
    %swap3A_336 = vector.shape_cast %broadcast_in_dim3A_1 : vector<16xf32> to vector<1x16xf32>
    tpu.vector_store %arg11[%swap3A_332, %swap3A_333], %swap3A_336 {strides = array<i32>} : memref<26x1024xf32, #tpu.memory_space<vmem>>, vector<1x16xf32>,
    %swap3A_337 = arith.constant 25 : i32
    %swap3A_338 = arith.index_cast %swap3A_337 : i32 to index
    %swap3A_339 = arith.constant 896 : index
    %swap3A_340 = tpu.vector_load %arg11[%swap3A_338, %swap3A_339] {strides = array<i32>} : memref<26x1024xf32, #tpu.memory_space<vmem>>, vector<1x16xf32>,
    %swap3A_341 = vector.shape_cast %swap3A_340 : vector<1x16xf32> to vector<16xf32>
    %swap3A_342 = vector.shape_cast %broadcast_in_dim3A_1 : vector<16xf32> to vector<1x16xf32>
    tpu.vector_store %arg11[%swap3A_338, %swap3A_339], %swap3A_342 {strides = array<i32>} : memref<26x1024xf32, #tpu.memory_space<vmem>>, vector<1x16xf32>,
    %swap3A_343 = arith.constant 25 : i32
    %swap3A_344 = arith.index_cast %swap3A_343 : i32 to index
    %swap3A_345 = arith.constant 912 : index
    %swap3A_346 = tpu.vector_load %arg11[%swap3A_344, %swap3A_345] {strides = array<i32>} : memref<26x1024xf32, #tpu.memory_space<vmem>>, vector<1x16xf32>,
    %swap3A_347 = vector.shape_cast %swap3A_346 : vector<1x16xf32> to vector<16xf32>
    %swap3A_348 = vector.shape_cast %broadcast_in_dim3A_1 : vector<16xf32> to vector<1x16xf32>
    tpu.vector_store %arg11[%swap3A_344, %swap3A_345], %swap3A_348 {strides = array<i32>} : memref<26x1024xf32, #tpu.memory_space<vmem>>, vector<1x16xf32>,
    %swap3A_349 = arith.constant 25 : i32
    %swap3A_350 = arith.index_cast %swap3A_349 : i32 to index
    %swap3A_351 = arith.constant 928 : index
    %swap3A_352 = tpu.vector_load %arg11[%swap3A_350, %swap3A_351] {strides = array<i32>} : memref<26x1024xf32, #tpu.memory_space<vmem>>, vector<1x16xf32>,
    %swap3A_353 = vector.shape_cast %swap3A_352 : vector<1x16xf32> to vector<16xf32>
    %swap3A_354 = vector.shape_cast %broadcast_in_dim3A_1 : vector<16xf32> to vector<1x16xf32>
    tpu.vector_store %arg11[%swap3A_350, %swap3A_351], %swap3A_354 {strides = array<i32>} : memref<26x1024xf32, #tpu.memory_space<vmem>>, vector<1x16xf32>,
    %swap3A_355 = arith.constant 25 : i32
    %swap3A_356 = arith.index_cast %swap3A_355 : i32 to index
    %swap3A_357 = arith.constant 944 : index
    %swap3A_358 = tpu.vector_load %arg11[%swap3A_356, %swap3A_357] {strides = array<i32>} : memref<26x1024xf32, #tpu.memory_space<vmem>>, vector<1x16xf32>,
    %swap3A_359 = vector.shape_cast %swap3A_358 : vector<1x16xf32> to vector<16xf32>
    %swap3A_360 = vector.shape_cast %broadcast_in_dim3A_1 : vector<16xf32> to vector<1x16xf32>
    tpu.vector_store %arg11[%swap3A_356, %swap3A_357], %swap3A_360 {strides = array<i32>} : memref<26x1024xf32, #tpu.memory_space<vmem>>, vector<1x16xf32>,
    %swap3A_361 = arith.constant 25 : i32
    %swap3A_362 = arith.index_cast %swap3A_361 : i32 to index
    %swap3A_363 = arith.constant 960 : index
    %swap3A_364 = tpu.vector_load %arg11[%swap3A_362, %swap3A_363] {strides = array<i32>} : memref<26x1024xf32, #tpu.memory_space<vmem>>, vector<1x16xf32>,
    %swap3A_365 = vector.shape_cast %swap3A_364 : vector<1x16xf32> to vector<16xf32>
    %swap3A_366 = vector.shape_cast %broadcast_in_dim3A_1 : vector<16xf32> to vector<1x16xf32>
    tpu.vector_store %arg11[%swap3A_362, %swap3A_363], %swap3A_366 {strides = array<i32>} : memref<26x1024xf32, #tpu.memory_space<vmem>>, vector<1x16xf32>,
    %swap3A_367 = arith.constant 25 : i32
    %swap3A_368 = arith.index_cast %swap3A_367 : i32 to index
    %swap3A_369 = arith.constant 976 : index
    %swap3A_370 = tpu.vector_load %arg11[%swap3A_368, %swap3A_369] {strides = array<i32>} : memref<26x1024xf32, #tpu.memory_space<vmem>>, vector<1x16xf32>,
    %swap3A_371 = vector.shape_cast %swap3A_370 : vector<1x16xf32> to vector<16xf32>
    %swap3A_372 = vector.shape_cast %broadcast_in_dim3A_1 : vector<16xf32> to vector<1x16xf32>
    tpu.vector_store %arg11[%swap3A_368, %swap3A_369], %swap3A_372 {strides = array<i32>} : memref<26x1024xf32, #tpu.memory_space<vmem>>, vector<1x16xf32>,
    %swap3A_373 = arith.constant 25 : i32
    %swap3A_374 = arith.index_cast %swap3A_373 : i32 to index
    %swap3A_375 = arith.constant 992 : index
    %swap3A_376 = tpu.vector_load %arg11[%swap3A_374, %swap3A_375] {strides = array<i32>} : memref<26x1024xf32, #tpu.memory_space<vmem>>, vector<1x16xf32>,
    %swap3A_377 = vector.shape_cast %swap3A_376 : vector<1x16xf32> to vector<16xf32>
    %swap3A_378 = vector.shape_cast %broadcast_in_dim3A_1 : vector<16xf32> to vector<1x16xf32>
    tpu.vector_store %arg11[%swap3A_374, %swap3A_375], %swap3A_378 {strides = array<i32>} : memref<26x1024xf32, #tpu.memory_space<vmem>>, vector<1x16xf32>,
    %swap3A_379 = arith.constant 25 : i32
    %swap3A_380 = arith.index_cast %swap3A_379 : i32 to index
    %swap3A_381 = arith.constant 1008 : index
    %swap3A_382 = tpu.vector_load %arg11[%swap3A_380, %swap3A_381] {strides = array<i32>} : memref<26x1024xf32, #tpu.memory_space<vmem>>, vector<1x16xf32>,
    %swap3A_383 = vector.shape_cast %swap3A_382 : vector<1x16xf32> to vector<16xf32>
    %swap3A_384 = vector.shape_cast %broadcast_in_dim3A_1 : vector<16xf32> to vector<1x16xf32>
    tpu.vector_store %arg11[%swap3A_380, %swap3A_381], %swap3A_384 {strides = array<i32>} : memref<26x1024xf32, #tpu.memory_space<vmem>>, vector<1x16xf32>,
    %mul3A_385 = arith.constant 2 : i32
    %mul3A_386 = arith.muli %add3A, %mul3A_385 : i32
    "tpu.region"() ({
      %run_scoped3A = tpu.sem_alloc : memref<!tpu.dma_semaphore, #tpu.memory_space<semaphore_mem>>
      %dma_start3A_466 = arith.constant 0 : i32
      %dma_start3A_467 = tpu.memref_slice %arg3[%mul3A_386, %dma_start3A_466] : memref<64x56xi32, #tpu.memory_space<hbm>> -> memref<1x56xi32, #tpu.memory_space<hbm>>
      %dma_start3A_468 = tpu.memref_squeeze %dma_start3A_467 : memref<1x56xi32, #tpu.memory_space<hbm>> -> memref<56xi32, #tpu.memory_space<hbm>>
      %dma_start3A_469 = arith.constant 0 : i32
      %dma_start3A_470 = tpu.memref_slice %arg3[%mul3A_386, %dma_start3A_469] : memref<64x56xi32, #tpu.memory_space<hbm>> -> memref<1x56xi32, #tpu.memory_space<hbm>>
      %dma_start3A_471 = tpu.memref_squeeze %dma_start3A_470 : memref<1x56xi32, #tpu.memory_space<hbm>> -> memref<56xi32, #tpu.memory_space<hbm>>
      tpu.enqueue_dma source(%dma_start3A_471 : memref<56xi32, #tpu.memory_space<hbm>>) target(%arg7 : memref<56xi32, #tpu.memory_space<vmem>>) target_semaphore(%run_scoped3A : memref<!tpu.dma_semaphore, #tpu.memory_space<semaphore_mem>>)
      %dma_wait3A_472 = arith.constant 0 : i32
      %dma_wait3A_473 = tpu.memref_slice %arg3[%mul3A_386, %dma_wait3A_472] : memref<64x56xi32, #tpu.memory_space<hbm>> -> memref<1x56xi32, #tpu.memory_space<hbm>>
      %dma_wait3A_474 = tpu.memref_squeeze %dma_wait3A_473 : memref<1x56xi32, #tpu.memory_space<hbm>> -> memref<56xi32, #tpu.memory_space<hbm>>
      %dma_wait3A_475 = arith.constant 0 : i32
      %dma_wait3A_476 = tpu.memref_slice %arg3[%mul3A_386, %dma_wait3A_475] : memref<64x56xi32, #tpu.memory_space<hbm>> -> memref<1x56xi32, #tpu.memory_space<hbm>>
      %dma_wait3A_477 = tpu.memref_squeeze %dma_wait3A_476 : memref<1x56xi32, #tpu.memory_space<hbm>> -> memref<56xi32, #tpu.memory_space<hbm>>
      tpu.wait_dma2 semaphore(%run_scoped3A : memref<!tpu.dma_semaphore, #tpu.memory_space<semaphore_mem>>) src(%dma_wait3A_477 : memref<56xi32, #tpu.memory_space<hbm>>) dst(%arg7 : memref<56xi32, #tpu.memory_space<vmem>>)
      tpu.yield
    }) : () -> ()
    "tpu.region"() ({
      %run_scoped3A = tpu.sem_alloc : memref<!tpu.dma_semaphore, #tpu.memory_space<semaphore_mem>>
      %dma_start3A_466 = arith.constant 0 : i32
      %dma_start3A_467 = arith.constant 0 : i32
      %dma_start3A_468 = tpu.memref_slice %arg4[%mul3A_386, %dma_start3A_466, %dma_start3A_467] : memref<64x50x16xi32, #tpu.memory_space<hbm>> -> memref<1x50x16xi32, #tpu.memory_space<hbm>>
      %dma_start3A_469 = tpu.memref_squeeze %dma_start3A_468 : memref<1x50x16xi32, #tpu.memory_space<hbm>> -> memref<50x16xi32, #tpu.memory_space<hbm>>
      %dma_start3A_470 = arith.constant 0 : i32
      %dma_start3A_471 = arith.constant 0 : i32
      %dma_start3A_472 = tpu.memref_slice %arg4[%mul3A_386, %dma_start3A_470, %dma_start3A_471] : memref<64x50x16xi32, #tpu.memory_space<hbm>> -> memref<1x50x16xi32, #tpu.memory_space<hbm>>
      %dma_start3A_473 = tpu.memref_squeeze %dma_start3A_472 : memref<1x50x16xi32, #tpu.memory_space<hbm>> -> memref<50x16xi32, #tpu.memory_space<hbm>>
      tpu.enqueue_dma source(%dma_start3A_473 : memref<50x16xi32, #tpu.memory_space<hbm>>) target(%arg8 : memref<50x16xi32, #tpu.memory_space<vmem>>) target_semaphore(%run_scoped3A : memref<!tpu.dma_semaphore, #tpu.memory_space<semaphore_mem>>)
      %dma_wait3A_474 = arith.constant 0 : i32
      %dma_wait3A_475 = arith.constant 0 : i32
      %dma_wait3A_476 = tpu.memref_slice %arg4[%mul3A_386, %dma_wait3A_474, %dma_wait3A_475] : memref<64x50x16xi32, #tpu.memory_space<hbm>> -> memref<1x50x16xi32, #tpu.memory_space<hbm>>
      %dma_wait3A_477 = tpu.memref_squeeze %dma_wait3A_476 : memref<1x50x16xi32, #tpu.memory_space<hbm>> -> memref<50x16xi32, #tpu.memory_space<hbm>>
      %dma_wait3A_478 = arith.constant 0 : i32
      %dma_wait3A_479 = arith.constant 0 : i32
      %dma_wait3A_480 = tpu.memref_slice %arg4[%mul3A_386, %dma_wait3A_478, %dma_wait3A_479] : memref<64x50x16xi32, #tpu.memory_space<hbm>> -> memref<1x50x16xi32, #tpu.memory_space<hbm>>
      %dma_wait3A_481 = tpu.memref_squeeze %dma_wait3A_480 : memref<1x50x16xi32, #tpu.memory_space<hbm>> -> memref<50x16xi32, #tpu.memory_space<hbm>>
      tpu.wait_dma2 semaphore(%run_scoped3A : memref<!tpu.dma_semaphore, #tpu.memory_space<semaphore_mem>>) src(%dma_wait3A_481 : memref<50x16xi32, #tpu.memory_space<hbm>>) dst(%arg8 : memref<50x16xi32, #tpu.memory_space<vmem>>)
      tpu.yield
    }) : () -> ()
    "tpu.region"() ({
      %run_scoped3A = tpu.sem_alloc : memref<!tpu.dma_semaphore, #tpu.memory_space<semaphore_mem>>
      %dma_start3A_466 = arith.constant 0 : i32
      %dma_start3A_467 = arith.constant 0 : i32
      %dma_start3A_468 = tpu.memref_slice %arg5[%mul3A_386, %dma_start3A_466, %dma_start3A_467] : memref<64x50x16xf32, #tpu.memory_space<hbm>> -> memref<1x50x16xf32, #tpu.memory_space<hbm>>
      %dma_start3A_469 = tpu.memref_squeeze %dma_start3A_468 : memref<1x50x16xf32, #tpu.memory_space<hbm>> -> memref<50x16xf32, #tpu.memory_space<hbm>>
      %dma_start3A_470 = arith.constant 0 : i32
      %dma_start3A_471 = arith.constant 0 : i32
      %dma_start3A_472 = tpu.memref_slice %arg5[%mul3A_386, %dma_start3A_470, %dma_start3A_471] : memref<64x50x16xf32, #tpu.memory_space<hbm>> -> memref<1x50x16xf32, #tpu.memory_space<hbm>>
      %dma_start3A_473 = tpu.memref_squeeze %dma_start3A_472 : memref<1x50x16xf32, #tpu.memory_space<hbm>> -> memref<50x16xf32, #tpu.memory_space<hbm>>
      tpu.enqueue_dma source(%dma_start3A_473 : memref<50x16xf32, #tpu.memory_space<hbm>>) target(%arg9 : memref<50x16xf32, #tpu.memory_space<vmem>>) target_semaphore(%run_scoped3A : memref<!tpu.dma_semaphore, #tpu.memory_space<semaphore_mem>>)
      %dma_wait3A_474 = arith.constant 0 : i32
      %dma_wait3A_475 = arith.constant 0 : i32
      %dma_wait3A_476 = tpu.memref_slice %arg5[%mul3A_386, %dma_wait3A_474, %dma_wait3A_475] : memref<64x50x16xf32, #tpu.memory_space<hbm>> -> memref<1x50x16xf32, #tpu.memory_space<hbm>>
      %dma_wait3A_477 = tpu.memref_squeeze %dma_wait3A_476 : memref<1x50x16xf32, #tpu.memory_space<hbm>> -> memref<50x16xf32, #tpu.memory_space<hbm>>
      %dma_wait3A_478 = arith.constant 0 : i32
      %dma_wait3A_479 = arith.constant 0 : i32
      %dma_wait3A_480 = tpu.memref_slice %arg5[%mul3A_386, %dma_wait3A_478, %dma_wait3A_479] : memref<64x50x16xf32, #tpu.memory_space<hbm>> -> memref<1x50x16xf32, #tpu.memory_space<hbm>>
      %dma_wait3A_481 = tpu.memref_squeeze %dma_wait3A_480 : memref<1x50x16xf32, #tpu.memory_space<hbm>> -> memref<50x16xf32, #tpu.memory_space<hbm>>
      tpu.wait_dma2 semaphore(%run_scoped3A : memref<!tpu.dma_semaphore, #tpu.memory_space<semaphore_mem>>) src(%dma_wait3A_481 : memref<50x16xf32, #tpu.memory_space<hbm>>) dst(%arg9 : memref<50x16xf32, #tpu.memory_space<vmem>>)
      tpu.yield
    }) : () -> ()
    %dma_start3A = arith.constant 0 : i32
    %dma_start3A_387 = arith.constant 0 : i32
    %dma_start3A_388 = tpu.memref_slice %arg2[%dma_start3A, %dma_start3A_387] : memref<32768x1024xf32, #tpu.memory_space<hbm>> -> memref<32768x1024xf32, #tpu.memory_space<hbm>>
    tpu.enqueue_indirect_dma source(%dma_start3A_388 : memref<32768x1024xf32, #tpu.memory_space<hbm>>) target(%arg10 : memref<56x1024xf32, #tpu.memory_space<vmem>>) offsets(%arg7 : memref<56xi32, #tpu.memory_space<vmem>>) semaphore(%arg13 : memref<!tpu.dma_semaphore, #tpu.memory_space<semaphore_mem>>)
    %dma_wait3A = arith.constant 0 : i32
    %dma_wait3A_389 = arith.constant 0 : i32
    %dma_wait3A_390 = tpu.memref_slice %arg2[%dma_wait3A, %dma_wait3A_389] : memref<32768x1024xf32, #tpu.memory_space<hbm>> -> memref<32768x1024xf32, #tpu.memory_space<hbm>>
    tpu.wait_indirect_dma semaphore(%arg13 : memref<!tpu.dma_semaphore, #tpu.memory_space<semaphore_mem>>) src(%dma_wait3A_390 : memref<32768x1024xf32, #tpu.memory_space<hbm>>) dst(%arg10 : memref<56x1024xf32, #tpu.memory_space<vmem>>)
    %get3A = arith.constant 0 : i32
    %get3A_391 = arith.index_cast %get3A : i32 to index
    %get3A_392 = arith.constant 0 : index
    %get3A_393 = tpu.vector_load %arg8[%get3A_391, %get3A_392] {strides = array<i32>} : memref<50x16xi32, #tpu.memory_space<vmem>>, vector<1x16xi32>,
    %get3A_394 = vector.shape_cast %get3A_393 : vector<1x16xi32> to vector<16xi32>
    %slice3A = vector.extract_strided_slice %get3A_394 {offsets = [3], sizes = [1], strides = [1]} : vector<16xi32> to vector<1xi32>
    %squeeze3A = vector.extract %slice3A[0] : i32 from vector<1xi32>
    %while3A = arith.constant 0 : i32
    %while3A_395 = arith.constant 0 : i32
    %while3A_396 = arith.subi %squeeze3A, %while3A_395 : i32
    %while3A_397 = arith.addi %while3A_395, %while3A_396 : i32
    %while3A_398 = arith.constant 1 : i32
    %while3A_399 = arith.divsi %while3A_396, %while3A_398 : i32
    %while3A_400 = arith.muli %while3A_399, %while3A_398 : i32
    %while3A_401 = arith.addi %while3A_395, %while3A_400 : i32
    %while3A_402 = arith.constant 1 : i32
    scf.for %while3A_466 = %while3A_395 to %while3A_401 step %while3A_402  : i32 {
      %scan3A_467 = arith.constant 0 : i32
      %scan3A_468 = arith.constant 64 : i32
      %scan3A_469 = arith.addi %scan3A_467, %scan3A_468 : i32
      %scan3A_470 = arith.constant 1 : i32
      scf.for %scan3A_472 = %scan3A_467 to %scan3A_469 step %scan3A_470  : i32 {
        %mul3A_473 = arith.constant 16 : i32
        %mul3A_474 = arith.muli %scan3A_472, %mul3A_473 : i32
        %swap3A_475 = arith.index_cast %while3A_466 : i32 to index
        %swap3A_476 = arith.index_cast %mul3A_474 : i32 to index
        %swap3A_477 = tpu.vector_load %arg11[%swap3A_475, %swap3A_476] {strides = array<i32>} : memref<26x1024xf32, #tpu.memory_space<vmem>>, vector<1x16xf32>,
        %swap3A_478 = vector.shape_cast %swap3A_477 : vector<1x16xf32> to vector<16xf32>
        %swap3A_479 = vector.shape_cast %broadcast_in_dim3A_1 : vector<16xf32> to vector<1x16xf32>
        tpu.vector_store %arg11[%swap3A_475, %swap3A_476], %swap3A_479 {strides = array<i32>} : memref<26x1024xf32, #tpu.memory_space<vmem>>, vector<1x16xf32>,
      }
      %scan3A_471 = arith.constant 64 : i32
    }
    %while3A_403 = arith.constant 1 : i32
    scf.for %while3A_466 = %while3A_401 to %while3A_397 step %while3A_403  : i32 {
      %scan3A_467 = arith.constant 0 : i32
      %scan3A_468 = arith.constant 64 : i32
      %scan3A_469 = arith.addi %scan3A_467, %scan3A_468 : i32
      %scan3A_470 = arith.constant 1 : i32
      scf.for %scan3A_472 = %scan3A_467 to %scan3A_469 step %scan3A_470  : i32 {
        %mul3A_473 = arith.constant 16 : i32
        %mul3A_474 = arith.muli %scan3A_472, %mul3A_473 : i32
        %swap3A_475 = arith.index_cast %while3A_466 : i32 to index
        %swap3A_476 = arith.index_cast %mul3A_474 : i32 to index
        %swap3A_477 = tpu.vector_load %arg11[%swap3A_475, %swap3A_476] {strides = array<i32>} : memref<26x1024xf32, #tpu.memory_space<vmem>>, vector<1x16xf32>,
        %swap3A_478 = vector.shape_cast %swap3A_477 : vector<1x16xf32> to vector<16xf32>
        %swap3A_479 = vector.shape_cast %broadcast_in_dim3A_1 : vector<16xf32> to vector<1x16xf32>
        tpu.vector_store %arg11[%swap3A_475, %swap3A_476], %swap3A_479 {strides = array<i32>} : memref<26x1024xf32, #tpu.memory_space<vmem>>, vector<1x16xf32>,
      }
      %scan3A_471 = arith.constant 64 : i32
    }
    %scan3A = arith.constant 0 : i32
    %scan3A_404 = arith.constant 50 : i32
    %scan3A_405 = arith.addi %scan3A, %scan3A_404 : i32
    %scan3A_406 = arith.constant 1 : i32
    %scan3A_407:2 = scf.for %scan3A_466 = %scan3A to %scan3A_405 step %scan3A_406 iter_args(%scan3A_467 = %broadcast_in_dim3A_1, %scan3A_468 = %broadcast_in_dim3A_1) -> (vector<16xf32>, vector<16xf32>)  : i32 {
      %get3A_469 = arith.index_cast %scan3A_466 : i32 to index
      %get3A_470 = arith.constant 0 : index
      %get3A_471 = tpu.vector_load %arg8[%get3A_469, %get3A_470] {strides = array<i32>} : memref<50x16xi32, #tpu.memory_space<vmem>>, vector<1x16xi32>,
      %get3A_472 = vector.shape_cast %get3A_471 : vector<1x16xi32> to vector<16xi32>
      %slice3A_473 = vector.extract_strided_slice %get3A_472 {offsets = [0], sizes = [1], strides = [1]} : vector<16xi32> to vector<1xi32>
      %squeeze3A_474 = vector.extract %slice3A_473[0] : i32 from vector<1xi32>
      %slice3A_475 = vector.extract_strided_slice %get3A_472 {offsets = [1], sizes = [1], strides = [1]} : vector<16xi32> to vector<1xi32>
      %squeeze3A_476 = vector.extract %slice3A_475[0] : i32 from vector<1xi32>
      %slice3A_477 = vector.extract_strided_slice %get3A_472 {offsets = [2], sizes = [1], strides = [1]} : vector<16xi32> to vector<1xi32>
      %squeeze3A_478 = vector.extract %slice3A_477[0] : i32 from vector<1xi32>
      %get3A_479 = arith.index_cast %scan3A_466 : i32 to index
      %get3A_480 = arith.constant 0 : index
      %get3A_481 = tpu.vector_load %arg9[%get3A_479, %get3A_480] {strides = array<i32>} : memref<50x16xf32, #tpu.memory_space<vmem>>, vector<1x16xf32>,
      %get3A_482 = vector.shape_cast %get3A_481 : vector<1x16xf32> to vector<16xf32>
      %slice3A_483 = vector.extract_strided_slice %get3A_482 {offsets = [0], sizes = [1], strides = [1]} : vector<16xf32> to vector<1xf32>
      %squeeze3A_484 = vector.extract %slice3A_483[0] : f32 from vector<1xf32>
      %broadcast_in_dim3A_485 = vector.broadcast %squeeze3A_484 : f32 to vector<16xf32>
      %slice3A_486 = vector.extract_strided_slice %get3A_482 {offsets = [1], sizes = [1], strides = [1]} : vector<16xf32> to vector<1xf32>
      %squeeze3A_487 = vector.extract %slice3A_486[0] : f32 from vector<1xf32>
      %broadcast_in_dim3A_488 = vector.broadcast %squeeze3A_487 : f32 to vector<16xf32>
      %broadcast_in_dim3A_489 = vector.broadcast %squeeze3A_476 : i32 to vector<16xi32>
      %and3A = arith.constant 1023 : i32
      %and3A_490 = arith.andi %squeeze3A_474, %and3A : i32
      %broadcast_in_dim3A_491 = vector.broadcast %and3A_490 : i32 to vector<16xi32>
      %sub3A = arith.constant 1024 : i32
      %sub3A_492 = arith.subi %sub3A, %and3A_490 : i32
      %min3A = arith.minsi %squeeze3A_476, %sub3A_492 : i32
      %jit3A = arith.constant 16 : i32
      %div3A = arith.divsi %and3A_490, %jit3A : i32
      %sign3A = arith.constant 0 : i32
      %sign3A_493 = arith.cmpi sgt, %and3A_490, %sign3A : i32
      %sign3A_494 = arith.extui %sign3A_493 : i1 to i32
      %sign3A_495 = arith.constant 0 : i32
      %sign3A_496 = arith.cmpi slt, %and3A_490, %sign3A_495 : i32
      %sign3A_497 = arith.extui %sign3A_496 : i1 to i32
      %sign3A_498 = arith.subi %sign3A_494, %sign3A_497 : i32
      %sign3A_499 = arith.constant 0 : i32
      %sign3A_500 = arith.cmpi sgt, %jit3A, %sign3A_499 : i32
      %sign3A_501 = arith.extui %sign3A_500 : i1 to i32
      %sign3A_502 = arith.constant 0 : i32
      %sign3A_503 = arith.cmpi slt, %jit3A, %sign3A_502 : i32
      %sign3A_504 = arith.extui %sign3A_503 : i1 to i32
      %sign3A_505 = arith.subi %sign3A_501, %sign3A_504 : i32
      %ne3A = arith.cmpi ne, %sign3A_498, %sign3A_505 : i32
      %rem3A = arith.remsi %and3A_490, %jit3A : i32
      %ne3A_506 = arith.constant 0 : i32
      %ne3A_507 = arith.cmpi ne, %rem3A, %ne3A_506 : i32
      %and3A_508 = arith.andi %ne3A, %ne3A_507 : i1
      %sub3A_509 = arith.constant 1 : i32
      %sub3A_510 = arith.subi %div3A, %sub3A_509 : i32
      %select_n3A = arith.select %and3A_508, %sub3A_510, %div3A : i32
      %add3A_511 = arith.addi %and3A_490, %min3A : i32
      %add3A_512 = arith.constant 16 : i32
      %add3A_513 = arith.addi %add3A_511, %add3A_512 : i32
      %sub3A_514 = arith.constant 1 : i32
      %sub3A_515 = arith.subi %add3A_513, %sub3A_514 : i32
      %jit3A_516 = arith.constant 16 : i32
      %div3A_517 = arith.divsi %sub3A_515, %jit3A_516 : i32
      %sign3A_518 = arith.constant 0 : i32
      %sign3A_519 = arith.cmpi sgt, %sub3A_515, %sign3A_518 : i32
      %sign3A_520 = arith.extui %sign3A_519 : i1 to i32
      %sign3A_521 = arith.constant 0 : i32
      %sign3A_522 = arith.cmpi slt, %sub3A_515, %sign3A_521 : i32
      %sign3A_523 = arith.extui %sign3A_522 : i1 to i32
      %sign3A_524 = arith.subi %sign3A_520, %sign3A_523 : i32
      %sign3A_525 = arith.constant 0 : i32
      %sign3A_526 = arith.cmpi sgt, %jit3A_516, %sign3A_525 : i32
      %sign3A_527 = arith.extui %sign3A_526 : i1 to i32
      %sign3A_528 = arith.constant 0 : i32
      %sign3A_529 = arith.cmpi slt, %jit3A_516, %sign3A_528 : i32
      %sign3A_530 = arith.extui %sign3A_529 : i1 to i32
      %sign3A_531 = arith.subi %sign3A_527, %sign3A_530 : i32
      %ne3A_532 = arith.cmpi ne, %sign3A_524, %sign3A_531 : i32
      %rem3A_533 = arith.remsi %sub3A_515, %jit3A_516 : i32
      %ne3A_534 = arith.constant 0 : i32
      %ne3A_535 = arith.cmpi ne, %rem3A_533, %ne3A_534 : i32
      %and3A_536 = arith.andi %ne3A_532, %ne3A_535 : i1
      %sub3A_537 = arith.constant 1 : i32
      %sub3A_538 = arith.subi %div3A_517, %sub3A_537 : i32
      %select_n3A_539 = arith.select %and3A_536, %sub3A_538, %div3A_517 : i32
      %while3A_540 = arith.subi %select_n3A_539, %select_n3A : i32
      %while3A_541 = arith.addi %select_n3A, %while3A_540 : i32
      %while3A_542 = arith.constant 1 : i32
      %while3A_543 = arith.divsi %while3A_540, %while3A_542 : i32
      %while3A_544 = arith.muli %while3A_543, %while3A_542 : i32
      %while3A_545 = arith.addi %select_n3A, %while3A_544 : i32
      %while3A_546 = arith.constant 1 : i32
      %while3A_547:2 = scf.for %while3A_593 = %select_n3A to %while3A_545 step %while3A_546 iter_args(%while3A_594 = %scan3A_467, %while3A_595 = %scan3A_468) -> (vector<16xf32>, vector<16xf32>)  : i32 {
        %mul3A_596 = arith.constant 16 : i32
        %mul3A_597 = arith.muli %while3A_593, %mul3A_596 : i32
        %add3A_598 = vector.broadcast %mul3A_597 : i32 to vector<16xi32>
        %add3A_599 = arith.addi %add3A_598, %iota3A : vector<16xi32>
        %sub3A_600 = arith.subi %add3A_599, %broadcast_in_dim3A_491 : vector<16xi32>
        %and3A_601 = arith.constant 1023 : i32
        %and3A_602 = vector.broadcast %and3A_601 : i32 to vector<16xi32>
        %and3A_603 = arith.andi %sub3A_600, %and3A_602 : vector<16xi32>
        %lt3A = arith.cmpi slt, %and3A_603, %broadcast_in_dim3A_489 : vector<16xi32>
        %jit3A_604 = arith.constant 1.000000e+00 : f32
        %jit3A_605 = arith.constant 0.000000e+00 : f32
        %broadcast_in_dim3A_606 = vector.broadcast %jit3A_604 : f32 to vector<16xf32>
        %broadcast_in_dim3A_607 = vector.broadcast %jit3A_605 : f32 to vector<16xf32>
        %select_n3A_608 = arith.select %lt3A, %broadcast_in_dim3A_606, %broadcast_in_dim3A_607 : vector<16xi1>, vector<16xf32>
        %get3A_609 = arith.index_cast %scan3A_466 : i32 to index
        %get3A_610 = arith.index_cast %mul3A_597 : i32 to index
        %get3A_611 = tpu.vector_load %arg10[%get3A_609, %get3A_610] {strides = array<i32>} : memref<56x1024xf32, #tpu.memory_space<vmem>>, vector<1x16xf32>,
        %get3A_612 = vector.shape_cast %get3A_611 : vector<1x16xf32> to vector<16xf32>
        %get3A_613 = arith.index_cast %squeeze3A_478 : i32 to index
        %get3A_614 = arith.index_cast %mul3A_597 : i32 to index
        %get3A_615 = tpu.vector_load %arg11[%get3A_613, %get3A_614] {strides = array<i32>} : memref<26x1024xf32, #tpu.memory_space<vmem>>, vector<1x16xf32>,
        %get3A_616 = vector.shape_cast %get3A_615 : vector<1x16xf32> to vector<16xf32>
        %mul3A_617 = arith.mulf %get3A_616, %broadcast_in_dim3A_488 : vector<16xf32>
        %mul3A_618 = arith.mulf %mul3A_617, %select_n3A_608 : vector<16xf32>
        %eq3A = arith.constant 0 : i32
        %eq3A_619 = vector.broadcast %eq3A : i32 to vector<16xi32>
        %eq3A_620 = arith.cmpi eq, %and3A_603, %eq3A_619 : vector<16xi32>
        %sub3A_621 = arith.constant 1 : i32
        %sub3A_622 = vector.broadcast %sub3A_621 : i32 to vector<16xi32>
        %sub3A_623 = arith.subi %broadcast_in_dim3A_489, %sub3A_622 : vector<16xi32>
        %eq3A_624 = arith.cmpi eq, %and3A_603, %sub3A_623 : vector<16xi32>
        %jit3A_625 = arith.constant 1.000000e+00 : f32
        %broadcast_in_dim3A_626 = vector.broadcast %jit3A_625 : f32 to vector<16xf32>
        %select_n3A_627 = arith.select %eq3A_624, %broadcast_in_dim3A_485, %broadcast_in_dim3A_626 : vector<16xi1>, vector<16xf32>
        %select_n3A_628 = arith.select %eq3A_620, %broadcast_in_dim3A_485, %select_n3A_627 : vector<16xi1>, vector<16xf32>
        %sub3A_629 = arith.subf %select_n3A_628, %mul3A_618 : vector<16xf32>
        %mul3A_630 = arith.mulf %sub3A_629, %select_n3A_608 : vector<16xf32>
        %mul3A_631 = arith.mulf %select_n3A_628, %select_n3A_608 : vector<16xf32>
        %sub3A_632 = arith.constant 1.000000e+00 : f32
        %sub3A_633 = vector.broadcast %sub3A_632 : f32 to vector<16xf32>
        %sub3A_634 = arith.subf %sub3A_633, %select_n3A_608 : vector<16xf32>
        %mul3A_635 = arith.mulf %get3A_616, %sub3A_634 : vector<16xf32>
        %add3A_636 = arith.addf %mul3A_631, %mul3A_635 : vector<16xf32>
        %swap3A_637 = arith.index_cast %squeeze3A_478 : i32 to index
        %swap3A_638 = arith.index_cast %mul3A_597 : i32 to index
        %swap3A_639 = tpu.vector_load %arg11[%swap3A_637, %swap3A_638] {strides = array<i32>} : memref<26x1024xf32, #tpu.memory_space<vmem>>, vector<1x16xf32>,
        %swap3A_640 = vector.shape_cast %swap3A_639 : vector<1x16xf32> to vector<16xf32>
        %swap3A_641 = vector.shape_cast %add3A_636 : vector<16xf32> to vector<1x16xf32>
        tpu.vector_store %arg11[%swap3A_637, %swap3A_638], %swap3A_641 {strides = array<i32>} : memref<26x1024xf32, #tpu.memory_space<vmem>>, vector<1x16xf32>,
        %mul3A_642 = arith.mulf %mul3A_630, %get3A_612 : vector<16xf32>
        %add3A_643 = arith.addf %while3A_594, %mul3A_642 : vector<16xf32>
        %add3A_644 = arith.addf %while3A_595, %mul3A_630 : vector<16xf32>
        scf.yield %add3A_643, %add3A_644 : vector<16xf32>, vector<16xf32>
      }
      %while3A_548 = arith.constant 1 : i32
      %while3A_549:2 = scf.for %while3A_593 = %while3A_545 to %while3A_541 step %while3A_548 iter_args(%while3A_594 = %while3A_547#0, %while3A_595 = %while3A_547#1) -> (vector<16xf32>, vector<16xf32>)  : i32 {
        %mul3A_596 = arith.constant 16 : i32
        %mul3A_597 = arith.muli %while3A_593, %mul3A_596 : i32
        %add3A_598 = vector.broadcast %mul3A_597 : i32 to vector<16xi32>
        %add3A_599 = arith.addi %add3A_598, %iota3A : vector<16xi32>
        %sub3A_600 = arith.subi %add3A_599, %broadcast_in_dim3A_491 : vector<16xi32>
        %and3A_601 = arith.constant 1023 : i32
        %and3A_602 = vector.broadcast %and3A_601 : i32 to vector<16xi32>
        %and3A_603 = arith.andi %sub3A_600, %and3A_602 : vector<16xi32>
        %lt3A = arith.cmpi slt, %and3A_603, %broadcast_in_dim3A_489 : vector<16xi32>
        %jit3A_604 = arith.constant 1.000000e+00 : f32
        %jit3A_605 = arith.constant 0.000000e+00 : f32
        %broadcast_in_dim3A_606 = vector.broadcast %jit3A_604 : f32 to vector<16xf32>
        %broadcast_in_dim3A_607 = vector.broadcast %jit3A_605 : f32 to vector<16xf32>
        %select_n3A_608 = arith.select %lt3A, %broadcast_in_dim3A_606, %broadcast_in_dim3A_607 : vector<16xi1>, vector<16xf32>
        %get3A_609 = arith.index_cast %scan3A_466 : i32 to index
        %get3A_610 = arith.index_cast %mul3A_597 : i32 to index
        %get3A_611 = tpu.vector_load %arg10[%get3A_609, %get3A_610] {strides = array<i32>} : memref<56x1024xf32, #tpu.memory_space<vmem>>, vector<1x16xf32>,
        %get3A_612 = vector.shape_cast %get3A_611 : vector<1x16xf32> to vector<16xf32>
        %get3A_613 = arith.index_cast %squeeze3A_478 : i32 to index
        %get3A_614 = arith.index_cast %mul3A_597 : i32 to index
        %get3A_615 = tpu.vector_load %arg11[%get3A_613, %get3A_614] {strides = array<i32>} : memref<26x1024xf32, #tpu.memory_space<vmem>>, vector<1x16xf32>,
        %get3A_616 = vector.shape_cast %get3A_615 : vector<1x16xf32> to vector<16xf32>
        %mul3A_617 = arith.mulf %get3A_616, %broadcast_in_dim3A_488 : vector<16xf32>
        %mul3A_618 = arith.mulf %mul3A_617, %select_n3A_608 : vector<16xf32>
        %eq3A = arith.constant 0 : i32
        %eq3A_619 = vector.broadcast %eq3A : i32 to vector<16xi32>
        %eq3A_620 = arith.cmpi eq, %and3A_603, %eq3A_619 : vector<16xi32>
        %sub3A_621 = arith.constant 1 : i32
        %sub3A_622 = vector.broadcast %sub3A_621 : i32 to vector<16xi32>
        %sub3A_623 = arith.subi %broadcast_in_dim3A_489, %sub3A_622 : vector<16xi32>
        %eq3A_624 = arith.cmpi eq, %and3A_603, %sub3A_623 : vector<16xi32>
        %jit3A_625 = arith.constant 1.000000e+00 : f32
        %broadcast_in_dim3A_626 = vector.broadcast %jit3A_625 : f32 to vector<16xf32>
        %select_n3A_627 = arith.select %eq3A_624, %broadcast_in_dim3A_485, %broadcast_in_dim3A_626 : vector<16xi1>, vector<16xf32>
        %select_n3A_628 = arith.select %eq3A_620, %broadcast_in_dim3A_485, %select_n3A_627 : vector<16xi1>, vector<16xf32>
        %sub3A_629 = arith.subf %select_n3A_628, %mul3A_618 : vector<16xf32>
        %mul3A_630 = arith.mulf %sub3A_629, %select_n3A_608 : vector<16xf32>
        %mul3A_631 = arith.mulf %select_n3A_628, %select_n3A_608 : vector<16xf32>
        %sub3A_632 = arith.constant 1.000000e+00 : f32
        %sub3A_633 = vector.broadcast %sub3A_632 : f32 to vector<16xf32>
        %sub3A_634 = arith.subf %sub3A_633, %select_n3A_608 : vector<16xf32>
        %mul3A_635 = arith.mulf %get3A_616, %sub3A_634 : vector<16xf32>
        %add3A_636 = arith.addf %mul3A_631, %mul3A_635 : vector<16xf32>
        %swap3A_637 = arith.index_cast %squeeze3A_478 : i32 to index
        %swap3A_638 = arith.index_cast %mul3A_597 : i32 to index
        %swap3A_639 = tpu.vector_load %arg11[%swap3A_637, %swap3A_638] {strides = array<i32>} : memref<26x1024xf32, #tpu.memory_space<vmem>>, vector<1x16xf32>,
        %swap3A_640 = vector.shape_cast %swap3A_639 : vector<1x16xf32> to vector<16xf32>
        %swap3A_641 = vector.shape_cast %add3A_636 : vector<16xf32> to vector<1x16xf32>
        tpu.vector_store %arg11[%swap3A_637, %swap3A_638], %swap3A_641 {strides = array<i32>} : memref<26x1024xf32, #tpu.memory_space<vmem>>, vector<1x16xf32>,
        %mul3A_642 = arith.mulf %mul3A_630, %get3A_612 : vector<16xf32>
        %add3A_643 = arith.addf %while3A_594, %mul3A_642 : vector<16xf32>
        %add3A_644 = arith.addf %while3A_595, %mul3A_630 : vector<16xf32>
        scf.yield %add3A_643, %add3A_644 : vector<16xf32>, vector<16xf32>
      }
      %add3A_550 = arith.addi %and3A_490, %squeeze3A_476 : i32
      %sub3A_551 = arith.constant 1024 : i32
      %sub3A_552 = arith.subi %add3A_550, %sub3A_551 : i32
      %max3A = arith.constant 0 : i32
      %max3A_553 = arith.maxsi %sub3A_552, %max3A : i32
      %add3A_554 = arith.constant 16 : i32
      %add3A_555 = arith.addi %max3A_553, %add3A_554 : i32
      %sub3A_556 = arith.constant 1 : i32
      %sub3A_557 = arith.subi %add3A_555, %sub3A_556 : i32
      %jit3A_558 = arith.constant 16 : i32
      %div3A_559 = arith.divsi %sub3A_557, %jit3A_558 : i32
      %sign3A_560 = arith.constant 0 : i32
      %sign3A_561 = arith.cmpi sgt, %sub3A_557, %sign3A_560 : i32
      %sign3A_562 = arith.extui %sign3A_561 : i1 to i32
      %sign3A_563 = arith.constant 0 : i32
      %sign3A_564 = arith.cmpi slt, %sub3A_557, %sign3A_563 : i32
      %sign3A_565 = arith.extui %sign3A_564 : i1 to i32
      %sign3A_566 = arith.subi %sign3A_562, %sign3A_565 : i32
      %sign3A_567 = arith.constant 0 : i32
      %sign3A_568 = arith.cmpi sgt, %jit3A_558, %sign3A_567 : i32
      %sign3A_569 = arith.extui %sign3A_568 : i1 to i32
      %sign3A_570 = arith.constant 0 : i32
      %sign3A_571 = arith.cmpi slt, %jit3A_558, %sign3A_570 : i32
      %sign3A_572 = arith.extui %sign3A_571 : i1 to i32
      %sign3A_573 = arith.subi %sign3A_569, %sign3A_572 : i32
      %ne3A_574 = arith.cmpi ne, %sign3A_566, %sign3A_573 : i32
      %rem3A_575 = arith.remsi %sub3A_557, %jit3A_558 : i32
      %ne3A_576 = arith.constant 0 : i32
      %ne3A_577 = arith.cmpi ne, %rem3A_575, %ne3A_576 : i32
      %and3A_578 = arith.andi %ne3A_574, %ne3A_577 : i1
      %sub3A_579 = arith.constant 1 : i32
      %sub3A_580 = arith.subi %div3A_559, %sub3A_579 : i32
      %select_n3A_581 = arith.select %and3A_578, %sub3A_580, %div3A_559 : i32
      %while3A_582 = arith.constant 0 : i32
      %while3A_583 = arith.subi %select_n3A_581, %while3A_582 : i32
      %while3A_584 = arith.addi %while3A_582, %while3A_583 : i32
      %while3A_585 = arith.constant 1 : i32
      %while3A_586 = arith.divsi %while3A_583, %while3A_585 : i32
      %while3A_587 = arith.muli %while3A_586, %while3A_585 : i32
      %while3A_588 = arith.addi %while3A_582, %while3A_587 : i32
      %while3A_589 = arith.constant 1 : i32
      %while3A_590:2 = scf.for %while3A_593 = %while3A_582 to %while3A_588 step %while3A_589 iter_args(%while3A_594 = %while3A_549#0, %while3A_595 = %while3A_549#1) -> (vector<16xf32>, vector<16xf32>)  : i32 {
        %mul3A_596 = arith.constant 16 : i32
        %mul3A_597 = arith.muli %while3A_593, %mul3A_596 : i32
        %add3A_598 = vector.broadcast %mul3A_597 : i32 to vector<16xi32>
        %add3A_599 = arith.addi %add3A_598, %iota3A : vector<16xi32>
        %sub3A_600 = arith.subi %add3A_599, %broadcast_in_dim3A_491 : vector<16xi32>
        %and3A_601 = arith.constant 1023 : i32
        %and3A_602 = vector.broadcast %and3A_601 : i32 to vector<16xi32>
        %and3A_603 = arith.andi %sub3A_600, %and3A_602 : vector<16xi32>
        %lt3A = arith.cmpi slt, %and3A_603, %broadcast_in_dim3A_489 : vector<16xi32>
        %jit3A_604 = arith.constant 1.000000e+00 : f32
        %jit3A_605 = arith.constant 0.000000e+00 : f32
        %broadcast_in_dim3A_606 = vector.broadcast %jit3A_604 : f32 to vector<16xf32>
        %broadcast_in_dim3A_607 = vector.broadcast %jit3A_605 : f32 to vector<16xf32>
        %select_n3A_608 = arith.select %lt3A, %broadcast_in_dim3A_606, %broadcast_in_dim3A_607 : vector<16xi1>, vector<16xf32>
        %get3A_609 = arith.index_cast %scan3A_466 : i32 to index
        %get3A_610 = arith.index_cast %mul3A_597 : i32 to index
        %get3A_611 = tpu.vector_load %arg10[%get3A_609, %get3A_610] {strides = array<i32>} : memref<56x1024xf32, #tpu.memory_space<vmem>>, vector<1x16xf32>,
        %get3A_612 = vector.shape_cast %get3A_611 : vector<1x16xf32> to vector<16xf32>
        %get3A_613 = arith.index_cast %squeeze3A_478 : i32 to index
        %get3A_614 = arith.index_cast %mul3A_597 : i32 to index
        %get3A_615 = tpu.vector_load %arg11[%get3A_613, %get3A_614] {strides = array<i32>} : memref<26x1024xf32, #tpu.memory_space<vmem>>, vector<1x16xf32>,
        %get3A_616 = vector.shape_cast %get3A_615 : vector<1x16xf32> to vector<16xf32>
        %mul3A_617 = arith.mulf %get3A_616, %broadcast_in_dim3A_488 : vector<16xf32>
        %mul3A_618 = arith.mulf %mul3A_617, %select_n3A_608 : vector<16xf32>
        %eq3A = arith.constant 0 : i32
        %eq3A_619 = vector.broadcast %eq3A : i32 to vector<16xi32>
        %eq3A_620 = arith.cmpi eq, %and3A_603, %eq3A_619 : vector<16xi32>
        %sub3A_621 = arith.constant 1 : i32
        %sub3A_622 = vector.broadcast %sub3A_621 : i32 to vector<16xi32>
        %sub3A_623 = arith.subi %broadcast_in_dim3A_489, %sub3A_622 : vector<16xi32>
        %eq3A_624 = arith.cmpi eq, %and3A_603, %sub3A_623 : vector<16xi32>
        %jit3A_625 = arith.constant 1.000000e+00 : f32
        %broadcast_in_dim3A_626 = vector.broadcast %jit3A_625 : f32 to vector<16xf32>
        %select_n3A_627 = arith.select %eq3A_624, %broadcast_in_dim3A_485, %broadcast_in_dim3A_626 : vector<16xi1>, vector<16xf32>
        %select_n3A_628 = arith.select %eq3A_620, %broadcast_in_dim3A_485, %select_n3A_627 : vector<16xi1>, vector<16xf32>
        %sub3A_629 = arith.subf %select_n3A_628, %mul3A_618 : vector<16xf32>
        %mul3A_630 = arith.mulf %sub3A_629, %select_n3A_608 : vector<16xf32>
        %mul3A_631 = arith.mulf %select_n3A_628, %select_n3A_608 : vector<16xf32>
        %sub3A_632 = arith.constant 1.000000e+00 : f32
        %sub3A_633 = vector.broadcast %sub3A_632 : f32 to vector<16xf32>
        %sub3A_634 = arith.subf %sub3A_633, %select_n3A_608 : vector<16xf32>
        %mul3A_635 = arith.mulf %get3A_616, %sub3A_634 : vector<16xf32>
        %add3A_636 = arith.addf %mul3A_631, %mul3A_635 : vector<16xf32>
        %swap3A_637 = arith.index_cast %squeeze3A_478 : i32 to index
        %swap3A_638 = arith.index_cast %mul3A_597 : i32 to index
        %swap3A_639 = tpu.vector_load %arg11[%swap3A_637, %swap3A_638] {strides = array<i32>} : memref<26x1024xf32, #tpu.memory_space<vmem>>, vector<1x16xf32>,
        %swap3A_640 = vector.shape_cast %swap3A_639 : vector<1x16xf32> to vector<16xf32>
        %swap3A_641 = vector.shape_cast %add3A_636 : vector<16xf32> to vector<1x16xf32>
        tpu.vector_store %arg11[%swap3A_637, %swap3A_638], %swap3A_641 {strides = array<i32>} : memref<26x1024xf32, #tpu.memory_space<vmem>>, vector<1x16xf32>,
        %mul3A_642 = arith.mulf %mul3A_630, %get3A_612 : vector<16xf32>
        %add3A_643 = arith.addf %while3A_594, %mul3A_642 : vector<16xf32>
        %add3A_644 = arith.addf %while3A_595, %mul3A_630 : vector<16xf32>
        scf.yield %add3A_643, %add3A_644 : vector<16xf32>, vector<16xf32>
      }
      %while3A_591 = arith.constant 1 : i32
      %while3A_592:2 = scf.for %while3A_593 = %while3A_588 to %while3A_584 step %while3A_591 iter_args(%while3A_594 = %while3A_590#0, %while3A_595 = %while3A_590#1) -> (vector<16xf32>, vector<16xf32>)  : i32 {
        %mul3A_596 = arith.constant 16 : i32
        %mul3A_597 = arith.muli %while3A_593, %mul3A_596 : i32
        %add3A_598 = vector.broadcast %mul3A_597 : i32 to vector<16xi32>
        %add3A_599 = arith.addi %add3A_598, %iota3A : vector<16xi32>
        %sub3A_600 = arith.subi %add3A_599, %broadcast_in_dim3A_491 : vector<16xi32>
        %and3A_601 = arith.constant 1023 : i32
        %and3A_602 = vector.broadcast %and3A_601 : i32 to vector<16xi32>
        %and3A_603 = arith.andi %sub3A_600, %and3A_602 : vector<16xi32>
        %lt3A = arith.cmpi slt, %and3A_603, %broadcast_in_dim3A_489 : vector<16xi32>
        %jit3A_604 = arith.constant 1.000000e+00 : f32
        %jit3A_605 = arith.constant 0.000000e+00 : f32
        %broadcast_in_dim3A_606 = vector.broadcast %jit3A_604 : f32 to vector<16xf32>
        %broadcast_in_dim3A_607 = vector.broadcast %jit3A_605 : f32 to vector<16xf32>
        %select_n3A_608 = arith.select %lt3A, %broadcast_in_dim3A_606, %broadcast_in_dim3A_607 : vector<16xi1>, vector<16xf32>
        %get3A_609 = arith.index_cast %scan3A_466 : i32 to index
        %get3A_610 = arith.index_cast %mul3A_597 : i32 to index
        %get3A_611 = tpu.vector_load %arg10[%get3A_609, %get3A_610] {strides = array<i32>} : memref<56x1024xf32, #tpu.memory_space<vmem>>, vector<1x16xf32>,
        %get3A_612 = vector.shape_cast %get3A_611 : vector<1x16xf32> to vector<16xf32>
        %get3A_613 = arith.index_cast %squeeze3A_478 : i32 to index
        %get3A_614 = arith.index_cast %mul3A_597 : i32 to index
        %get3A_615 = tpu.vector_load %arg11[%get3A_613, %get3A_614] {strides = array<i32>} : memref<26x1024xf32, #tpu.memory_space<vmem>>, vector<1x16xf32>,
        %get3A_616 = vector.shape_cast %get3A_615 : vector<1x16xf32> to vector<16xf32>
        %mul3A_617 = arith.mulf %get3A_616, %broadcast_in_dim3A_488 : vector<16xf32>
        %mul3A_618 = arith.mulf %mul3A_617, %select_n3A_608 : vector<16xf32>
        %eq3A = arith.constant 0 : i32
        %eq3A_619 = vector.broadcast %eq3A : i32 to vector<16xi32>
        %eq3A_620 = arith.cmpi eq, %and3A_603, %eq3A_619 : vector<16xi32>
        %sub3A_621 = arith.constant 1 : i32
        %sub3A_622 = vector.broadcast %sub3A_621 : i32 to vector<16xi32>
        %sub3A_623 = arith.subi %broadcast_in_dim3A_489, %sub3A_622 : vector<16xi32>
        %eq3A_624 = arith.cmpi eq, %and3A_603, %sub3A_623 : vector<16xi32>
        %jit3A_625 = arith.constant 1.000000e+00 : f32
        %broadcast_in_dim3A_626 = vector.broadcast %jit3A_625 : f32 to vector<16xf32>
        %select_n3A_627 = arith.select %eq3A_624, %broadcast_in_dim3A_485, %broadcast_in_dim3A_626 : vector<16xi1>, vector<16xf32>
        %select_n3A_628 = arith.select %eq3A_620, %broadcast_in_dim3A_485, %select_n3A_627 : vector<16xi1>, vector<16xf32>
        %sub3A_629 = arith.subf %select_n3A_628, %mul3A_618 : vector<16xf32>
        %mul3A_630 = arith.mulf %sub3A_629, %select_n3A_608 : vector<16xf32>
        %mul3A_631 = arith.mulf %select_n3A_628, %select_n3A_608 : vector<16xf32>
        %sub3A_632 = arith.constant 1.000000e+00 : f32
        %sub3A_633 = vector.broadcast %sub3A_632 : f32 to vector<16xf32>
        %sub3A_634 = arith.subf %sub3A_633, %select_n3A_608 : vector<16xf32>
        %mul3A_635 = arith.mulf %get3A_616, %sub3A_634 : vector<16xf32>
        %add3A_636 = arith.addf %mul3A_631, %mul3A_635 : vector<16xf32>
        %swap3A_637 = arith.index_cast %squeeze3A_478 : i32 to index
        %swap3A_638 = arith.index_cast %mul3A_597 : i32 to index
        %swap3A_639 = tpu.vector_load %arg11[%swap3A_637, %swap3A_638] {strides = array<i32>} : memref<26x1024xf32, #tpu.memory_space<vmem>>, vector<1x16xf32>,
        %swap3A_640 = vector.shape_cast %swap3A_639 : vector<1x16xf32> to vector<16xf32>
        %swap3A_641 = vector.shape_cast %add3A_636 : vector<16xf32> to vector<1x16xf32>
        tpu.vector_store %arg11[%swap3A_637, %swap3A_638], %swap3A_641 {strides = array<i32>} : memref<26x1024xf32, #tpu.memory_space<vmem>>, vector<1x16xf32>,
        %mul3A_642 = arith.mulf %mul3A_630, %get3A_612 : vector<16xf32>
        %add3A_643 = arith.addf %while3A_594, %mul3A_642 : vector<16xf32>
        %add3A_644 = arith.addf %while3A_595, %mul3A_630 : vector<16xf32>
        scf.yield %add3A_643, %add3A_644 : vector<16xf32>, vector<16xf32>
      }
      scf.yield %while3A_592#0, %while3A_592#1 : vector<16xf32>, vector<16xf32>
    }
    %scan3A_408 = arith.constant 50 : i32
    %swap3A_409 = arith.constant 0 : index
    %swap3A_410 = tpu.vector_load %arg12[%swap3A_409] {strides = array<i32>} : memref<32xf32, #tpu.memory_space<vmem>>, vector<16xf32>,
    %swap3A_411 = vector.shape_cast %swap3A_410 : vector<16xf32> to vector<16xf32>
    %swap3A_412 = vector.shape_cast %scan3A_407#0 : vector<16xf32> to vector<16xf32>
    tpu.vector_store %arg12[%swap3A_409], %swap3A_412 {strides = array<i32>} : memref<32xf32, #tpu.memory_space<vmem>>, vector<16xf32>,
    %swap3A_413 = arith.constant 16 : index
    %swap3A_414 = tpu.vector_load %arg12[%swap3A_413] {strides = array<i32>} : memref<32xf32, #tpu.memory_space<vmem>>, vector<16xf32>,
    %swap3A_415 = vector.shape_cast %swap3A_414 : vector<16xf32> to vector<16xf32>
    %swap3A_416 = vector.shape_cast %scan3A_407#1 : vector<16xf32> to vector<16xf32>
    tpu.vector_store %arg12[%swap3A_413], %swap3A_416 {strides = array<i32>} : memref<32xf32, #tpu.memory_space<vmem>>, vector<16xf32>,
    %mul3A_417 = arith.constant 2 : i32
    %mul3A_418 = arith.muli %mul3A_386, %mul3A_417 : i32
    %mul3A_419 = arith.constant 16 : i32
    %mul3A_420 = arith.muli %mul3A_418, %mul3A_419 : i32
    "tpu.region"() ({
      %run_scoped3A = tpu.sem_alloc : memref<!tpu.dma_semaphore, #tpu.memory_space<semaphore_mem>>
      %dma_start3A_466 = tpu.memref_slice %arg6[%mul3A_420] : memref<2048xf32, #tpu.memory_space<hbm>> -> memref<32xf32, #tpu.memory_space<hbm>>
      %dma_start3A_467 = tpu.memref_slice %arg6[%mul3A_420] : memref<2048xf32, #tpu.memory_space<hbm>> -> memref<32xf32, #tpu.memory_space<hbm>>
      tpu.enqueue_dma source(%arg12 : memref<32xf32, #tpu.memory_space<vmem>>) target(%dma_start3A_467 : memref<32xf32, #tpu.memory_space<hbm>>) target_semaphore(%run_scoped3A : memref<!tpu.dma_semaphore, #tpu.memory_space<semaphore_mem>>)
      %dma_wait3A_468 = tpu.memref_slice %arg6[%mul3A_420] : memref<2048xf32, #tpu.memory_space<hbm>> -> memref<32xf32, #tpu.memory_space<hbm>>
      %dma_wait3A_469 = tpu.memref_slice %arg6[%mul3A_420] : memref<2048xf32, #tpu.memory_space<hbm>> -> memref<32xf32, #tpu.memory_space<hbm>>
      tpu.wait_dma2 semaphore(%run_scoped3A : memref<!tpu.dma_semaphore, #tpu.memory_space<semaphore_mem>>) src(%arg12 : memref<32xf32, #tpu.memory_space<vmem>>) dst(%dma_wait3A_469 : memref<32xf32, #tpu.memory_space<hbm>>)
      tpu.yield
    }) : () -> ()
    %mul3A_421 = arith.constant 2 : i32
    %mul3A_422 = arith.muli %add3A, %mul3A_421 : i32
    %add3A_423 = arith.constant 1 : i32
    %add3A_424 = arith.addi %mul3A_422, %add3A_423 : i32
    "tpu.region"() ({
      %run_scoped3A = tpu.sem_alloc : memref<!tpu.dma_semaphore, #tpu.memory_space<semaphore_mem>>
      %dma_start3A_466 = arith.constant 0 : i32
      %dma_start3A_467 = tpu.memref_slice %arg3[%add3A_424, %dma_start3A_466] : memref<64x56xi32, #tpu.memory_space<hbm>> -> memref<1x56xi32, #tpu.memory_space<hbm>>
      %dma_start3A_468 = tpu.memref_squeeze %dma_start3A_467 : memref<1x56xi32, #tpu.memory_space<hbm>> -> memref<56xi32, #tpu.memory_space<hbm>>
      %dma_start3A_469 = arith.constant 0 : i32
      %dma_start3A_470 = tpu.memref_slice %arg3[%add3A_424, %dma_start3A_469] : memref<64x56xi32, #tpu.memory_space<hbm>> -> memref<1x56xi32, #tpu.memory_space<hbm>>
      %dma_start3A_471 = tpu.memref_squeeze %dma_start3A_470 : memref<1x56xi32, #tpu.memory_space<hbm>> -> memref<56xi32, #tpu.memory_space<hbm>>
      tpu.enqueue_dma source(%dma_start3A_471 : memref<56xi32, #tpu.memory_space<hbm>>) target(%arg7 : memref<56xi32, #tpu.memory_space<vmem>>) target_semaphore(%run_scoped3A : memref<!tpu.dma_semaphore, #tpu.memory_space<semaphore_mem>>)
      %dma_wait3A_472 = arith.constant 0 : i32
      %dma_wait3A_473 = tpu.memref_slice %arg3[%add3A_424, %dma_wait3A_472] : memref<64x56xi32, #tpu.memory_space<hbm>> -> memref<1x56xi32, #tpu.memory_space<hbm>>
      %dma_wait3A_474 = tpu.memref_squeeze %dma_wait3A_473 : memref<1x56xi32, #tpu.memory_space<hbm>> -> memref<56xi32, #tpu.memory_space<hbm>>
      %dma_wait3A_475 = arith.constant 0 : i32
      %dma_wait3A_476 = tpu.memref_slice %arg3[%add3A_424, %dma_wait3A_475] : memref<64x56xi32, #tpu.memory_space<hbm>> -> memref<1x56xi32, #tpu.memory_space<hbm>>
      %dma_wait3A_477 = tpu.memref_squeeze %dma_wait3A_476 : memref<1x56xi32, #tpu.memory_space<hbm>> -> memref<56xi32, #tpu.memory_space<hbm>>
      tpu.wait_dma2 semaphore(%run_scoped3A : memref<!tpu.dma_semaphore, #tpu.memory_space<semaphore_mem>>) src(%dma_wait3A_477 : memref<56xi32, #tpu.memory_space<hbm>>) dst(%arg7 : memref<56xi32, #tpu.memory_space<vmem>>)
      tpu.yield
    }) : () -> ()
    "tpu.region"() ({
      %run_scoped3A = tpu.sem_alloc : memref<!tpu.dma_semaphore, #tpu.memory_space<semaphore_mem>>
      %dma_start3A_466 = arith.constant 0 : i32
      %dma_start3A_467 = arith.constant 0 : i32
      %dma_start3A_468 = tpu.memref_slice %arg4[%add3A_424, %dma_start3A_466, %dma_start3A_467] : memref<64x50x16xi32, #tpu.memory_space<hbm>> -> memref<1x50x16xi32, #tpu.memory_space<hbm>>
      %dma_start3A_469 = tpu.memref_squeeze %dma_start3A_468 : memref<1x50x16xi32, #tpu.memory_space<hbm>> -> memref<50x16xi32, #tpu.memory_space<hbm>>
      %dma_start3A_470 = arith.constant 0 : i32
      %dma_start3A_471 = arith.constant 0 : i32
      %dma_start3A_472 = tpu.memref_slice %arg4[%add3A_424, %dma_start3A_470, %dma_start3A_471] : memref<64x50x16xi32, #tpu.memory_space<hbm>> -> memref<1x50x16xi32, #tpu.memory_space<hbm>>
      %dma_start3A_473 = tpu.memref_squeeze %dma_start3A_472 : memref<1x50x16xi32, #tpu.memory_space<hbm>> -> memref<50x16xi32, #tpu.memory_space<hbm>>
      tpu.enqueue_dma source(%dma_start3A_473 : memref<50x16xi32, #tpu.memory_space<hbm>>) target(%arg8 : memref<50x16xi32, #tpu.memory_space<vmem>>) target_semaphore(%run_scoped3A : memref<!tpu.dma_semaphore, #tpu.memory_space<semaphore_mem>>)
      %dma_wait3A_474 = arith.constant 0 : i32
      %dma_wait3A_475 = arith.constant 0 : i32
      %dma_wait3A_476 = tpu.memref_slice %arg4[%add3A_424, %dma_wait3A_474, %dma_wait3A_475] : memref<64x50x16xi32, #tpu.memory_space<hbm>> -> memref<1x50x16xi32, #tpu.memory_space<hbm>>
      %dma_wait3A_477 = tpu.memref_squeeze %dma_wait3A_476 : memref<1x50x16xi32, #tpu.memory_space<hbm>> -> memref<50x16xi32, #tpu.memory_space<hbm>>
      %dma_wait3A_478 = arith.constant 0 : i32
      %dma_wait3A_479 = arith.constant 0 : i32
      %dma_wait3A_480 = tpu.memref_slice %arg4[%add3A_424, %dma_wait3A_478, %dma_wait3A_479] : memref<64x50x16xi32, #tpu.memory_space<hbm>> -> memref<1x50x16xi32, #tpu.memory_space<hbm>>
      %dma_wait3A_481 = tpu.memref_squeeze %dma_wait3A_480 : memref<1x50x16xi32, #tpu.memory_space<hbm>> -> memref<50x16xi32, #tpu.memory_space<hbm>>
      tpu.wait_dma2 semaphore(%run_scoped3A : memref<!tpu.dma_semaphore, #tpu.memory_space<semaphore_mem>>) src(%dma_wait3A_481 : memref<50x16xi32, #tpu.memory_space<hbm>>) dst(%arg8 : memref<50x16xi32, #tpu.memory_space<vmem>>)
      tpu.yield
    }) : () -> ()
    "tpu.region"() ({
      %run_scoped3A = tpu.sem_alloc : memref<!tpu.dma_semaphore, #tpu.memory_space<semaphore_mem>>
      %dma_start3A_466 = arith.constant 0 : i32
      %dma_start3A_467 = arith.constant 0 : i32
      %dma_start3A_468 = tpu.memref_slice %arg5[%add3A_424, %dma_start3A_466, %dma_start3A_467] : memref<64x50x16xf32, #tpu.memory_space<hbm>> -> memref<1x50x16xf32, #tpu.memory_space<hbm>>
      %dma_start3A_469 = tpu.memref_squeeze %dma_start3A_468 : memref<1x50x16xf32, #tpu.memory_space<hbm>> -> memref<50x16xf32, #tpu.memory_space<hbm>>
      %dma_start3A_470 = arith.constant 0 : i32
      %dma_start3A_471 = arith.constant 0 : i32
      %dma_start3A_472 = tpu.memref_slice %arg5[%add3A_424, %dma_start3A_470, %dma_start3A_471] : memref<64x50x16xf32, #tpu.memory_space<hbm>> -> memref<1x50x16xf32, #tpu.memory_space<hbm>>
      %dma_start3A_473 = tpu.memref_squeeze %dma_start3A_472 : memref<1x50x16xf32, #tpu.memory_space<hbm>> -> memref<50x16xf32, #tpu.memory_space<hbm>>
      tpu.enqueue_dma source(%dma_start3A_473 : memref<50x16xf32, #tpu.memory_space<hbm>>) target(%arg9 : memref<50x16xf32, #tpu.memory_space<vmem>>) target_semaphore(%run_scoped3A : memref<!tpu.dma_semaphore, #tpu.memory_space<semaphore_mem>>)
      %dma_wait3A_474 = arith.constant 0 : i32
      %dma_wait3A_475 = arith.constant 0 : i32
      %dma_wait3A_476 = tpu.memref_slice %arg5[%add3A_424, %dma_wait3A_474, %dma_wait3A_475] : memref<64x50x16xf32, #tpu.memory_space<hbm>> -> memref<1x50x16xf32, #tpu.memory_space<hbm>>
      %dma_wait3A_477 = tpu.memref_squeeze %dma_wait3A_476 : memref<1x50x16xf32, #tpu.memory_space<hbm>> -> memref<50x16xf32, #tpu.memory_space<hbm>>
      %dma_wait3A_478 = arith.constant 0 : i32
      %dma_wait3A_479 = arith.constant 0 : i32
      %dma_wait3A_480 = tpu.memref_slice %arg5[%add3A_424, %dma_wait3A_478, %dma_wait3A_479] : memref<64x50x16xf32, #tpu.memory_space<hbm>> -> memref<1x50x16xf32, #tpu.memory_space<hbm>>
      %dma_wait3A_481 = tpu.memref_squeeze %dma_wait3A_480 : memref<1x50x16xf32, #tpu.memory_space<hbm>> -> memref<50x16xf32, #tpu.memory_space<hbm>>
      tpu.wait_dma2 semaphore(%run_scoped3A : memref<!tpu.dma_semaphore, #tpu.memory_space<semaphore_mem>>) src(%dma_wait3A_481 : memref<50x16xf32, #tpu.memory_space<hbm>>) dst(%arg9 : memref<50x16xf32, #tpu.memory_space<vmem>>)
      tpu.yield
    }) : () -> ()
    %dma_start3A_425 = arith.constant 0 : i32
    %dma_start3A_426 = arith.constant 0 : i32
    %dma_start3A_427 = tpu.memref_slice %arg2[%dma_start3A_425, %dma_start3A_426] : memref<32768x1024xf32, #tpu.memory_space<hbm>> -> memref<32768x1024xf32, #tpu.memory_space<hbm>>
    tpu.enqueue_indirect_dma source(%dma_start3A_427 : memref<32768x1024xf32, #tpu.memory_space<hbm>>) target(%arg10 : memref<56x1024xf32, #tpu.memory_space<vmem>>) offsets(%arg7 : memref<56xi32, #tpu.memory_space<vmem>>) semaphore(%arg13 : memref<!tpu.dma_semaphore, #tpu.memory_space<semaphore_mem>>)
    %dma_wait3A_428 = arith.constant 0 : i32
    %dma_wait3A_429 = arith.constant 0 : i32
    %dma_wait3A_430 = tpu.memref_slice %arg2[%dma_wait3A_428, %dma_wait3A_429] : memref<32768x1024xf32, #tpu.memory_space<hbm>> -> memref<32768x1024xf32, #tpu.memory_space<hbm>>
    tpu.wait_indirect_dma semaphore(%arg13 : memref<!tpu.dma_semaphore, #tpu.memory_space<semaphore_mem>>) src(%dma_wait3A_430 : memref<32768x1024xf32, #tpu.memory_space<hbm>>) dst(%arg10 : memref<56x1024xf32, #tpu.memory_space<vmem>>)
    %get3A_431 = arith.constant 0 : i32
    %get3A_432 = arith.index_cast %get3A_431 : i32 to index
    %get3A_433 = arith.constant 0 : index
    %get3A_434 = tpu.vector_load %arg8[%get3A_432, %get3A_433] {strides = array<i32>} : memref<50x16xi32, #tpu.memory_space<vmem>>, vector<1x16xi32>,
    %get3A_435 = vector.shape_cast %get3A_434 : vector<1x16xi32> to vector<16xi32>
    %slice3A_436 = vector.extract_strided_slice %get3A_435 {offsets = [3], sizes = [1], strides = [1]} : vector<16xi32> to vector<1xi32>
    %squeeze3A_437 = vector.extract %slice3A_436[0] : i32 from vector<1xi32>
    %while3A_438 = arith.constant 0 : i32
    %while3A_439 = arith.constant 0 : i32
    %while3A_440 = arith.subi %squeeze3A_437, %while3A_439 : i32
    %while3A_441 = arith.addi %while3A_439, %while3A_440 : i32
    %while3A_442 = arith.constant 1 : i32
    %while3A_443 = arith.divsi %while3A_440, %while3A_442 : i32
    %while3A_444 = arith.muli %while3A_443, %while3A_442 : i32
    %while3A_445 = arith.addi %while3A_439, %while3A_444 : i32
    %while3A_446 = arith.constant 1 : i32
    scf.for %while3A_466 = %while3A_439 to %while3A_445 step %while3A_446  : i32 {
      %scan3A_467 = arith.constant 0 : i32
      %scan3A_468 = arith.constant 64 : i32
      %scan3A_469 = arith.addi %scan3A_467, %scan3A_468 : i32
      %scan3A_470 = arith.constant 1 : i32
      scf.for %scan3A_472 = %scan3A_467 to %scan3A_469 step %scan3A_470  : i32 {
        %mul3A_473 = arith.constant 16 : i32
        %mul3A_474 = arith.muli %scan3A_472, %mul3A_473 : i32
        %swap3A_475 = arith.index_cast %while3A_466 : i32 to index
        %swap3A_476 = arith.index_cast %mul3A_474 : i32 to index
        %swap3A_477 = tpu.vector_load %arg11[%swap3A_475, %swap3A_476] {strides = array<i32>} : memref<26x1024xf32, #tpu.memory_space<vmem>>, vector<1x16xf32>,
        %swap3A_478 = vector.shape_cast %swap3A_477 : vector<1x16xf32> to vector<16xf32>
        %swap3A_479 = vector.shape_cast %broadcast_in_dim3A_1 : vector<16xf32> to vector<1x16xf32>
        tpu.vector_store %arg11[%swap3A_475, %swap3A_476], %swap3A_479 {strides = array<i32>} : memref<26x1024xf32, #tpu.memory_space<vmem>>, vector<1x16xf32>,
      }
      %scan3A_471 = arith.constant 64 : i32
    }
    %while3A_447 = arith.constant 1 : i32
    scf.for %while3A_466 = %while3A_445 to %while3A_441 step %while3A_447  : i32 {
      %scan3A_467 = arith.constant 0 : i32
      %scan3A_468 = arith.constant 64 : i32
      %scan3A_469 = arith.addi %scan3A_467, %scan3A_468 : i32
      %scan3A_470 = arith.constant 1 : i32
      scf.for %scan3A_472 = %scan3A_467 to %scan3A_469 step %scan3A_470  : i32 {
        %mul3A_473 = arith.constant 16 : i32
        %mul3A_474 = arith.muli %scan3A_472, %mul3A_473 : i32
        %swap3A_475 = arith.index_cast %while3A_466 : i32 to index
        %swap3A_476 = arith.index_cast %mul3A_474 : i32 to index
        %swap3A_477 = tpu.vector_load %arg11[%swap3A_475, %swap3A_476] {strides = array<i32>} : memref<26x1024xf32, #tpu.memory_space<vmem>>, vector<1x16xf32>,
        %swap3A_478 = vector.shape_cast %swap3A_477 : vector<1x16xf32> to vector<16xf32>
        %swap3A_479 = vector.shape_cast %broadcast_in_dim3A_1 : vector<16xf32> to vector<1x16xf32>
        tpu.vector_store %arg11[%swap3A_475, %swap3A_476], %swap3A_479 {strides = array<i32>} : memref<26x1024xf32, #tpu.memory_space<vmem>>, vector<1x16xf32>,
      }
      %scan3A_471 = arith.constant 64 : i32
    }
    %scan3A_448 = arith.constant 0 : i32
    %scan3A_449 = arith.constant 50 : i32
    %scan3A_450 = arith.addi %scan3A_448, %scan3A_449 : i32
    %scan3A_451 = arith.constant 1 : i32
    %scan3A_452:2 = scf.for %scan3A_466 = %scan3A_448 to %scan3A_450 step %scan3A_451 iter_args(%scan3A_467 = %broadcast_in_dim3A_1, %scan3A_468 = %broadcast_in_dim3A_1) -> (vector<16xf32>, vector<16xf32>)  : i32 {
      %get3A_469 = arith.index_cast %scan3A_466 : i32 to index
      %get3A_470 = arith.constant 0 : index
      %get3A_471 = tpu.vector_load %arg8[%get3A_469, %get3A_470] {strides = array<i32>} : memref<50x16xi32, #tpu.memory_space<vmem>>, vector<1x16xi32>,
      %get3A_472 = vector.shape_cast %get3A_471 : vector<1x16xi32> to vector<16xi32>
      %slice3A_473 = vector.extract_strided_slice %get3A_472 {offsets = [0], sizes = [1], strides = [1]} : vector<16xi32> to vector<1xi32>
      %squeeze3A_474 = vector.extract %slice3A_473[0] : i32 from vector<1xi32>
      %slice3A_475 = vector.extract_strided_slice %get3A_472 {offsets = [1], sizes = [1], strides = [1]} : vector<16xi32> to vector<1xi32>
      %squeeze3A_476 = vector.extract %slice3A_475[0] : i32 from vector<1xi32>
      %slice3A_477 = vector.extract_strided_slice %get3A_472 {offsets = [2], sizes = [1], strides = [1]} : vector<16xi32> to vector<1xi32>
      %squeeze3A_478 = vector.extract %slice3A_477[0] : i32 from vector<1xi32>
      %get3A_479 = arith.index_cast %scan3A_466 : i32 to index
      %get3A_480 = arith.constant 0 : index
      %get3A_481 = tpu.vector_load %arg9[%get3A_479, %get3A_480] {strides = array<i32>} : memref<50x16xf32, #tpu.memory_space<vmem>>, vector<1x16xf32>,
      %get3A_482 = vector.shape_cast %get3A_481 : vector<1x16xf32> to vector<16xf32>
      %slice3A_483 = vector.extract_strided_slice %get3A_482 {offsets = [0], sizes = [1], strides = [1]} : vector<16xf32> to vector<1xf32>
      %squeeze3A_484 = vector.extract %slice3A_483[0] : f32 from vector<1xf32>
      %broadcast_in_dim3A_485 = vector.broadcast %squeeze3A_484 : f32 to vector<16xf32>
      %slice3A_486 = vector.extract_strided_slice %get3A_482 {offsets = [1], sizes = [1], strides = [1]} : vector<16xf32> to vector<1xf32>
      %squeeze3A_487 = vector.extract %slice3A_486[0] : f32 from vector<1xf32>
      %broadcast_in_dim3A_488 = vector.broadcast %squeeze3A_487 : f32 to vector<16xf32>
      %broadcast_in_dim3A_489 = vector.broadcast %squeeze3A_476 : i32 to vector<16xi32>
      %and3A = arith.constant 1023 : i32
      %and3A_490 = arith.andi %squeeze3A_474, %and3A : i32
      %broadcast_in_dim3A_491 = vector.broadcast %and3A_490 : i32 to vector<16xi32>
      %sub3A = arith.constant 1024 : i32
      %sub3A_492 = arith.subi %sub3A, %and3A_490 : i32
      %min3A = arith.minsi %squeeze3A_476, %sub3A_492 : i32
      %jit3A = arith.constant 16 : i32
      %div3A = arith.divsi %and3A_490, %jit3A : i32
      %sign3A = arith.constant 0 : i32
      %sign3A_493 = arith.cmpi sgt, %and3A_490, %sign3A : i32
      %sign3A_494 = arith.extui %sign3A_493 : i1 to i32
      %sign3A_495 = arith.constant 0 : i32
      %sign3A_496 = arith.cmpi slt, %and3A_490, %sign3A_495 : i32
      %sign3A_497 = arith.extui %sign3A_496 : i1 to i32
      %sign3A_498 = arith.subi %sign3A_494, %sign3A_497 : i32
      %sign3A_499 = arith.constant 0 : i32
      %sign3A_500 = arith.cmpi sgt, %jit3A, %sign3A_499 : i32
      %sign3A_501 = arith.extui %sign3A_500 : i1 to i32
      %sign3A_502 = arith.constant 0 : i32
      %sign3A_503 = arith.cmpi slt, %jit3A, %sign3A_502 : i32
      %sign3A_504 = arith.extui %sign3A_503 : i1 to i32
      %sign3A_505 = arith.subi %sign3A_501, %sign3A_504 : i32
      %ne3A = arith.cmpi ne, %sign3A_498, %sign3A_505 : i32
      %rem3A = arith.remsi %and3A_490, %jit3A : i32
      %ne3A_506 = arith.constant 0 : i32
      %ne3A_507 = arith.cmpi ne, %rem3A, %ne3A_506 : i32
      %and3A_508 = arith.andi %ne3A, %ne3A_507 : i1
      %sub3A_509 = arith.constant 1 : i32
      %sub3A_510 = arith.subi %div3A, %sub3A_509 : i32
      %select_n3A = arith.select %and3A_508, %sub3A_510, %div3A : i32
      %add3A_511 = arith.addi %and3A_490, %min3A : i32
      %add3A_512 = arith.constant 16 : i32
      %add3A_513 = arith.addi %add3A_511, %add3A_512 : i32
      %sub3A_514 = arith.constant 1 : i32
      %sub3A_515 = arith.subi %add3A_513, %sub3A_514 : i32
      %jit3A_516 = arith.constant 16 : i32
      %div3A_517 = arith.divsi %sub3A_515, %jit3A_516 : i32
      %sign3A_518 = arith.constant 0 : i32
      %sign3A_519 = arith.cmpi sgt, %sub3A_515, %sign3A_518 : i32
      %sign3A_520 = arith.extui %sign3A_519 : i1 to i32
      %sign3A_521 = arith.constant 0 : i32
      %sign3A_522 = arith.cmpi slt, %sub3A_515, %sign3A_521 : i32
      %sign3A_523 = arith.extui %sign3A_522 : i1 to i32
      %sign3A_524 = arith.subi %sign3A_520, %sign3A_523 : i32
      %sign3A_525 = arith.constant 0 : i32
      %sign3A_526 = arith.cmpi sgt, %jit3A_516, %sign3A_525 : i32
      %sign3A_527 = arith.extui %sign3A_526 : i1 to i32
      %sign3A_528 = arith.constant 0 : i32
      %sign3A_529 = arith.cmpi slt, %jit3A_516, %sign3A_528 : i32
      %sign3A_530 = arith.extui %sign3A_529 : i1 to i32
      %sign3A_531 = arith.subi %sign3A_527, %sign3A_530 : i32
      %ne3A_532 = arith.cmpi ne, %sign3A_524, %sign3A_531 : i32
      %rem3A_533 = arith.remsi %sub3A_515, %jit3A_516 : i32
      %ne3A_534 = arith.constant 0 : i32
      %ne3A_535 = arith.cmpi ne, %rem3A_533, %ne3A_534 : i32
      %and3A_536 = arith.andi %ne3A_532, %ne3A_535 : i1
      %sub3A_537 = arith.constant 1 : i32
      %sub3A_538 = arith.subi %div3A_517, %sub3A_537 : i32
      %select_n3A_539 = arith.select %and3A_536, %sub3A_538, %div3A_517 : i32
      %while3A_540 = arith.subi %select_n3A_539, %select_n3A : i32
      %while3A_541 = arith.addi %select_n3A, %while3A_540 : i32
      %while3A_542 = arith.constant 1 : i32
      %while3A_543 = arith.divsi %while3A_540, %while3A_542 : i32
      %while3A_544 = arith.muli %while3A_543, %while3A_542 : i32
      %while3A_545 = arith.addi %select_n3A, %while3A_544 : i32
      %while3A_546 = arith.constant 1 : i32
      %while3A_547:2 = scf.for %while3A_593 = %select_n3A to %while3A_545 step %while3A_546 iter_args(%while3A_594 = %scan3A_467, %while3A_595 = %scan3A_468) -> (vector<16xf32>, vector<16xf32>)  : i32 {
        %mul3A_596 = arith.constant 16 : i32
        %mul3A_597 = arith.muli %while3A_593, %mul3A_596 : i32
        %add3A_598 = vector.broadcast %mul3A_597 : i32 to vector<16xi32>
        %add3A_599 = arith.addi %add3A_598, %iota3A : vector<16xi32>
        %sub3A_600 = arith.subi %add3A_599, %broadcast_in_dim3A_491 : vector<16xi32>
        %and3A_601 = arith.constant 1023 : i32
        %and3A_602 = vector.broadcast %and3A_601 : i32 to vector<16xi32>
        %and3A_603 = arith.andi %sub3A_600, %and3A_602 : vector<16xi32>
        %lt3A = arith.cmpi slt, %and3A_603, %broadcast_in_dim3A_489 : vector<16xi32>
        %jit3A_604 = arith.constant 1.000000e+00 : f32
        %jit3A_605 = arith.constant 0.000000e+00 : f32
        %broadcast_in_dim3A_606 = vector.broadcast %jit3A_604 : f32 to vector<16xf32>
        %broadcast_in_dim3A_607 = vector.broadcast %jit3A_605 : f32 to vector<16xf32>
        %select_n3A_608 = arith.select %lt3A, %broadcast_in_dim3A_606, %broadcast_in_dim3A_607 : vector<16xi1>, vector<16xf32>
        %get3A_609 = arith.index_cast %scan3A_466 : i32 to index
        %get3A_610 = arith.index_cast %mul3A_597 : i32 to index
        %get3A_611 = tpu.vector_load %arg10[%get3A_609, %get3A_610] {strides = array<i32>} : memref<56x1024xf32, #tpu.memory_space<vmem>>, vector<1x16xf32>,
        %get3A_612 = vector.shape_cast %get3A_611 : vector<1x16xf32> to vector<16xf32>
        %get3A_613 = arith.index_cast %squeeze3A_478 : i32 to index
        %get3A_614 = arith.index_cast %mul3A_597 : i32 to index
        %get3A_615 = tpu.vector_load %arg11[%get3A_613, %get3A_614] {strides = array<i32>} : memref<26x1024xf32, #tpu.memory_space<vmem>>, vector<1x16xf32>,
        %get3A_616 = vector.shape_cast %get3A_615 : vector<1x16xf32> to vector<16xf32>
        %mul3A_617 = arith.mulf %get3A_616, %broadcast_in_dim3A_488 : vector<16xf32>
        %mul3A_618 = arith.mulf %mul3A_617, %select_n3A_608 : vector<16xf32>
        %eq3A = arith.constant 0 : i32
        %eq3A_619 = vector.broadcast %eq3A : i32 to vector<16xi32>
        %eq3A_620 = arith.cmpi eq, %and3A_603, %eq3A_619 : vector<16xi32>
        %sub3A_621 = arith.constant 1 : i32
        %sub3A_622 = vector.broadcast %sub3A_621 : i32 to vector<16xi32>
        %sub3A_623 = arith.subi %broadcast_in_dim3A_489, %sub3A_622 : vector<16xi32>
        %eq3A_624 = arith.cmpi eq, %and3A_603, %sub3A_623 : vector<16xi32>
        %jit3A_625 = arith.constant 1.000000e+00 : f32
        %broadcast_in_dim3A_626 = vector.broadcast %jit3A_625 : f32 to vector<16xf32>
        %select_n3A_627 = arith.select %eq3A_624, %broadcast_in_dim3A_485, %broadcast_in_dim3A_626 : vector<16xi1>, vector<16xf32>
        %select_n3A_628 = arith.select %eq3A_620, %broadcast_in_dim3A_485, %select_n3A_627 : vector<16xi1>, vector<16xf32>
        %sub3A_629 = arith.subf %select_n3A_628, %mul3A_618 : vector<16xf32>
        %mul3A_630 = arith.mulf %sub3A_629, %select_n3A_608 : vector<16xf32>
        %mul3A_631 = arith.mulf %select_n3A_628, %select_n3A_608 : vector<16xf32>
        %sub3A_632 = arith.constant 1.000000e+00 : f32
        %sub3A_633 = vector.broadcast %sub3A_632 : f32 to vector<16xf32>
        %sub3A_634 = arith.subf %sub3A_633, %select_n3A_608 : vector<16xf32>
        %mul3A_635 = arith.mulf %get3A_616, %sub3A_634 : vector<16xf32>
        %add3A_636 = arith.addf %mul3A_631, %mul3A_635 : vector<16xf32>
        %swap3A_637 = arith.index_cast %squeeze3A_478 : i32 to index
        %swap3A_638 = arith.index_cast %mul3A_597 : i32 to index
        %swap3A_639 = tpu.vector_load %arg11[%swap3A_637, %swap3A_638] {strides = array<i32>} : memref<26x1024xf32, #tpu.memory_space<vmem>>, vector<1x16xf32>,
        %swap3A_640 = vector.shape_cast %swap3A_639 : vector<1x16xf32> to vector<16xf32>
        %swap3A_641 = vector.shape_cast %add3A_636 : vector<16xf32> to vector<1x16xf32>
        tpu.vector_store %arg11[%swap3A_637, %swap3A_638], %swap3A_641 {strides = array<i32>} : memref<26x1024xf32, #tpu.memory_space<vmem>>, vector<1x16xf32>,
        %mul3A_642 = arith.mulf %mul3A_630, %get3A_612 : vector<16xf32>
        %add3A_643 = arith.addf %while3A_594, %mul3A_642 : vector<16xf32>
        %add3A_644 = arith.addf %while3A_595, %mul3A_630 : vector<16xf32>
        scf.yield %add3A_643, %add3A_644 : vector<16xf32>, vector<16xf32>
      }
      %while3A_548 = arith.constant 1 : i32
      %while3A_549:2 = scf.for %while3A_593 = %while3A_545 to %while3A_541 step %while3A_548 iter_args(%while3A_594 = %while3A_547#0, %while3A_595 = %while3A_547#1) -> (vector<16xf32>, vector<16xf32>)  : i32 {
        %mul3A_596 = arith.constant 16 : i32
        %mul3A_597 = arith.muli %while3A_593, %mul3A_596 : i32
        %add3A_598 = vector.broadcast %mul3A_597 : i32 to vector<16xi32>
        %add3A_599 = arith.addi %add3A_598, %iota3A : vector<16xi32>
        %sub3A_600 = arith.subi %add3A_599, %broadcast_in_dim3A_491 : vector<16xi32>
        %and3A_601 = arith.constant 1023 : i32
        %and3A_602 = vector.broadcast %and3A_601 : i32 to vector<16xi32>
        %and3A_603 = arith.andi %sub3A_600, %and3A_602 : vector<16xi32>
        %lt3A = arith.cmpi slt, %and3A_603, %broadcast_in_dim3A_489 : vector<16xi32>
        %jit3A_604 = arith.constant 1.000000e+00 : f32
        %jit3A_605 = arith.constant 0.000000e+00 : f32
        %broadcast_in_dim3A_606 = vector.broadcast %jit3A_604 : f32 to vector<16xf32>
        %broadcast_in_dim3A_607 = vector.broadcast %jit3A_605 : f32 to vector<16xf32>
        %select_n3A_608 = arith.select %lt3A, %broadcast_in_dim3A_606, %broadcast_in_dim3A_607 : vector<16xi1>, vector<16xf32>
        %get3A_609 = arith.index_cast %scan3A_466 : i32 to index
        %get3A_610 = arith.index_cast %mul3A_597 : i32 to index
        %get3A_611 = tpu.vector_load %arg10[%get3A_609, %get3A_610] {strides = array<i32>} : memref<56x1024xf32, #tpu.memory_space<vmem>>, vector<1x16xf32>,
        %get3A_612 = vector.shape_cast %get3A_611 : vector<1x16xf32> to vector<16xf32>
        %get3A_613 = arith.index_cast %squeeze3A_478 : i32 to index
        %get3A_614 = arith.index_cast %mul3A_597 : i32 to index
        %get3A_615 = tpu.vector_load %arg11[%get3A_613, %get3A_614] {strides = array<i32>} : memref<26x1024xf32, #tpu.memory_space<vmem>>, vector<1x16xf32>,
        %get3A_616 = vector.shape_cast %get3A_615 : vector<1x16xf32> to vector<16xf32>
        %mul3A_617 = arith.mulf %get3A_616, %broadcast_in_dim3A_488 : vector<16xf32>
        %mul3A_618 = arith.mulf %mul3A_617, %select_n3A_608 : vector<16xf32>
        %eq3A = arith.constant 0 : i32
        %eq3A_619 = vector.broadcast %eq3A : i32 to vector<16xi32>
        %eq3A_620 = arith.cmpi eq, %and3A_603, %eq3A_619 : vector<16xi32>
        %sub3A_621 = arith.constant 1 : i32
        %sub3A_622 = vector.broadcast %sub3A_621 : i32 to vector<16xi32>
        %sub3A_623 = arith.subi %broadcast_in_dim3A_489, %sub3A_622 : vector<16xi32>
        %eq3A_624 = arith.cmpi eq, %and3A_603, %sub3A_623 : vector<16xi32>
        %jit3A_625 = arith.constant 1.000000e+00 : f32
        %broadcast_in_dim3A_626 = vector.broadcast %jit3A_625 : f32 to vector<16xf32>
        %select_n3A_627 = arith.select %eq3A_624, %broadcast_in_dim3A_485, %broadcast_in_dim3A_626 : vector<16xi1>, vector<16xf32>
        %select_n3A_628 = arith.select %eq3A_620, %broadcast_in_dim3A_485, %select_n3A_627 : vector<16xi1>, vector<16xf32>
        %sub3A_629 = arith.subf %select_n3A_628, %mul3A_618 : vector<16xf32>
        %mul3A_630 = arith.mulf %sub3A_629, %select_n3A_608 : vector<16xf32>
        %mul3A_631 = arith.mulf %select_n3A_628, %select_n3A_608 : vector<16xf32>
        %sub3A_632 = arith.constant 1.000000e+00 : f32
        %sub3A_633 = vector.broadcast %sub3A_632 : f32 to vector<16xf32>
        %sub3A_634 = arith.subf %sub3A_633, %select_n3A_608 : vector<16xf32>
        %mul3A_635 = arith.mulf %get3A_616, %sub3A_634 : vector<16xf32>
        %add3A_636 = arith.addf %mul3A_631, %mul3A_635 : vector<16xf32>
        %swap3A_637 = arith.index_cast %squeeze3A_478 : i32 to index
        %swap3A_638 = arith.index_cast %mul3A_597 : i32 to index
        %swap3A_639 = tpu.vector_load %arg11[%swap3A_637, %swap3A_638] {strides = array<i32>} : memref<26x1024xf32, #tpu.memory_space<vmem>>, vector<1x16xf32>,
        %swap3A_640 = vector.shape_cast %swap3A_639 : vector<1x16xf32> to vector<16xf32>
        %swap3A_641 = vector.shape_cast %add3A_636 : vector<16xf32> to vector<1x16xf32>
        tpu.vector_store %arg11[%swap3A_637, %swap3A_638], %swap3A_641 {strides = array<i32>} : memref<26x1024xf32, #tpu.memory_space<vmem>>, vector<1x16xf32>,
        %mul3A_642 = arith.mulf %mul3A_630, %get3A_612 : vector<16xf32>
        %add3A_643 = arith.addf %while3A_594, %mul3A_642 : vector<16xf32>
        %add3A_644 = arith.addf %while3A_595, %mul3A_630 : vector<16xf32>
        scf.yield %add3A_643, %add3A_644 : vector<16xf32>, vector<16xf32>
      }
      %add3A_550 = arith.addi %and3A_490, %squeeze3A_476 : i32
      %sub3A_551 = arith.constant 1024 : i32
      %sub3A_552 = arith.subi %add3A_550, %sub3A_551 : i32
      %max3A = arith.constant 0 : i32
      %max3A_553 = arith.maxsi %sub3A_552, %max3A : i32
      %add3A_554 = arith.constant 16 : i32
      %add3A_555 = arith.addi %max3A_553, %add3A_554 : i32
      %sub3A_556 = arith.constant 1 : i32
      %sub3A_557 = arith.subi %add3A_555, %sub3A_556 : i32
      %jit3A_558 = arith.constant 16 : i32
      %div3A_559 = arith.divsi %sub3A_557, %jit3A_558 : i32
      %sign3A_560 = arith.constant 0 : i32
      %sign3A_561 = arith.cmpi sgt, %sub3A_557, %sign3A_560 : i32
      %sign3A_562 = arith.extui %sign3A_561 : i1 to i32
      %sign3A_563 = arith.constant 0 : i32
      %sign3A_564 = arith.cmpi slt, %sub3A_557, %sign3A_563 : i32
      %sign3A_565 = arith.extui %sign3A_564 : i1 to i32
      %sign3A_566 = arith.subi %sign3A_562, %sign3A_565 : i32
      %sign3A_567 = arith.constant 0 : i32
      %sign3A_568 = arith.cmpi sgt, %jit3A_558, %sign3A_567 : i32
      %sign3A_569 = arith.extui %sign3A_568 : i1 to i32
      %sign3A_570 = arith.constant 0 : i32
      %sign3A_571 = arith.cmpi slt, %jit3A_558, %sign3A_570 : i32
      %sign3A_572 = arith.extui %sign3A_571 : i1 to i32
      %sign3A_573 = arith.subi %sign3A_569, %sign3A_572 : i32
      %ne3A_574 = arith.cmpi ne, %sign3A_566, %sign3A_573 : i32
      %rem3A_575 = arith.remsi %sub3A_557, %jit3A_558 : i32
      %ne3A_576 = arith.constant 0 : i32
      %ne3A_577 = arith.cmpi ne, %rem3A_575, %ne3A_576 : i32
      %and3A_578 = arith.andi %ne3A_574, %ne3A_577 : i1
      %sub3A_579 = arith.constant 1 : i32
      %sub3A_580 = arith.subi %div3A_559, %sub3A_579 : i32
      %select_n3A_581 = arith.select %and3A_578, %sub3A_580, %div3A_559 : i32
      %while3A_582 = arith.constant 0 : i32
      %while3A_583 = arith.subi %select_n3A_581, %while3A_582 : i32
      %while3A_584 = arith.addi %while3A_582, %while3A_583 : i32
      %while3A_585 = arith.constant 1 : i32
      %while3A_586 = arith.divsi %while3A_583, %while3A_585 : i32
      %while3A_587 = arith.muli %while3A_586, %while3A_585 : i32
      %while3A_588 = arith.addi %while3A_582, %while3A_587 : i32
      %while3A_589 = arith.constant 1 : i32
      %while3A_590:2 = scf.for %while3A_593 = %while3A_582 to %while3A_588 step %while3A_589 iter_args(%while3A_594 = %while3A_549#0, %while3A_595 = %while3A_549#1) -> (vector<16xf32>, vector<16xf32>)  : i32 {
        %mul3A_596 = arith.constant 16 : i32
        %mul3A_597 = arith.muli %while3A_593, %mul3A_596 : i32
        %add3A_598 = vector.broadcast %mul3A_597 : i32 to vector<16xi32>
        %add3A_599 = arith.addi %add3A_598, %iota3A : vector<16xi32>
        %sub3A_600 = arith.subi %add3A_599, %broadcast_in_dim3A_491 : vector<16xi32>
        %and3A_601 = arith.constant 1023 : i32
        %and3A_602 = vector.broadcast %and3A_601 : i32 to vector<16xi32>
        %and3A_603 = arith.andi %sub3A_600, %and3A_602 : vector<16xi32>
        %lt3A = arith.cmpi slt, %and3A_603, %broadcast_in_dim3A_489 : vector<16xi32>
        %jit3A_604 = arith.constant 1.000000e+00 : f32
        %jit3A_605 = arith.constant 0.000000e+00 : f32
        %broadcast_in_dim3A_606 = vector.broadcast %jit3A_604 : f32 to vector<16xf32>
        %broadcast_in_dim3A_607 = vector.broadcast %jit3A_605 : f32 to vector<16xf32>
        %select_n3A_608 = arith.select %lt3A, %broadcast_in_dim3A_606, %broadcast_in_dim3A_607 : vector<16xi1>, vector<16xf32>
        %get3A_609 = arith.index_cast %scan3A_466 : i32 to index
        %get3A_610 = arith.index_cast %mul3A_597 : i32 to index
        %get3A_611 = tpu.vector_load %arg10[%get3A_609, %get3A_610] {strides = array<i32>} : memref<56x1024xf32, #tpu.memory_space<vmem>>, vector<1x16xf32>,
        %get3A_612 = vector.shape_cast %get3A_611 : vector<1x16xf32> to vector<16xf32>
        %get3A_613 = arith.index_cast %squeeze3A_478 : i32 to index
        %get3A_614 = arith.index_cast %mul3A_597 : i32 to index
        %get3A_615 = tpu.vector_load %arg11[%get3A_613, %get3A_614] {strides = array<i32>} : memref<26x1024xf32, #tpu.memory_space<vmem>>, vector<1x16xf32>,
        %get3A_616 = vector.shape_cast %get3A_615 : vector<1x16xf32> to vector<16xf32>
        %mul3A_617 = arith.mulf %get3A_616, %broadcast_in_dim3A_488 : vector<16xf32>
        %mul3A_618 = arith.mulf %mul3A_617, %select_n3A_608 : vector<16xf32>
        %eq3A = arith.constant 0 : i32
        %eq3A_619 = vector.broadcast %eq3A : i32 to vector<16xi32>
        %eq3A_620 = arith.cmpi eq, %and3A_603, %eq3A_619 : vector<16xi32>
        %sub3A_621 = arith.constant 1 : i32
        %sub3A_622 = vector.broadcast %sub3A_621 : i32 to vector<16xi32>
        %sub3A_623 = arith.subi %broadcast_in_dim3A_489, %sub3A_622 : vector<16xi32>
        %eq3A_624 = arith.cmpi eq, %and3A_603, %sub3A_623 : vector<16xi32>
        %jit3A_625 = arith.constant 1.000000e+00 : f32
        %broadcast_in_dim3A_626 = vector.broadcast %jit3A_625 : f32 to vector<16xf32>
        %select_n3A_627 = arith.select %eq3A_624, %broadcast_in_dim3A_485, %broadcast_in_dim3A_626 : vector<16xi1>, vector<16xf32>
        %select_n3A_628 = arith.select %eq3A_620, %broadcast_in_dim3A_485, %select_n3A_627 : vector<16xi1>, vector<16xf32>
        %sub3A_629 = arith.subf %select_n3A_628, %mul3A_618 : vector<16xf32>
        %mul3A_630 = arith.mulf %sub3A_629, %select_n3A_608 : vector<16xf32>
        %mul3A_631 = arith.mulf %select_n3A_628, %select_n3A_608 : vector<16xf32>
        %sub3A_632 = arith.constant 1.000000e+00 : f32
        %sub3A_633 = vector.broadcast %sub3A_632 : f32 to vector<16xf32>
        %sub3A_634 = arith.subf %sub3A_633, %select_n3A_608 : vector<16xf32>
        %mul3A_635 = arith.mulf %get3A_616, %sub3A_634 : vector<16xf32>
        %add3A_636 = arith.addf %mul3A_631, %mul3A_635 : vector<16xf32>
        %swap3A_637 = arith.index_cast %squeeze3A_478 : i32 to index
        %swap3A_638 = arith.index_cast %mul3A_597 : i32 to index
        %swap3A_639 = tpu.vector_load %arg11[%swap3A_637, %swap3A_638] {strides = array<i32>} : memref<26x1024xf32, #tpu.memory_space<vmem>>, vector<1x16xf32>,
        %swap3A_640 = vector.shape_cast %swap3A_639 : vector<1x16xf32> to vector<16xf32>
        %swap3A_641 = vector.shape_cast %add3A_636 : vector<16xf32> to vector<1x16xf32>
        tpu.vector_store %arg11[%swap3A_637, %swap3A_638], %swap3A_641 {strides = array<i32>} : memref<26x1024xf32, #tpu.memory_space<vmem>>, vector<1x16xf32>,
        %mul3A_642 = arith.mulf %mul3A_630, %get3A_612 : vector<16xf32>
        %add3A_643 = arith.addf %while3A_594, %mul3A_642 : vector<16xf32>
        %add3A_644 = arith.addf %while3A_595, %mul3A_630 : vector<16xf32>
        scf.yield %add3A_643, %add3A_644 : vector<16xf32>, vector<16xf32>
      }
      %while3A_591 = arith.constant 1 : i32
      %while3A_592:2 = scf.for %while3A_593 = %while3A_588 to %while3A_584 step %while3A_591 iter_args(%while3A_594 = %while3A_590#0, %while3A_595 = %while3A_590#1) -> (vector<16xf32>, vector<16xf32>)  : i32 {
        %mul3A_596 = arith.constant 16 : i32
        %mul3A_597 = arith.muli %while3A_593, %mul3A_596 : i32
        %add3A_598 = vector.broadcast %mul3A_597 : i32 to vector<16xi32>
        %add3A_599 = arith.addi %add3A_598, %iota3A : vector<16xi32>
        %sub3A_600 = arith.subi %add3A_599, %broadcast_in_dim3A_491 : vector<16xi32>
        %and3A_601 = arith.constant 1023 : i32
        %and3A_602 = vector.broadcast %and3A_601 : i32 to vector<16xi32>
        %and3A_603 = arith.andi %sub3A_600, %and3A_602 : vector<16xi32>
        %lt3A = arith.cmpi slt, %and3A_603, %broadcast_in_dim3A_489 : vector<16xi32>
        %jit3A_604 = arith.constant 1.000000e+00 : f32
        %jit3A_605 = arith.constant 0.000000e+00 : f32
        %broadcast_in_dim3A_606 = vector.broadcast %jit3A_604 : f32 to vector<16xf32>
        %broadcast_in_dim3A_607 = vector.broadcast %jit3A_605 : f32 to vector<16xf32>
        %select_n3A_608 = arith.select %lt3A, %broadcast_in_dim3A_606, %broadcast_in_dim3A_607 : vector<16xi1>, vector<16xf32>
        %get3A_609 = arith.index_cast %scan3A_466 : i32 to index
        %get3A_610 = arith.index_cast %mul3A_597 : i32 to index
        %get3A_611 = tpu.vector_load %arg10[%get3A_609, %get3A_610] {strides = array<i32>} : memref<56x1024xf32, #tpu.memory_space<vmem>>, vector<1x16xf32>,
        %get3A_612 = vector.shape_cast %get3A_611 : vector<1x16xf32> to vector<16xf32>
        %get3A_613 = arith.index_cast %squeeze3A_478 : i32 to index
        %get3A_614 = arith.index_cast %mul3A_597 : i32 to index
        %get3A_615 = tpu.vector_load %arg11[%get3A_613, %get3A_614] {strides = array<i32>} : memref<26x1024xf32, #tpu.memory_space<vmem>>, vector<1x16xf32>,
        %get3A_616 = vector.shape_cast %get3A_615 : vector<1x16xf32> to vector<16xf32>
        %mul3A_617 = arith.mulf %get3A_616, %broadcast_in_dim3A_488 : vector<16xf32>
        %mul3A_618 = arith.mulf %mul3A_617, %select_n3A_608 : vector<16xf32>
        %eq3A = arith.constant 0 : i32
        %eq3A_619 = vector.broadcast %eq3A : i32 to vector<16xi32>
        %eq3A_620 = arith.cmpi eq, %and3A_603, %eq3A_619 : vector<16xi32>
        %sub3A_621 = arith.constant 1 : i32
        %sub3A_622 = vector.broadcast %sub3A_621 : i32 to vector<16xi32>
        %sub3A_623 = arith.subi %broadcast_in_dim3A_489, %sub3A_622 : vector<16xi32>
        %eq3A_624 = arith.cmpi eq, %and3A_603, %sub3A_623 : vector<16xi32>
        %jit3A_625 = arith.constant 1.000000e+00 : f32
        %broadcast_in_dim3A_626 = vector.broadcast %jit3A_625 : f32 to vector<16xf32>
        %select_n3A_627 = arith.select %eq3A_624, %broadcast_in_dim3A_485, %broadcast_in_dim3A_626 : vector<16xi1>, vector<16xf32>
        %select_n3A_628 = arith.select %eq3A_620, %broadcast_in_dim3A_485, %select_n3A_627 : vector<16xi1>, vector<16xf32>
        %sub3A_629 = arith.subf %select_n3A_628, %mul3A_618 : vector<16xf32>
        %mul3A_630 = arith.mulf %sub3A_629, %select_n3A_608 : vector<16xf32>
        %mul3A_631 = arith.mulf %select_n3A_628, %select_n3A_608 : vector<16xf32>
        %sub3A_632 = arith.constant 1.000000e+00 : f32
        %sub3A_633 = vector.broadcast %sub3A_632 : f32 to vector<16xf32>
        %sub3A_634 = arith.subf %sub3A_633, %select_n3A_608 : vector<16xf32>
        %mul3A_635 = arith.mulf %get3A_616, %sub3A_634 : vector<16xf32>
        %add3A_636 = arith.addf %mul3A_631, %mul3A_635 : vector<16xf32>
        %swap3A_637 = arith.index_cast %squeeze3A_478 : i32 to index
        %swap3A_638 = arith.index_cast %mul3A_597 : i32 to index
        %swap3A_639 = tpu.vector_load %arg11[%swap3A_637, %swap3A_638] {strides = array<i32>} : memref<26x1024xf32, #tpu.memory_space<vmem>>, vector<1x16xf32>,
        %swap3A_640 = vector.shape_cast %swap3A_639 : vector<1x16xf32> to vector<16xf32>
        %swap3A_641 = vector.shape_cast %add3A_636 : vector<16xf32> to vector<1x16xf32>
        tpu.vector_store %arg11[%swap3A_637, %swap3A_638], %swap3A_641 {strides = array<i32>} : memref<26x1024xf32, #tpu.memory_space<vmem>>, vector<1x16xf32>,
        %mul3A_642 = arith.mulf %mul3A_630, %get3A_612 : vector<16xf32>
        %add3A_643 = arith.addf %while3A_594, %mul3A_642 : vector<16xf32>
        %add3A_644 = arith.addf %while3A_595, %mul3A_630 : vector<16xf32>
        scf.yield %add3A_643, %add3A_644 : vector<16xf32>, vector<16xf32>
      }
      scf.yield %while3A_592#0, %while3A_592#1 : vector<16xf32>, vector<16xf32>
    }
    %scan3A_453 = arith.constant 50 : i32
    %swap3A_454 = arith.constant 0 : index
    %swap3A_455 = tpu.vector_load %arg12[%swap3A_454] {strides = array<i32>} : memref<32xf32, #tpu.memory_space<vmem>>, vector<16xf32>,
    %swap3A_456 = vector.shape_cast %swap3A_455 : vector<16xf32> to vector<16xf32>
    %swap3A_457 = vector.shape_cast %scan3A_452#0 : vector<16xf32> to vector<16xf32>
    tpu.vector_store %arg12[%swap3A_454], %swap3A_457 {strides = array<i32>} : memref<32xf32, #tpu.memory_space<vmem>>, vector<16xf32>,
    %swap3A_458 = arith.constant 16 : index
    %swap3A_459 = tpu.vector_load %arg12[%swap3A_458] {strides = array<i32>} : memref<32xf32, #tpu.memory_space<vmem>>, vector<16xf32>,
    %swap3A_460 = vector.shape_cast %swap3A_459 : vector<16xf32> to vector<16xf32>
    %swap3A_461 = vector.shape_cast %scan3A_452#1 : vector<16xf32> to vector<16xf32>
    tpu.vector_store %arg12[%swap3A_458], %swap3A_461 {strides = array<i32>} : memref<32xf32, #tpu.memory_space<vmem>>, vector<16xf32>,
    %mul3A_462 = arith.constant 2 : i32
    %mul3A_463 = arith.muli %add3A_424, %mul3A_462 : i32
    %mul3A_464 = arith.constant 16 : i32
    %mul3A_465 = arith.muli %mul3A_463, %mul3A_464 : i32
    "tpu.region"() ({
      %run_scoped3A = tpu.sem_alloc : memref<!tpu.dma_semaphore, #tpu.memory_space<semaphore_mem>>
      %dma_start3A_466 = tpu.memref_slice %arg6[%mul3A_465] : memref<2048xf32, #tpu.memory_space<hbm>> -> memref<32xf32, #tpu.memory_space<hbm>>
      %dma_start3A_467 = tpu.memref_slice %arg6[%mul3A_465] : memref<2048xf32, #tpu.memory_space<hbm>> -> memref<32xf32, #tpu.memory_space<hbm>>
      tpu.enqueue_dma source(%arg12 : memref<32xf32, #tpu.memory_space<vmem>>) target(%dma_start3A_467 : memref<32xf32, #tpu.memory_space<hbm>>) target_semaphore(%run_scoped3A : memref<!tpu.dma_semaphore, #tpu.memory_space<semaphore_mem>>)
      %dma_wait3A_468 = tpu.memref_slice %arg6[%mul3A_465] : memref<2048xf32, #tpu.memory_space<hbm>> -> memref<32xf32, #tpu.memory_space<hbm>>
      %dma_wait3A_469 = tpu.memref_slice %arg6[%mul3A_465] : memref<2048xf32, #tpu.memory_space<hbm>> -> memref<32xf32, #tpu.memory_space<hbm>>
      tpu.wait_dma2 semaphore(%run_scoped3A : memref<!tpu.dma_semaphore, #tpu.memory_space<semaphore_mem>>) src(%arg12 : memref<32xf32, #tpu.memory_space<vmem>>) dst(%dma_wait3A_469 : memref<32xf32, #tpu.memory_space<hbm>>)
      tpu.yield
    }) : () -> ()
    return
  }
}

module attributes {stable_mosaic.version = 14 : i64} {
  func.func @_moments_kernel(%arg0: i32, %arg1: memref<1x1x256x1024xf32, #tpu.memory_space<vmem>>, %arg2: memref<1x1x256x1024xf32, #tpu.memory_space<vmem>>, %arg3: memref<1x1x2xf32, #tpu.memory_space<smem>>) attributes {dimension_semantics = [#tpu.dimension_semantics<arbitrary>], iteration_bounds = array<i64: 64>, scalar_prefetch = 0 : i64, scratch_operands = 0 : i64, tpu.core_type = #tpu.core_type<tc>, window_params = [{transform_indices = @transform_0, window_bounds = array<i64: 1, 1, 256, 1024>}, {transform_indices = @transform_1, window_bounds = array<i64: 1, 1, 256, 1024>}, {transform_indices = @transform_2, window_bounds = array<i64: 1, 1, 2>}]} {
    %get3A = arith.constant 0 : index
    %get3A_0 = arith.constant 0 : index
    %get3A_1 = arith.constant 0 : index
    %get3A_2 = arith.constant 0 : index
    %get3A_3 = vector.load %arg1[%get3A, %get3A_0, %get3A_1, %get3A_2] : memref<1x1x256x1024xf32, #tpu.memory_space<vmem>>, vector<1x1x256x1024xf32>
    %get3A_4 = vector.shape_cast %get3A_3 : vector<1x1x256x1024xf32> to vector<256x1024xf32>
    %reshape3A = vector.shape_cast %get3A_4 : vector<256x1024xf32> to vector<32x8x1024xf32>
    %get3A_5 = arith.constant 0 : index
    %get3A_6 = arith.constant 0 : index
    %get3A_7 = arith.constant 0 : index
    %get3A_8 = arith.constant 0 : index
    %get3A_9 = vector.load %arg2[%get3A_5, %get3A_6, %get3A_7, %get3A_8] : memref<1x1x256x1024xf32, #tpu.memory_space<vmem>>, vector<1x1x256x1024xf32>
    %get3A_10 = vector.shape_cast %get3A_9 : vector<1x1x256x1024xf32> to vector<256x1024xf32>
    %reshape3A_11 = vector.shape_cast %get3A_10 : vector<256x1024xf32> to vector<32x8x1024xf32>
    %reduce_sum3A = arith.constant dense<0.000000e+00> : vector<8x1024xf32>
    %reduce_sum3A_12 = vector.multi_reduction <add>, %reshape3A, %reduce_sum3A [0] : vector<32x8x1024xf32> to vector<8x1024xf32>
    %reduce_sum3A_13 = arith.constant dense<0.000000e+00> : vector<8x1024xf32>
    %reduce_sum3A_14 = vector.multi_reduction <add>, %reshape3A_11, %reduce_sum3A_13 [0] : vector<32x8x1024xf32> to vector<8x1024xf32>
    %add3A = arith.addf %reduce_sum3A_12, %reduce_sum3A_14 : vector<8x1024xf32>
    %mul3A = arith.mulf %reshape3A, %reshape3A : vector<32x8x1024xf32>
    %reduce_sum3A_15 = arith.constant dense<0.000000e+00> : vector<8x1024xf32>
    %reduce_sum3A_16 = vector.multi_reduction <add>, %mul3A, %reduce_sum3A_15 [0] : vector<32x8x1024xf32> to vector<8x1024xf32>
    %mul3A_17 = arith.mulf %reshape3A_11, %reshape3A_11 : vector<32x8x1024xf32>
    %reduce_sum3A_18 = arith.constant dense<0.000000e+00> : vector<8x1024xf32>
    %reduce_sum3A_19 = vector.multi_reduction <add>, %mul3A_17, %reduce_sum3A_18 [0] : vector<32x8x1024xf32> to vector<8x1024xf32>
    %add3A_20 = arith.addf %reduce_sum3A_16, %reduce_sum3A_19 : vector<8x1024xf32>
    %reduce_sum3A_21 = vector.shape_cast %add3A : vector<8x1024xf32> to vector<1x8x1024xf32>
    %reduce_sum3A_22 = arith.constant dense<0.000000e+00> : vector<1xf32>
    %reduce_sum3A_23 = vector.multi_reduction <add>, %reduce_sum3A_21, %reduce_sum3A_22 [1, 2] : vector<1x8x1024xf32> to vector<1xf32>
    %reduce_sum3A_24 = vector.shape_cast %reduce_sum3A_23 : vector<1xf32> to vector<1x1x1xf32>
    %reduce_sum3A_25 = vector.extract %reduce_sum3A_24[0, 0, 0] : f32 from vector<1x1x1xf32>
    %swap3A = arith.constant 0 : index
    %swap3A_26 = arith.constant 0 : index
    %swap3A_27 = arith.constant 0 : index
    %swap3A_28 = memref.load %arg3[%swap3A, %swap3A_26, %swap3A_27] : memref<1x1x2xf32, #tpu.memory_space<smem>>
    memref.store %reduce_sum3A_25, %arg3[%swap3A, %swap3A_26, %swap3A_27] : memref<1x1x2xf32, #tpu.memory_space<smem>>
    %reduce_sum3A_29 = vector.shape_cast %add3A_20 : vector<8x1024xf32> to vector<1x8x1024xf32>
    %reduce_sum3A_30 = arith.constant dense<0.000000e+00> : vector<1xf32>
    %reduce_sum3A_31 = vector.multi_reduction <add>, %reduce_sum3A_29, %reduce_sum3A_30 [1, 2] : vector<1x8x1024xf32> to vector<1xf32>
    %reduce_sum3A_32 = vector.shape_cast %reduce_sum3A_31 : vector<1xf32> to vector<1x1x1xf32>
    %reduce_sum3A_33 = vector.extract %reduce_sum3A_32[0, 0, 0] : f32 from vector<1x1x1xf32>
    %swap3A_34 = arith.constant 0 : index
    %swap3A_35 = arith.constant 0 : index
    %swap3A_36 = arith.constant 1 : index
    %swap3A_37 = memref.load %arg3[%swap3A_34, %swap3A_35, %swap3A_36] : memref<1x1x2xf32, #tpu.memory_space<smem>>
    memref.store %reduce_sum3A_33, %arg3[%swap3A_34, %swap3A_35, %swap3A_36] : memref<1x1x2xf32, #tpu.memory_space<smem>>
    return
  }
  func.func @transform_0(%arg0: i32) -> (i32, i32, i32, i32) {
    %c0_i32 = arith.constant 0 : i32
    %c0_i32_0 = arith.constant 0 : i32
    %c0_i32_1 = arith.constant 0 : i32
    %c0_i32_2 = arith.constant 0 : i32
    return %arg0, %c0_i32, %c0_i32_0, %c0_i32_1 : i32, i32, i32, i32
  }
  func.func @transform_1(%arg0: i32) -> (i32, i32, i32, i32) {
    %c0_i32 = arith.constant 0 : i32
    %c1_i32 = arith.constant 1 : i32
    %c0_i32_0 = arith.constant 0 : i32
    %c0_i32_1 = arith.constant 0 : i32
    return %arg0, %c0_i32, %c1_i32, %c0_i32_0 : i32, i32, i32, i32
  }
  func.func @transform_2(%arg0: i32) -> (i32, i32, i32) {
    %c0_i32 = arith.constant 0 : i32
    %c0_i32_0 = arith.constant 0 : i32
    %c0_i32_1 = arith.constant 0 : i32
    return %arg0, %c0_i32, %c0_i32_0 : i32, i32, i32
  }
}

</mosaic_0001>

<sc_bundles>
// kernel: kernel.4.cloned.1.call-start
scs
__scs_entry_jumppad:
0x0: {  	(pc) =	sbr.rel $0x88, $3  }
0x1: {  	(tag) =	ssettag $0x0;
	lr =	simm.s32 $0x1  }
0x2: {  	[smem:$0x3F9F] =	sst lr;
	_ =	strace $0xD0000000  }
0x3: {  	_ = 	snop  }
0x4: {  	_ = 	snop  }
0x5: {  	_ = 	snop  }
0x6: {  	_ = 	snop  }
0x7: {  	_ = 	snop  }
__scs_overlays_trampoline_lowered:
0x8: {  	[smem:$0x3FAE] =	sst s0  }
0x9: {  	[smem:$0x3FAF] =	sst s1  }
0xa: {  	[smem:$0x3FB0] =	sst s2  }
0xb: {  	[smem:$0x3FB1] =	sst s3  }
0xc: {  	[smem:$0x3FB2] =	sst s4  }
0xd: {  	[smem:$0x3FB3] =	sst s5  }
0xe: {  	[smem:$0x3FB4] =	sst s6  }
0xf: {  	[smem:$0x3FB5] =	sst s7  }
0x10: {  	[smem:$0x3FB6] =	sst s8  }
0x11: {  	[smem:$0x3FB7] =	sst s9;
	s0 =	simm.s32 @!p0 $0x0  }
0x12: {  	s1 =	sld [smem:$0x3F9D];
	s0 =	simm.s32 @p0 $0x1  }
0x13: {  	[smem:$0x3FB8] =	sst s0;
	s0 =	simm.s32 @!p1 $0x0  }
0x14: {  	s2 =	sld [smem:$0x3F9C];
	s0 =	simm.s32 @p1 $0x1  }
0x15: {  	[smem:$0x3FB9] =	sst s0;
	s0 =	simm.s32 @!p2 $0x0  }
0x16: {  	s3 =	sld [smem:$0x3FDB];
	s0 =	simm.s32 @p2 $0x1  }
0x17: {  	s4 =	simm.s32 $0x1BF5;
	[smem:$0x3FBB] =	sst s0  }
0x18: {  	s0 =	sld [smem:$0x3F9E];
	_ =	swait.ge [sflag:s4], $0x0  }
0x19: {  	s7 =	sld [smem:$0x3F9F]  }
0x1a: {  	s8 =	sadd.s32 $0xFFFFE003, lr  }
0x1b: {  	s9 =	sadd.s32 $0xFFFFFEF7, lr;
	s5 =	simm.s32 $0xFFFFFFFF;
	p2 =	slt.u32 s8, $0xFFFFF086  }
0x1c: {  	p1 =	slt.u32 s9, $0xF7A;
	s5 =	simm.s32 @!p2 $0x0  }
0x1d: {  	s5 =	simm.s32 @p1 $0x1;
	p0 =	seq.s32 s7, s2  }
0x1e: {  	s7 =	smul.u32 @!p0 $0xF7A, s2;
	p2 =	seq.s32 @!p0 s5, $0x0  }
0x1f: {  	s9 =	smul.u32 $0xF7A, s1;
	s8 =	simm.s32 @!p0 $0x1BF5;
	p2 =	por !p2, p0  }
0x20: {  	[sflag:s8] =	ssyncset.s32 @!p0 $0xFFFFF086;
	s6 =	sadd.s32 @!p0 s3, s7;
	s7 =	simm.s32 @!p0 $0x108  }
0x21: {  	s3 =	sadd.s32 s3, s9;
	s6 =	sadd.s32 @!p0 $0x88, s6;
	s7 =	simm.s32 @p2 $0x1082  }
0x22: {  	[simem:s7], [sflag:s8] =	dma.local @!p0 [hbm:s6], $0xF7A  }
0x23: {  	s9 =	sor.u32 $0xD0000000, s2;
	s6 =	simm.s32 $0x108;
	_ =	swait.ge @!p0 [sflag:s8], $0x0  }
0x24: {  	s3 =	sadd.s32 $0x88, s3;
	s6 =	simm.s32 @!p1 $0x1082;
	[sflag:s4] =	ssyncset.s32 $0xFFFFF086  }
0x25: {  	[simem:s6], [sflag:s4] =	dma.local [hbm:s3], $0xF7A  }
0x26: {  	[smem:$0x3F9F] =	sst s1;
	(tag) =	ssettag s2;
	_ =	strace s9  }
0x27: {  	s1 =	sld [smem:$0x3FAF]  }
0x28: {  	s2 =	sld [smem:$0x3FB0]  }
0x29: {  	s4 =	sld [smem:$0x3FB2]  }
0x2a: {  	p0 =	seq.s32 s5, $0x0;
	s5 =	sld [smem:$0x3FB3]  }
0x2b: {  	s6 =	sld [smem:$0x3FB4]  }
0x2c: {  	s7 =	sld [smem:$0x3FB5]  }
0x2d: {  	s3 =	simm.s32 $0x108;
	s8 =	sld [smem:$0x3FB6]  }
0x2e: {  	s3 =	simm.s32 @!p0 $0x1082;
	s9 =	sld [smem:$0x3FB7]  }
0x2f: {  	lr =	sadd.s32 s0, s3;
	s0 =	sld [smem:$0x3FAE]  }
0x30: {  	s3 =	sld [smem:$0x3FB1]  }
0x31: {  	[smem:$0x3FBA] =	sst s10  }
0x32: {  	s10 =	sld [smem:$0x3FB8];
	_ =	sdelay $0x3  }
0x33: {  	p0 =	seq.s32 s10, $0x1;
	s10 =	sld [smem:$0x3FBA];
	_ =	sdelay $0x3  }
0x34: {  	[smem:$0x3FBA] =	sst s10  }
0x35: {  	s10 =	sld [smem:$0x3FB9];
	_ =	sdelay $0x3  }
0x36: {  	p1 =	seq.s32 s10, $0x1;
	s10 =	sld [smem:$0x3FBA];
	_ =	sdelay $0x3  }
0x37: {  	[smem:$0x3FBA] =	sst s10  }
0x38: {  	s10 =	sld [smem:$0x3FBB]  }
0x39: {  	_ = 	snop;
	(pc) =	sbr.ind lr, $3  }
0x3a: {  	_ = 	snop  }
0x3b: {  	_ = 	snop  }
0x3c: {  	p2 =	seq.s32 s10, $0x1;
	s10 =	sld [smem:$0x3FBA]  }
0x3d: {  	_ =	shalt  }
0x3e: {  	_ =	shalt  }
0x3f: {  	_ =	shalt  }
0x40: {  	_ =	shalt  }
0x41: {  	_ =	shalt  }
0x42: {  	_ =	shalt  }
0x43: {  	_ =	shalt  }
0x44: {  	_ =	shalt  }
0x45: {  	_ =	shalt  }
0x46: {  	_ =	shalt  }
0x47: {  	_ =	shalt  }
0x48: {  	_ =	shalt  }
0x49: {  	_ =	shalt  }
0x4a: {  	_ =	shalt  }
0x4b: {  	_ =	shalt  }
0x4c: {  	_ =	shalt  }
0x4d: {  	_ =	shalt  }
0x4e: {  	_ =	shalt  }
0x4f: {  	_ =	shalt  }
0x50: {  	_ =	shalt  }
0x51: {  	_ =	shalt  }
0x52: {  	_ =	shalt  }
0x53: {  	_ =	shalt  }
0x54: {  	_ =	shalt  }
0x55: {  	_ =	shalt  }
0x56: {  	_ =	shalt  }
0x57: {  	_ =	shalt  }
0x58: {  	_ =	shalt  }
0x59: {  	_ =	shalt  }
0x5a: {  	_ =	shalt  }
0x5b: {  	_ =	shalt  }
0x5c: {  	_ =	shalt  }
0x5d: {  	_ =	shalt  }
0x5e: {  	_ =	shalt  }
0x5f: {  	_ =	shalt  }
0x60: {  	_ =	shalt  }
0x61: {  	_ =	shalt  }
0x62: {  	_ =	shalt  }
0x63: {  	_ =	shalt  }
0x64: {  	_ =	shalt  }
0x65: {  	_ =	shalt  }
0x66: {  	_ =	shalt  }
0x67: {  	_ =	shalt  }
0x68: {  	_ =	shalt  }
0x69: {  	_ =	shalt  }
0x6a: {  	_ =	shalt  }
0x6b: {  	_ =	shalt  }
0x6c: {  	_ =	shalt  }
0x6d: {  	_ =	shalt  }
0x6e: {  	_ =	shalt  }
0x6f: {  	_ =	shalt  }
0x70: {  	_ =	shalt  }
0x71: {  	_ =	shalt  }
0x72: {  	_ =	shalt  }
0x73: {  	_ =	shalt  }
0x74: {  	_ =	shalt  }
0x75: {  	_ =	shalt  }
0x76: {  	_ =	shalt  }
0x77: {  	_ =	shalt  }
0x78: {  	_ =	shalt  }
0x79: {  	_ =	shalt  }
0x7a: {  	_ =	shalt  }
0x7b: {  	_ =	shalt  }
0x7c: {  	_ =	shalt  }
0x7d: {  	_ =	shalt  }
0x7e: {  	_ =	shalt  }
0x7f: {  	_ =	shalt  }
0x80: {  	_ =	shalt  }
0x81: {  	_ =	shalt  }
0x82: {  	_ =	shalt  }
0x83: {  	_ =	shalt  }
0x84: {  	_ =	shalt  }
0x85: {  	_ =	shalt  }
0x86: {  	_ =	shalt  }
0x87: {  	_ =	shalt  }
.Lfunc_end0:
.L_simem_size_0:
called_computation_lowered:
.L_overlay_start_0:
0x88: {  	s2 =	sld [smem:$0x3FD9]  }
0x89: {  	s3 =	sld [smem:$0x3FFE];
	_ =	sdelay $0x1  }
0x8a: {  	s1 =	srdreg.scid  }
0x8b: {  	s0 =	sand.u32 $0x1, s1  }
0x8c: {  	s17 =	sshll.u32 s0, $0xA;
	s2 =	sadd.s32 s3, s2  }
0x8d: {  	s2 =	sadd.s32 s2, s17  }
0x8e: {  	[smem:$0x3FC6] =	sst s2  }
0x8f: {  	_ = 	snop  }
0x90: {  	s2 =	sld [smem:$0x3FC9];
	(tm) =	ssettm $0x1  }
0x91: {  	s18 =	sld [smem:$0x3FFB];
	_ =	sdelay $0x3  }
0x92: {  	_ =	strace s18  }
0x93: {  	s3 =	sld [smem:$0x3FFC];
	_ =	sdelay $0x3  }
0x94: {  	_ =	strace s3  }
0x95: {  	s3 =	sld [smem:$0x3FFD];
	_ =	sdelay $0x3  }
0x96: {  	_ =	strace s3  }
0x97: {  	_ =	strace $0x8FFFFFFF  }
0x98: {  	s19 =	sld [smem:$0x3FDB];
	_ =	sdelay $0x1  }
0x99: {  	s4 =	simm.s32 $_scs_section_size  }
0x9a: {  	s5 =	simm.s32 $_size__tile_overlayer_lowered;
	s6 =	simm.s32 $_tile_overlayer_lowered  }
0x9b: {  	s22 =	simm.s32 $0x1BFF;
	s21 =	sshll.u32 s6, $0x1;
	s3 =	sadd.s32 s4, s19  }
0x9c: {  	s7 =	simm.s32 $0x0;
	s20 =	sshll.u32 s5, $0x1;
	s5 =	sadd.s32 s21, s3  }
0x9d: {  	[timem:s7], [sflag:s22] =	dma.local [hbm:s5], s20  }
0x9e: {  	_ =	swait.ge [sflag:s22], s20  }
0x9f: {  	s4 =	ssub.s32 $0x0, s20;
	[sflag:s22] =	ssyncset.done $0x0  }
0xa0: {  	[sflag:s22] =	ssyncadd.s32 s4;
	_ =	sdelay $0x1  }
0xa1: {  	s23 =	simm.s32 $0x1B8B  }
0xa2: {  	_ =	swait.ge [sflag:s23], $0x1  }
0xa3: {  	[sflag:s23] =	ssyncset.done $0x0  }
0xa4: {  	s25 =	simm.s32 $0x1B8E;
	s24 =	sld [smem:$0x3FFE];
	[sflag:s23] =	ssyncadd.s32 $0xFFFFFFFF  }
0xa5: {  	s26 =	simm.s32 $execute0_lowered;
	[smem:$0x3FD2] =	sst s25  }
0xa6: {  	s5 =	sshll.u32 s26, $0x1;
	_ =	strace $0x80000046;
	[dreg:$0x1] =	wrdreg $0xFFFFFFFF  }
0xa7: {  	s28 =	simm.s32 $_size_execute0_lowered;
	s3 =	sadd.s32 s3, s5;
	[dreg:$0x0] =	wrdreg $0x0  }
0xa8: {  	s5 =	sshll.u32 s28, $0x1;
	[dreg:$0x2] =	wrdreg s3  }
0xa9: {  	[dreg:$0x3] =	wrdreg s5  }
0xaa: {  	[dreg:$0x4] =	wrdreg $0xC0  }
0xab: {  	_ =	task [dreg:s7], $0x5FFFF  }
0xac: {  	[dreg:$0x1] =	wrdreg $0xFFFFFFFF  }
0xad: {  	[dreg:$0x0] =	wrdreg $0x60  }
0xae: {  	[dreg:$0x2] =	wrdreg s2  }
0xaf: {  	[dreg:$0x3] =	wrdreg s24  }
0xb0: {  	[dreg:$0x4] =	wrdreg $0x9  }
0xb1: {  	_ =	task.clear_ibuf [dreg:s7], $0x5FFFF;
	_ =	strace $0x90000046  }
0xb2: {  	s29 =	simm.s32 $0x9;
	_ =	strace $0x80000048  }
0xb3: {  	_ =	swait.ge [sflag:s29], $0x1  }
0xb4: {  	[sflag:s29] =	ssyncadd.s32 $0xFFFFFFFF  }
0xb5: {  	_ =	strace $0x90000048  }
0xb6: {  	_ =	sfence  }
0xb7: {  	s30 =	sld [smem:$0x0];
	_ =	sdelay $0x2  }
0xb8: {  	s31 =	sshll.u32 s1, $0xD;
	s1 =	sshrl.u32 s1, $0x2  }
0xb9: {  	s3 =	sand.u32 $0x4000, s31;
	s1 =	sadd.s32 s1, s30  }
0xba: {  	s0 =	sor.u32 s3, s0;
	s1 =	sshll.u32 s1, $0x11  }
0xbb: {  	s0 =	sor.u32 s1, s0  }
0xbc: {  	s0 =	sadd.s32 $0x8F2B, s0  }
0xbd: {  	[sflag:s0] =	ssyncadd.remote.s32 $0x1  }
0xbe: {  	_ =	sfence.sel $0xFFFF  }
0xbf: {  	[dreg:$0x0] =	wrdreg $0xFFFFFFFF;
	(pc) =	sbr.abs _section_cstart, $3  }
0xc0: {  	[dreg:$0x1] =	wrdreg $0xFFFFFFFF  }
0xc1: {  	_ =	task.clear_ibuf [dreg:s7], $0x2FFFF;
	_ =	strace $0x9FFFFFFF  }
0xc2: {  	(tm) =	ssettm $0x7FFFFFFF  }
0xc3: {  	_ =	shalt  }
tec
execute0_lowered:
.L_overlay_start_1:
0x0: {  	(tag) =	ssettag $0x1  }
0x1: {  	s1 =	rddreg [dreg:$0x0]  }
0x2: {  	s0 =	rddreg [dreg:$0x1]  }
0x3: {  	s3 =	simm.s32 $0x0;
	s2 =	srdreg.scid;
	s11 =	stileid.u32  }
0x4: {  	s28 =	simm.s32 $0x11080;
	s29 =	simm.s32 $0x1;
	s30 =	simm.s32 $0x19880  }
0x5: {  	s31 =	simm.s32 $0x0;
	[smem:$0x7FF] =	sst s3;
	s4 =	sadd.s32 $0xE400, s0  }
0x6: {  	s2 =	sand.u32 $0x1, s2;
	s5 =	sshll.u32 s11, $0x1;
	s6 =	sadd.s32 $0x400, s0  }
0x7: {  	s15 =	sadd.s32 $0x1C400, s0;
	s16 =	sshll.u32 s11, $0x6;
	_ =	strace $0x80000047  }
0x8: {  	s7 =	ssub.s32 $0x2, s2;
	s2 =	sor.u32 s2, s5;
	s11 =	sand.u32 $0x380, s16  }
0x9: {  	s16 =	simm.s32 $0x2;
	s8 =	sshrl.u32 s7, $0x1;
	s9 =	smul.u32 $0x700, s2  }
0xa: {  	s17 =	sshll.u32 s2, $0x5;
	s12 =	sshllo.u32 s2, $0x1;
	s2 =	sshll.u32 s2, $0x3  }
0xb: {  	s10 =	ssub.s32 s7, s8;
	s18 =	sadd.s32 s0, s17;
	s7 =	sadd.s32 $0x100, s1  }
0xc: {  	s21 =	sshll.u32 s12, $0x4;
	s2 =	sadd.s32 s15, s2;
	[dreg:$0x3] =	wrdreg s18  }
0xd: {  	s0 =	sadd.s32 s0, s11;
	s19 =	sadd.s32 s4, s9;
	[dreg:$0x6] =	wrdreg s2  }
0xe: {  	s22 =	smul.u32 $0x380, s12;
	s20 =	sadd.s32 s6, s9;
	[dreg:$0x4] =	wrdreg s19  }
0xf: {  	s13 =	sand.u32 $0x70, s21;
	s26 =	smax.u32 s10, $0x1;
	[dreg:$0x5] =	wrdreg s20  }
.Ltmp0:
0x10: {  	s0 =	sadd.s32 s13, s0;
	[dreg:$0xb] =	wrdreg s26;
	(pc) =	sbr.rel .LBB2_1-.Ltmp0, $4  }
0x11: {  	s8 =	sadd.s32 $0x200, s1;
	s23 =	sadd.s32 s4, s22;
	[dreg:$0x7] =	wrdreg s0  }
0x12: {  	v0 =	vlaneseq.u32;
	s25 =	sshll.u32 s12, $0x2;
	s24 =	sadd.s32 s6, s22;
	[dreg:$0x8] =	wrdreg s23  }
0x13: {  	v1 =	vimm.f32 $0.0e+00;
	vm0 =	vmmov $0xffff;
	v3 =	vshrl.u32 v0, $0x3;
	s9 =	sadd.s32 $0x300, s1;
	[dreg:$0x9] =	wrdreg s24;
	s0 =	sadd.s32 s15, s25  }
0x14: {  	v2 =	vand.u32 $0x7, v0;
	v4 =	vor.u32 $0x8, v0;
	v3 =	vmul.u32 $0x8, v3;
	s26 =	simm.s32 $0x10880;
	s25 =	simm.s32 $0x10080;
	[dreg:$0xa] =	wrdreg s0  }
.LBB2_53:
0x15: {  	[tilespmem:$0x19880] =	vst v6  }
0x16: {  	[tilespmem:$0x19890] =	vst v5;
	s0 =	rddreg [dreg:$0xa]  }
0x17: {  	[hbm4b:s0+s3] =	stream.linear.scatter [tilespmem:s30], [sflag:$0x2], $0x20, $0x38;
	[tilespmem:$0x19900] =	vst v63  }
0x18: {  	_ =	swait.ge [sflag:s16], $0x20  }
0x19: {  	s31 =	sadd.s32 $0x1, s31;
	s24 =	rddreg [dreg:$0xb]  }
0x1a: {  	p0 =	sne.s32 s31, s24  }
.Ltmp1:
0x1b: {  	_ = 	snop;
	(pc) =	sbr.rel @!p0 .LBB2_54-.Ltmp1, $3  }
0x1c: {  	_ =	sdelay $0x1  }
0x1d: {  	[sflag:s16] =	ssyncset.done $0x0  }
0x1e: {  	[sflag:s16] =	ssyncadd.s32 $0xFFFFFFE0  }
.LBB2_1:
0x1f: {  	[tilespmem:$0x17900] =	vst v1  }
0x20: {  	[tilespmem:$0x17910] =	vst v1  }
0x21: {  	[tilespmem:$0x17920] =	vst v1  }
0x22: {  	[tilespmem:$0x17930] =	vst v1  }
0x23: {  	[tilespmem:$0x17940] =	vst v1  }
0x24: {  	[tilespmem:$0x17950] =	vst v1  }
0x25: {  	[tilespmem:$0x17960] =	vst v1  }
0x26: {  	[tilespmem:$0x17970] =	vst v1  }
0x27: {  	[tilespmem:$0x17D00] =	vst v1  }
0x28: {  	[tilespmem:$0x17D10] =	vst v1  }
0x29: {  	[tilespmem:$0x17D20] =	vst v1  }
0x2a: {  	[tilespmem:$0x17D30] =	vst v1  }
0x2b: {  	[tilespmem:$0x17D40] =	vst v1  }
0x2c: {  	[tilespmem:$0x17D50] =	vst v1  }
0x2d: {  	[tilespmem:$0x17D60] =	vst v1  }
0x2e: {  	[tilespmem:$0x17D70] =	vst v1  }
0x2f: {  	[tilespmem:$0x18100] =	vst v1  }
0x30: {  	[tilespmem:$0x18110] =	vst v1  }
0x31: {  	[tilespmem:$0x18120] =	vst v1  }
0x32: {  	[tilespmem:$0x18130] =	vst v1  }
0x33: {  	[tilespmem:$0x18140] =	vst v1  }
0x34: {  	[tilespmem:$0x18150] =	vst v1  }
0x35: {  	[tilespmem:$0x18160] =	vst v1  }
0x36: {  	[tilespmem:$0x18170] =	vst v1  }
0x37: {  	[tilespmem:$0x18500] =	vst v1  }
0x38: {  	[tilespmem:$0x18510] =	vst v1  }
0x39: {  	[tilespmem:$0x18520] =	vst v1  }
0x3a: {  	[tilespmem:$0x18530] =	vst v1  }
0x3b: {  	[tilespmem:$0x18540] =	vst v1  }
0x3c: {  	[tilespmem:$0x18550] =	vst v1  }
0x3d: {  	[tilespmem:$0x18560] =	vst v1  }
0x3e: {  	[tilespmem:$0x18570] =	vst v1  }
0x3f: {  	[tilespmem:$0x18900] =	vst v1  }
0x40: {  	[tilespmem:$0x18910] =	vst v1  }
0x41: {  	[tilespmem:$0x18920] =	vst v1  }
0x42: {  	[tilespmem:$0x18930] =	vst v1  }
0x43: {  	[tilespmem:$0x18940] =	vst v1  }
0x44: {  	[tilespmem:$0x18950] =	vst v1  }
0x45: {  	[tilespmem:$0x18960] =	vst v1  }
0x46: {  	[tilespmem:$0x18970] =	vst v1  }
0x47: {  	[tilespmem:$0x18D00] =	vst v1  }
0x48: {  	[tilespmem:$0x18D10] =	vst v1  }
0x49: {  	[tilespmem:$0x18D20] =	vst v1  }
0x4a: {  	[tilespmem:$0x18D30] =	vst v1  }
0x4b: {  	[tilespmem:$0x18D40] =	vst v1  }
0x4c: {  	[tilespmem:$0x18D50] =	vst v1  }
0x4d: {  	[tilespmem:$0x18D60] =	vst v1  }
0x4e: {  	[tilespmem:$0x18D70] =	vst v1  }
0x4f: {  	[tilespmem:$0x19100] =	vst v1  }
0x50: {  	[tilespmem:$0x19110] =	vst v1  }
0x51: {  	[tilespmem:$0x19120] =	vst v1  }
0x52: {  	[tilespmem:$0x19130] =	vst v1  }
0x53: {  	[tilespmem:$0x19140] =	vst v1  }
0x54: {  	[tilespmem:$0x19150] =	vst v1  }
0x55: {  	[tilespmem:$0x19160] =	vst v1  }
0x56: {  	[tilespmem:$0x19170] =	vst v1  }
0x57: {  	[tilespmem:$0x19500] =	vst v1  }
0x58: {  	[tilespmem:$0x19510] =	vst v1  }
0x59: {  	[tilespmem:$0x19520] =	vst v1  }
0x5a: {  	[tilespmem:$0x19530] =	vst v1  }
0x5b: {  	[tilespmem:$0x19540] =	vst v1  }
0x5c: {  	[tilespmem:$0x19550] =	vst v1  }
0x5d: {  	[tilespmem:$0x19560] =	vst v1  }
0x5e: {  	[tilespmem:$0x19570] =	vst v1;
	s0 =	rddreg [dreg:$0x3]  }
0x5f: {  	[tilespmem:s3], [sflag:$0x2] =	stream.linear.gather [hbm4b:s0+s3], $0x80, $0x38;
	[tilespmem:$0x19900] =	vst v63  }
0x60: {  	_ =	swait.ge [sflag:s16], $0x80  }
0x61: {  	[sflag:s16] =	ssyncset.done $0x0  }
0x62: {  	s2 =	simm.s32 $0x80;
	s14 =	rddreg [dreg:$0x4];
	[sflag:s16] =	ssyncadd.s32 $0xFFFFFF80  }
0x63: {  	[tilespmem:s2], [sflag:$0x2] =	stream.linear.gather [hbm4b:s14+s3], $0x1900, $0x38;
	[tilespmem:$0x19900] =	vst v63  }
0x64: {  	_ =	swait.ge [sflag:s16], $0x1900  }
0x65: {  	[sflag:s16] =	ssyncset.done $0x0  }
0x66: {  	s17 =	simm.s32 $0x1C80;
	s15 =	rddreg [dreg:$0x5];
	[sflag:s16] =	ssyncadd.s32 $0xFFFFE700  }
0x67: {  	[tilespmem:s17], [sflag:$0x2] =	stream.linear.gather [hbm4b:s15+s3], $0x1900, $0x38;
	[tilespmem:$0x19900] =	vst v63  }
0x68: {  	_ =	swait.ge [sflag:s16], $0x1900  }
0x69: {  	[sflag:s16] =	ssyncset.done $0x0  }
0x6a: {  	[sflag:s16] =	ssyncadd.s32 $0xFFFFE700  }
0x6b: {  	v5 =	vld [tilespmem:$0x0];
	_ =	sdelay $0x4  }
0x6c: {  	v6 =	vshll.u32 v5, $0x3  }
0x6d: {  	v5 =	vand.u32 $0x7, v5;
	v6 =	vand.u32 $0xFFFFFFC0, v6  }
0x6e: {  	v5 =	vor.u32 v5, v6  }
0x6f: {  	v6 =	vperm.xlane v5, v2;
	_ =	sdelay $0x1  }
0x70: {  	v6 =	vadd.s32 v3, v6;
	_ =	sdelay $0x3  }
0x71: {  	s18 =	simm.s32 $0x3880  }
0x72: {  	[tilespmem:s18], [sflag:$0x1] =	stream.indirect_vreg.gather [hbm4b:s1+s3], $0x80, v6, vm0, $0xb8;
	[tilespmem:$0x19900] =	vst v63  }
0x73: {  	s19 =	simm.s32 $0x4080;
	v5 =	vperm.xlane v5, v4  }
0x74: {  	[tilespmem:s19], [sflag:$0x1] =	stream.indirect_vreg.gather [hbm4b:s7+s3], $0x80, v6, vm0, $0xb8;
	[tilespmem:$0x19900] =	vst v63  }
0x75: {  	s20 =	simm.s32 $0x4880;
	v5 =	vadd.s32 v3, v5  }
0x76: {  	[tilespmem:s20], [sflag:$0x1] =	stream.indirect_vreg.gather [hbm4b:s8+s3], $0x80, v6, vm0, $0xb8;
	[tilespmem:$0x19900] =	vst v63  }
0x77: {  	s21 =	simm.s32 $0x5080  }
0x78: {  	[tilespmem:s21], [sflag:$0x1] =	stream.indirect_vreg.gather [hbm4b:s9+s3], $0x80, v6, vm0, $0xb8;
	[tilespmem:$0x19900] =	vst v63  }
0x79: {  	s22 =	simm.s32 $0x5880  }
0x7a: {  	[tilespmem:s22], [sflag:$0x1] =	stream.indirect_vreg.gather [hbm4b:s1+s3], $0x80, v5, vm0, $0xb8;
	[tilespmem:$0x19900] =	vst v63  }
0x7b: {  	s23 =	simm.s32 $0x6080  }
0x7c: {  	[tilespmem:s23], [sflag:$0x1] =	stream.indirect_vreg.gather [hbm4b:s7+s3], $0x80, v5, vm0, $0xb8;
	[tilespmem:$0x19900] =	vst v63  }
0x7d: {  	s24 =	simm.s32 $0x6880  }
0x7e: {  	[tilespmem:s24], [sflag:$0x1] =	stream.indirect_vreg.gather [hbm4b:s8+s3], $0x80, v5, vm0, $0xb8;
	[tilespmem:$0x19900] =	vst v63  }
0x7f: {  	s2 =	simm.s32 $0x7080  }
0x80: {  	[tilespmem:s2], [sflag:$0x1] =	stream.indirect_vreg.gather [hbm4b:s9+s3], $0x80, v5, vm0, $0xb8;
	[tilespmem:$0x19900] =	vst v63  }
0x81: {  	v5 =	vld [tilespmem:$0x10];
	_ =	sdelay $0x4  }
0x82: {  	v6 =	vshll.u32 v5, $0x3  }
0x83: {  	v5 =	vand.u32 $0x7, v5;
	v6 =	vand.u32 $0xFFFFFFC0, v6  }
0x84: {  	v5 =	vor.u32 v5, v6  }
0x85: {  	v6 =	vperm.xlane v5, v2;
	_ =	sdelay $0x1  }
0x86: {  	v6 =	vadd.s32 v3, v6;
	_ =	sdelay $0x3  }
0x87: {  	s4 =	simm.s32 $0x7880  }
0x88: {  	[tilespmem:s4], [sflag:$0x1] =	stream.indirect_vreg.gather [hbm4b:s1+s3], $0x80, v6, vm0, $0xb8;
	[tilespmem:$0x19900] =	vst v63  }
0x89: {  	s5 =	simm.s32 $0x8080;
	v5 =	vperm.xlane v5, v4  }
0x8a: {  	[tilespmem:s5], [sflag:$0x1] =	stream.indirect_vreg.gather [hbm4b:s7+s3], $0x80, v6, vm0, $0xb8;
	[tilespmem:$0x19900] =	vst v63  }
0x8b: {  	s6 =	simm.s32 $0x8880;
	v5 =	vadd.s32 v3, v5  }
0x8c: {  	[tilespmem:s6], [sflag:$0x1] =	stream.indirect_vreg.gather [hbm4b:s8+s3], $0x80, v6, vm0, $0xb8;
	[tilespmem:$0x19900] =	vst v63  }
0x8d: {  	s10 =	simm.s32 $0x9080  }
0x8e: {  	[tilespmem:s10], [sflag:$0x1] =	stream.indirect_vreg.gather [hbm4b:s9+s3], $0x80, v6, vm0, $0xb8;
	[tilespmem:$0x19900] =	vst v63  }
0x8f: {  	s11 =	simm.s32 $0x9880  }
0x90: {  	[tilespmem:s11], [sflag:$0x1] =	stream.indirect_vreg.gather [hbm4b:s1+s3], $0x80, v5, vm0, $0xb8;
	[tilespmem:$0x19900] =	vst v63  }
0x91: {  	s12 =	simm.s32 $0xA080  }
0x92: {  	[tilespmem:s12], [sflag:$0x1] =	stream.indirect_vreg.gather [hbm4b:s7+s3], $0x80, v5, vm0, $0xb8;
	[tilespmem:$0x19900] =	vst v63  }
0x93: {  	s13 =	simm.s32 $0xA880  }
0x94: {  	[tilespmem:s13], [sflag:$0x1] =	stream.indirect_vreg.gather [hbm4b:s8+s3], $0x80, v5, vm0, $0xb8;
	[tilespmem:$0x19900] =	vst v63  }
0x95: {  	s14 =	simm.s32 $0xB080  }
0x96: {  	[tilespmem:s14], [sflag:$0x1] =	stream.indirect_vreg.gather [hbm4b:s9+s3], $0x80, v5, vm0, $0xb8;
	[tilespmem:$0x19900] =	vst v63  }
0x97: {  	v5 =	vld [tilespmem:$0x20];
	_ =	sdelay $0x4  }
0x98: {  	v6 =	vshll.u32 v5, $0x3  }
0x99: {  	v5 =	vand.u32 $0x7, v5;
	v6 =	vand.u32 $0xFFFFFFC0, v6  }
0x9a: {  	v5 =	vor.u32 v5, v6  }
0x9b: {  	v6 =	vperm.xlane v5, v2;
	_ =	sdelay $0x1  }
0x9c: {  	v6 =	vadd.s32 v3, v6;
	_ =	sdelay $0x3  }
0x9d: {  	s15 =	simm.s32 $0xB880  }
0x9e: {  	[tilespmem:s15], [sflag:$0x1] =	stream.indirect_vreg.gather [hbm4b:s1+s3], $0x80, v6, vm0, $0xb8;
	[tilespmem:$0x19900] =	vst v63  }
0x9f: {  	s17 =	simm.s32 $0xC080;
	v5 =	vperm.xlane v5, v4  }
0xa0: {  	[tilespmem:s17], [sflag:$0x1] =	stream.indirect_vreg.gather [hbm4b:s7+s3], $0x80, v6, vm0, $0xb8;
	[tilespmem:$0x19900] =	vst v63  }
0xa1: {  	s18 =	simm.s32 $0xC880;
	v5 =	vadd.s32 v3, v5  }
0xa2: {  	[tilespmem:s18], [sflag:$0x1] =	stream.indirect_vreg.gather [hbm4b:s8+s3], $0x80, v6, vm0, $0xb8;
	[tilespmem:$0x19900] =	vst v63  }
0xa3: {  	s19 =	simm.s32 $0xD080  }
0xa4: {  	[tilespmem:s19], [sflag:$0x1] =	stream.indirect_vreg.gather [hbm4b:s9+s3], $0x80, v6, vm0, $0xb8;
	[tilespmem:$0x19900] =	vst v63  }
0xa5: {  	s20 =	simm.s32 $0xD880  }
0xa6: {  	[tilespmem:s20], [sflag:$0x1] =	stream.indirect_vreg.gather [hbm4b:s1+s3], $0x80, v5, vm0, $0xb8;
	[tilespmem:$0x19900] =	vst v63  }
0xa7: {  	s21 =	simm.s32 $0xE080  }
0xa8: {  	[tilespmem:s21], [sflag:$0x1] =	stream.indirect_vreg.gather [hbm4b:s7+s3], $0x80, v5, vm0, $0xb8;
	[tilespmem:$0x19900] =	vst v63  }
0xa9: {  	s22 =	simm.s32 $0xE880  }
0xaa: {  	[tilespmem:s22], [sflag:$0x1] =	stream.indirect_vreg.gather [hbm4b:s8+s3], $0x80, v5, vm0, $0xb8;
	[tilespmem:$0x19900] =	vst v63  }
0xab: {  	s23 =	simm.s32 $0xF080  }
0xac: {  	[tilespmem:s23], [sflag:$0x1] =	stream.indirect_vreg.gather [hbm4b:s9+s3], $0x80, v5, vm0, $0xb8;
	[tilespmem:$0x19900] =	vst v63  }
0xad: {  	v5 =	vld.msk [tilespmem:$0x30], $0xff;
	_ =	sdelay $0x4  }
0xae: {  	v6 =	vshll.u32 v5, $0x3  }
0xaf: {  	v5 =	vand.u32 $0x7, v5;
	v6 =	vand.u32 $0xFFFFFFC0, v6  }
0xb0: {  	v5 =	vor.u32 v5, v6  }
0xb1: {  	v5 =	vperm.xlane v5, v2;
	_ =	sdelay $0x1  }
0xb2: {  	v5 =	vadd.s32 v3, v5;
	_ =	sdelay $0x3  }
0xb3: {  	s24 =	simm.s32 $0xF880  }
0xb4: {  	[tilespmem:s24], [sflag:$0x1] =	stream.indirect_vreg.gather [hbm4b:s1+s3], $0x80, v5, vm0, $0xb8;
	[tilespmem:$0x19900] =	vst v63  }
0xb5: {  	_ = 	snop  }
0xb6: {  	[tilespmem:s25], [sflag:$0x1] =	stream.indirect_vreg.gather [hbm4b:s7+s3], $0x80, v5, vm0, $0xb8;
	[tilespmem:$0x19900] =	vst v63  }
0xb7: {  	_ = 	snop  }
0xb8: {  	[tilespmem:s26], [sflag:$0x1] =	stream.indirect_vreg.gather [hbm4b:s8+s3], $0x80, v5, vm0, $0xb8;
	[tilespmem:$0x19900] =	vst v63  }
0xb9: {  	_ = 	snop  }
0xba: {  	[tilespmem:s28], [sflag:$0x1] =	stream.indirect_vreg.gather [hbm4b:s9+s3], $0x80, v5, vm0, $0xb8;
	[tilespmem:$0x19900] =	vst v63  }
0xbb: {  	_ =	swait.ge [sflag:s29], $0xE000  }
0xbc: {  	[sflag:s29] =	ssyncset.done $0x0  }
0xbd: {  	[sflag:s29] =	ssyncadd.s32 $0xFFFF2000  }
0xbe: {  	v5 =	vld [tilespmem:$0x80];
	_ =	sdelay $0x4  }
0xbf: {  	(v2sf) =	vpush v5, $0x3;
	_ =	sdelay $0xe  }
0xc0: {  	s0 =	spop (v2sf)  }
0xc1: {  	p0 =	slt.s32 s0, $0x1  }
.Ltmp2:
0xc2: {  	_ = 	snop;
	(pc) =	sbr.rel @p0 .LBB2_5-.Ltmp2, $2  }
0xc3: {  	_ =	sdelay $0x2  }
0xc4: {  	s2 =	simm.s32 $0x0  }
.LBB2_2:
0xc5: {  	s4 =	sshll.u32 s2, $0xA;
	s5 =	sshll.u32 s2, $0x7  }
0xc6: {  	s4 =	sand.u32 $0xFFFFE000, s4;
	s5 =	sand.u32 $0x380, s5  }
0xc7: {  	s5 =	sor.u32 s5, s4;
	s4 =	simm.s32 $0x0  }
0xc8: {  	s5 =	sadd.s32 $0x11880, s5;
	s6 =	sand.u32 $0x1C00, s4  }
0xc9: {  	s10 =	sand.u32 $0x70, s4;
	s11 =	sadd.s32 s6, s5  }
0xca: {  	s6 =	simm.s32 $0x10;
	s10 =	sadd.s32 s10, s11  }
.LBB2_3:
0xcb: {  	p0 =	sne.s32 s6, $0x3F0  }
0xcc: {  	[tilespmem:s10+$0x0] =	vst v1;
	s4 =	sadd.s32 $0x80, s4;
	s10 =	smov.u32 s6;
	s6 =	sadd.s32 $0x10, s6  }
.Ltmp3:
0xcd: {  	(pc) =	sbr.rel @p0 .LBB2_3-.Ltmp3, $4  }
0xce: {  	_ = 	snop  }
0xcf: {  	s11 =	sand.u32 $0x1C00, s4  }
0xd0: {  	s10 =	sand.u32 $0x70, s10;
	s11 =	sadd.s32 s11, s5  }
0xd1: {  	s10 =	sadd.s32 s10, s11  }
0xd2: {  	s2 =	sadd.s32 $0x1, s2  }
0xd3: {  	p0 =	sne.s32 s2, s0  }
.Ltmp4:
0xd4: {  	_ = 	snop;
	(pc) =	sbr.rel @p0 .LBB2_2-.Ltmp4, $2  }
0xd5: {  	_ =	sdelay $0x2  }
0xd6: {  	[tilespmem:s10+$0x0] =	vst v1  }
.LBB2_5:
.Ltmp5:
0xd7: {  	(pc) =	sbr.rel .LBB2_6-.Ltmp5, $2  }
0xd8: {  	_ =	sdelay $0x2  }
0xd9: {  	s10 =	simm.s32 $0x0;
	v5 =	vimm.f32 $0.0e+00;
	v6 =	vimm.f32 $0.0e+00  }
.LBB2_18:
0xda: {  	s13 =	simm.s32 $0x0;
	v14 =	vmov v5;
	s12 =	simm.s32 $0x0;
	v12 =	vmov v6  }
.LBB2_25:
0xdb: {  	v18 =	vsel @p0 vm1, $0x3F800000, v1;
	vm1 =	veq.s32 @p0 v17, $0x0;
	vm2 =	veq.s32 @p0 v17, v10  }
0xdc: {  	vm1 =	vmor @p0 vm1, vm2;
	v17 =	vsub.f32 @p0 $1.000000000e+00, v18  }
0xdd: {  	v19 =	vnsel @p0 vm1, $0x3F800000, v7  }
0xde: {  	s12 =	sadd.s32 @p0 $0x80, s12;
	v20 =	vmul.f32 @p0 v19, v18;
	v17 =	vmul.f32 @p0 v13, v17  }
0xdf: {  	s13 =	sadd.s32 @p0 $0x10, s13;
	s15 =	simm.s32 $0x0;
	s11 =	smov.u32 @p0 s12  }
0xe0: {  	s12 =	sadd.s32 @p0 s14, s2;
	s15 =	smov.u32 @p0 s13;
	s11 =	sand.u32 $0xFFFFFC00, s11;
	v17 =	vadd.f32 @p0 v17, v20  }
0xe1: {  	s6 =	sadd.s32 @p0 s6, s12;
	s23 =	sand.u32 $0x70, s15;
	s4 =	sadd.s32 s11, s4  }
0xe2: {  	s0 =	ssub.s32 s15, s0;
	s4 =	sadd.s32 s23, s4;
	v20 =	vld @p0 [tilespmem:s6+$0x0];
	[tilespmem:s5+$0x0] =	vst @p0 v17  }
0xe3: {  	v58 =	vmov s0;
	v13 =	vmul.f32 @p0 v13, v8;
	v21 =	vld [tilespmem:s4+$0x0]  }
0xe4: {  	v11 =	vmul.f32 @p1 v16, v11;
	v59 =	vbroadcast v58, $0x0  }
0xe5: {  	v13 =	vmul.f32 @p0 v13, v18  }
0xe6: {  	v14 =	vadd.f32 @p1 v11, v14;
	v16 =	vadd.s32 v0, v59  }
0xe7: {  	v11 =	vmul.f32 @p1 v11, v15;
	v60 =	vand.u32 $0x3FF, v16;
	v13 =	vsub.f32 @p0 v19, v13  }
0xe8: {  	vm1 =	vlt.s32 v60, v9;
	v9 =	vpsel p0, v18, v0;
	v8 =	vmul.f32 v21, v8  }
0xe9: {  	s24 =	sadd.s32 s11, s2;
	vm2 =	veq.s32 v60, v10;
	v61 =	vsel vm1, $0x3F800000, v1;
	vm1 =	veq.s32 v60, $0x0  }
0xea: {  	s0 =	sadd.s32 s23, s24;
	v10 =	vpsel p0, v13, v0;
	vm1 =	vmor vm1, vm2;
	v8 =	vmul.f32 v8, v61  }
0xeb: {  	v62 =	vld [tilespmem:s0+$0x0];
	v9 =	vmul.f32 @p0 v10, v9;
	v7 =	vnsel vm1, $0x3F800000, v7  }
0xec: {  	v11 =	vadd.f32 @p1 v11, v12;
	v12 =	vpsel p0, v20, v0;
	v8 =	vsub.f32 v7, v8  }
0xed: {  	v14 =	vpsel p1, v14, v5;
	v63 =	vsub.f32 $1.000000000e+00, v61;
	v12 =	vmul.f32 @p0 v9, v12  }
0xee: {  	v11 =	vpsel p1, v11, v6;
	v9 =	vadd.f32 @p0 v9, v14;
	v8 =	vmul.f32 v8, v61  }
0xef: {  	v13 =	vmul.f32 v21, v63;
	v11 =	vadd.f32 @p0 v12, v11;
	v7 =	vmul.f32 v7, v61  }
0xf0: {  	v10 =	vmul.f32 v8, v62  }
0xf1: {  	v5 =	vpsel p0, v9, v5;
	v6 =	vpsel p0, v11, v6;
	v7 =	vadd.f32 v13, v7  }
0xf2: {  	v5 =	vadd.f32 v8, v5;
	v6 =	vadd.f32 v10, v6  }
0xf3: {  	[tilespmem:s4+$0x0] =	vst v7  }
.LBB2_26:
0xf4: {  	s10 =	sadd.s32 $0x1, s10  }
0xf5: {  	p0 =	sne.s32 s10, $0x32  }
.Ltmp6:
0xf6: {  	_ = 	snop;
	(pc) =	sbr.rel @!p0 .LBB2_27-.Ltmp6, $1  }
0xf7: {  	_ =	sdelay $0x3  }
.LBB2_6:
0xf8: {  	s5 =	sshll.u32 s10, $0x7  }
0xf9: {  	v9 =	vld [tilespmem:s5+$0x80];
	_ =	sdelay $0x4  }
0xfa: {  	(v2sf) =	vpush v9, $0x0;
	_ =	sdelay $0x1  }
0xfb: {  	(v2sf) =	vpush v9, $0x1;
	_ =	sdelay $0xc  }
0xfc: {  	s11 =	spop (v2sf)  }
0xfd: {  	s0 =	sand.u32 $0x3FF, s11  }
0xfe: {  	s2 =	spop (v2sf);
	s4 =	ssub.s32 $0x400, s0  }
0xff: {  	(v2sf) =	vpush v9, $0x2;
	p0 =	slt.s32 s2, s4  }
0x100: {  	s4 =	smov.u32 @p0 s2  }
0x101: {  	s4 =	sadd.s32 s0, s4  }
0x102: {  	s6 =	sadd.s32 $0xF, s4  }
0x103: {  	s12 =	sand.u32 $0xF, s6  }
0x104: {  	p6 =	slt.s32 s4, $0xFFFFFFF2;
	s13 =	sshra.s32 s6, $0x1F;
	p1 =	sne.s32 s12, $0x0  }
0x105: {  	s23 =	sshrl.u32 s13, $0x1C;
	p0 =	por !p6, !p1  }
0x106: {  	s12 =	simm.s32 $0x1;
	s4 =	sadd.s32 s23, s6;
	p0 =	por !p0, !p0  }
0x107: {  	s4 =	sshra.s32 s4, $0x4;
	s12 =	simm.s32 @!p0 $0x0  }
0x108: {  	v8 =	vld [tilespmem:s5+$0x1C80];
	s6 =	sshrl.u32 s0, $0x4;
	s12 =	ssub.s32 s4, s12  }
0x109: {  	p1 =	sge.s32 s6, s12  }
.Ltmp7:
0x10a: {  	_ = 	snop;
	(pc) =	sbr.rel @p1 .LBB2_16-.Ltmp7, $3  }
0x10b: {  	_ =	sdelay $0x1  }
0x10c: {  	s24 =	sshll.u32 s10, $0xA;
	v7 =	vbroadcast v8, $0x0  }
0x10d: {  	s17 =	sand.u32 $0x380, s5;
	v8 =	vbroadcast v8, $0x1;
	v9 =	vbroadcast v9, $0x1;
	s13 =	sand.u32 $0xE000, s24;
	s12 =	spop (v2sf)  }
0x10e: {  	s5 =	simm.s32 $0xFFFFFFFF  }
0x10f: {  	s5 =	simm.s32 @!p0 $0x0  }
0x110: {  	s5 =	sadd.s32 s5, s4  }
0x111: {  	s24 =	ssub.s32 s5, s6  }
0x112: {  	p2 =	sne.s32 s24, $0x1  }
.Ltmp8:
0x113: {  	s14 =	sshll.u32 s12, $0xA;
	(pc) =	sbr.rel @!p2 .LBB2_8-.Ltmp8, $4  }
0x114: {  	s15 =	sshll.u32 s12, $0x7;
	s18 =	sor.u32 s17, s13;
	p1 =	por $0x0, $0x0  }
0x115: {  	s14 =	sand.u32 $0xFFFFE000, s14;
	s15 =	sand.u32 $0x380, s15;
	s18 =	sadd.s32 $0x3880, s18  }
0x116: {  	p0 =	por $0x0, $0x0;
	s14 =	sor.u32 s15, s14;
	s15 =	sshll.u32 s6, $0x4  }
0x117: {  	v10 =	vadd.s32 $0xFFFFFFFF, v9;
	s4 =	sadd.s32 $0x11880, s14;
	s5 =	sshll.u32 s6, $0x7;
	s6 =	sadd.s32 $0xFFFFFFFF, s24  }
0x118: {  	s14 =	ssub.s32 s15, s0  }
0x119: {  	p2 =	sne.s32 s6, $0x1;
	v11 =	vmov s14  }
.Ltmp9:
0x11a: {  	v11 =	vbroadcast v11, $0x0;
	(pc) =	sbr.rel @!p2 .LBB2_10-.Ltmp9, $4  }
0x11b: {  	s20 =	sand.u32 $0xFFFFFC00, s5  }
0x11c: {  	s21 =	sand.u32 $0x70, s15;
	s24 =	sadd.s32 s20, s4;
	v11 =	vadd.s32 v0, v11  }
0x11d: {  	s22 =	sadd.s32 s21, s24;
	v17 =	vand.u32 $0x3FF, v11  }
0x11e: {  	s23 =	sadd.s32 $0xFFFFFFFF, s6;
	p0 =	por $0x1, $0x1;
	v13 =	vld [tilespmem:s22+$0x0];
	vm1 =	vlt.s32 v17, v9  }
0x11f: {  	_ = 	snop  }
0x120: {  	v11 =	vsel vm1, $0x3F800000, v1;
	vm1 =	veq.s32 v17, $0x0;
	vm2 =	veq.s32 v17, v10  }
0x121: {  	vm1 =	vmor vm1, vm2;
	v12 =	vsub.f32 $1.000000000e+00, v11  }
0x122: {  	s14 =	sadd.s32 $0x10, s15;
	v14 =	vnsel vm1, $0x3F800000, v7  }
0x123: {  	s6 =	ssub.s32 s14, s0;
	v15 =	vmul.f32 v14, v11;
	v12 =	vmul.f32 v13, v12  }
0x124: {  	s19 =	sadd.s32 $0x80, s5;
	p2 =	sne.s32 s23, $0x1;
	v16 =	vmov s6  }
.Ltmp10:
0x125: {  	s24 =	sadd.s32 s20, s18;
	s20 =	sand.u32 $0xFFFFFC00, s19;
	v16 =	vbroadcast v16, $0x0;
	v13 =	vmul.f32 v13, v8;
	v12 =	vadd.f32 v12, v15;
	(pc) =	sbr.rel @!p2 .LBB2_12-.Ltmp10, $4  }
0x126: {  	s6 =	sadd.s32 s21, s24;
	s21 =	sand.u32 $0x70, s14;
	s24 =	sadd.s32 s20, s4  }
0x127: {  	v18 =	vmul.f32 v13, v11;
	v13 =	vadd.s32 v0, v16;
	v15 =	vld [tilespmem:s6+$0x0];
	s6 =	sadd.s32 s21, s24;
	[tilespmem:s22+$0x0] =	vst v12  }
0x128: {  	v17 =	vand.u32 $0x3FF, v13;
	v13 =	vld [tilespmem:s6+$0x0]  }
0x129: {  	p1 =	por $0x1, $0x1;
	v16 =	vsub.f32 v14, v18;
	s22 =	sadd.s32 $0xFFFFFFFF, s23;
	vm1 =	vlt.s32 v17, v9;
	v14 =	vmovc v5;
	v12 =	vmov v6  }
.LBB2_13:
0x12a: {  	p2 =	sne.s32 s22, $0x1;
	v18 =	vsel vm1, $0x3F800000, v1;
	vm1 =	veq.s32 v17, $0x0;
	vm2 =	veq.s32 v17, v10  }
0x12b: {  	v16 =	vmul.f32 v16, v11;
	vm1 =	vmor vm1, vm2;
	v17 =	vsub.f32 $1.000000000e+00, v18;
	v11 =	vmovc v18  }
0x12c: {  	s14 =	sadd.s32 $0x10, s14;
	v18 =	vnsel vm1, $0x3F800000, v7  }
0x12d: {  	s23 =	ssub.s32 s14, s0;
	v14 =	vadd.f32 v16, v14;
	v19 =	vmul.f32 v18, v11;
	v17 =	vmul.f32 v13, v17  }
0x12e: {  	s19 =	sadd.s32 $0x80, s19;
	v20 =	vmov s23;
	v15 =	vmul.f32 v16, v15;
	v13 =	vmul.f32 v13, v8  }
.Ltmp11:
0x12f: {  	s23 =	sadd.s32 s20, s18;
	s20 =	sand.u32 $0xFFFFFC00, s19;
	v16 =	vbroadcast v20, $0x0;
	v17 =	vadd.f32 v17, v19;
	(pc) =	sbr.rel @p2 .LBB2_13-.Ltmp11, $4  }
0x130: {  	s24 =	sadd.s32 s20, s4;
	s23 =	sadd.s32 s21, s23;
	s21 =	sand.u32 $0x70, s14;
	v12 =	vadd.f32 v15, v12;
	v19 =	vmul.f32 v13, v11  }
0x131: {  	v13 =	vadd.s32 v0, v16;
	v15 =	vld [tilespmem:s23+$0x0];
	[tilespmem:s6+$0x0] =	vst v17;
	s6 =	sadd.s32 s21, s24  }
0x132: {  	v17 =	vand.u32 $0x3FF, v13;
	v16 =	vsub.f32 v18, v19;
	v13 =	vld [tilespmem:s6+$0x0]  }
0x133: {  	s22 =	sadd.s32 $0xFFFFFFFF, s22;
	vm1 =	vlt.s32 v17, v9  }
0x134: {  	s22 =	smov.u32 s6  }
.LBB2_15:
0x135: {  	v18 =	vsel @p0 vm1, $0x3F800000, v1;
	vm1 =	veq.s32 @p0 v17, $0x0;
	vm2 =	veq.s32 @p0 v17, v10  }
0x136: {  	vm1 =	vmor @p0 vm1, vm2;
	v17 =	vsub.f32 @p0 $1.000000000e+00, v18  }
0x137: {  	v19 =	vnsel @p0 vm1, $0x3F800000, v7  }
0x138: {  	s6 =	sadd.s32 @p0 $0x80, s19;
	v20 =	vmul.f32 @p0 v19, v18;
	v17 =	vmul.f32 @p0 v13, v17  }
0x139: {  	s14 =	sadd.s32 @p0 $0x10, s14;
	s5 =	smov.u32 @p0 s6  }
0x13a: {  	s6 =	sadd.s32 @p0 s20, s18;
	s15 =	smov.u32 @p0 s14;
	s5 =	sand.u32 $0xFFFFFC00, s5;
	v17 =	vadd.f32 @p0 v17, v20  }
0x13b: {  	s6 =	sadd.s32 @p0 s21, s6;
	s14 =	sand.u32 $0x70, s15;
	s4 =	sadd.s32 s5, s4  }
0x13c: {  	s24 =	ssub.s32 s15, s0;
	s4 =	sadd.s32 s14, s4;
	v20 =	vld @p0 [tilespmem:s6+$0x0];
	[tilespmem:s22+$0x0] =	vst @p0 v17  }
0x13d: {  	v54 =	vmov s24;
	v13 =	vmul.f32 @p0 v13, v8;
	v21 =	vld [tilespmem:s4+$0x0]  }
0x13e: {  	v11 =	vmul.f32 @p1 v16, v11;
	v55 =	vbroadcast v54, $0x0  }
0x13f: {  	v13 =	vmul.f32 @p0 v13, v18  }
0x140: {  	v14 =	vadd.f32 @p1 v11, v14;
	v16 =	vadd.s32 v0, v55  }
0x141: {  	v11 =	vmul.f32 @p1 v11, v15;
	v56 =	vand.u32 $0x3FF, v16;
	v13 =	vsub.f32 @p0 v19, v13  }
0x142: {  	v16 =	vpsel p0, v18, v0;
	vm1 =	vlt.s32 v56, v9;
	v57 =	vmul.f32 v21, v8  }
0x143: {  	s5 =	sadd.s32 s5, s18;
	vm2 =	veq.s32 v56, $0x0;
	v58 =	vsel vm1, $0x3F800000, v1;
	vm1 =	veq.s32 v56, v10  }
0x144: {  	s5 =	sadd.s32 s14, s5;
	v10 =	vpsel p0, v13, v0;
	vm1 =	vmor vm2, vm1;
	v59 =	vmul.f32 v57, v58  }
0x145: {  	v61 =	vld [tilespmem:s5+$0x0];
	v10 =	vmul.f32 @p0 v10, v16;
	v60 =	vnsel vm1, $0x3F800000, v7  }
0x146: {  	v11 =	vadd.f32 @p1 v11, v12;
	v16 =	vpsel p0, v20, v0;
	v13 =	vsub.f32 v60, v59  }
0x147: {  	v14 =	vpsel p1, v14, v5;
	v62 =	vsub.f32 $1.000000000e+00, v58;
	v16 =	vmul.f32 @p0 v10, v16  }
0x148: {  	v11 =	vpsel p1, v11, v6;
	v12 =	vmul.f32 v60, v58;
	v13 =	vmul.f32 v13, v58  }
0x149: {  	v10 =	vadd.f32 @p0 v10, v14;
	v17 =	vmul.f32 v21, v62;
	v11 =	vadd.f32 @p0 v16, v11  }
0x14a: {  	v63 =	vmul.f32 v13, v61  }
0x14b: {  	v5 =	vpsel p0, v10, v5;
	v12 =	vadd.f32 v17, v12;
	v6 =	vpsel p0, v11, v6  }
0x14c: {  	v5 =	vadd.f32 v13, v5;
	v6 =	vadd.f32 v63, v6  }
0x14d: {  	[tilespmem:s4+$0x0] =	vst v12  }
.LBB2_16:
0x14e: {  	s4 =	sor.u32 $0xFFFFFC00, s11  }
0x14f: {  	s2 =	sadd.s32 s4, s2  }
0x150: {  	p0 =	sgt.s32 s2, $0x0  }
0x151: {  	s2 =	simm.s32 @!p0 $0x0  }
0x152: {  	s2 =	sadd.s32 $0xF, s2  }
0x153: {  	s23 =	sand.u32 $0xF, s2  }
0x154: {  	s24 =	sshra.s32 s2, $0x1F;
	p1 =	slt.s32 s2, $0x0;
	p6 =	sne.s32 s23, $0x0  }
0x155: {  	s4 =	sshrl.u32 s24, $0x1C;
	p0 =	por !p1, !p6  }
0x156: {  	s2 =	sadd.s32 s4, s2;
	s4 =	simm.s32 $0x1;
	p0 =	por !p0, !p0  }
0x157: {  	s2 =	sshra.s32 s2, $0x4;
	s4 =	simm.s32 @!p0 $0x0  }
0x158: {  	s5 =	ssub.s32 s2, s4  }
0x159: {  	p0 =	slt.s32 s5, $0x1  }
.Ltmp12:
0x15a: {  	_ = 	snop;
	(pc) =	sbr.rel @p0 .LBB2_26-.Ltmp12, $1  }
0x15b: {  	_ =	sdelay $0x3  }
0x15c: {  	p2 =	sne.s32 s5, $0x1  }
.Ltmp13:
0x15d: {  	_ = 	snop;
	(pc) =	sbr.rel @!p2 .LBB2_18-.Ltmp13, $4  }
0x15e: {  	s2 =	sshll.u32 s12, $0xA;
	s4 =	sshll.u32 s12, $0x7;
	s6 =	sor.u32 s17, s13  }
0x15f: {  	s12 =	sadd.s32 $0xFFFFFFFF, s5;
	s11 =	sand.u32 $0xFFFFE000, s2;
	s4 =	sand.u32 $0x380, s4  }
0x160: {  	p0 =	por $0x0, $0x0;
	p1 =	por $0x0, $0x0;
	s4 =	sor.u32 s4, s11  }
0x161: {  	v10 =	vadd.s32 $0xFFFFFFFF, v9;
	s2 =	sadd.s32 $0x3880, s6;
	s11 =	simm.s32 $0x0;
	s4 =	sadd.s32 $0x11880, s4  }
0x162: {  	s5 =	ssub.s32 $0x0, s0  }
0x163: {  	p2 =	sne.s32 s12, $0x1;
	v11 =	vmov s5  }
.Ltmp14:
0x164: {  	s14 =	sand.u32 $0xFFFFFC00, s11;
	v11 =	vbroadcast v11, $0x0;
	(pc) =	sbr.rel @!p2 .LBB2_20-.Ltmp14, $4  }
0x165: {  	s6 =	sand.u32 $0x70, s11;
	s24 =	sadd.s32 s14, s4  }
0x166: {  	s5 =	sadd.s32 s6, s24;
	v11 =	vadd.s32 v0, v11  }
0x167: {  	v13 =	vld [tilespmem:s5+$0x0];
	v17 =	vand.u32 $0x3FF, v11  }
0x168: {  	s17 =	sadd.s32 $0xFFFFFFFF, s12;
	p0 =	por $0x1, $0x1;
	vm1 =	vlt.s32 v17, v9  }
0x169: {  	v11 =	vsel vm1, $0x3F800000, v1;
	vm1 =	veq.s32 v17, $0x0;
	vm2 =	veq.s32 v17, v10  }
0x16a: {  	vm1 =	vmor vm1, vm2;
	v12 =	vsub.f32 $1.000000000e+00, v11  }
0x16b: {  	v14 =	vnsel vm1, $0x3F800000, v7  }
0x16c: {  	s12 =	ssub.s32 $0x10, s0;
	v15 =	vmul.f32 v14, v11;
	v12 =	vmul.f32 v13, v12  }
0x16d: {  	s15 =	sadd.s32 s14, s2;
	p2 =	sne.s32 s17, $0x1;
	v16 =	vmov s12;
	s12 =	simm.s32 $0x80  }
.Ltmp15:
0x16e: {  	s13 =	simm.s32 $0x10;
	v16 =	vbroadcast v16, $0x0;
	s14 =	sand.u32 $0xFFFFFC00, s12;
	v13 =	vmul.f32 v13, v8;
	v12 =	vadd.f32 v12, v15;
	(pc) =	sbr.rel @!p2 .LBB2_22-.Ltmp15, $4  }
0x16f: {  	s15 =	sadd.s32 s6, s15;
	s6 =	sand.u32 $0x70, s13;
	s18 =	sadd.s32 s14, s4  }
0x170: {  	v18 =	vmul.f32 v13, v11;
	v13 =	vadd.s32 v0, v16;
	v15 =	vld [tilespmem:s15+$0x0];
	s15 =	sadd.s32 s6, s18;
	[tilespmem:s5+$0x0] =	vst v12  }
0x171: {  	v17 =	vand.u32 $0x3FF, v13;
	v13 =	vld [tilespmem:s15+$0x0]  }
0x172: {  	p1 =	por $0x1, $0x1;
	v16 =	vsub.f32 v14, v18;
	s5 =	sadd.s32 $0xFFFFFFFF, s17;
	vm1 =	vlt.s32 v17, v9;
	v14 =	vmovc v5;
	v12 =	vmov v6  }
.LBB2_23:
0x173: {  	p2 =	sne.s32 s5, $0x1;
	v18 =	vsel vm1, $0x3F800000, v1;
	vm1 =	veq.s32 v17, $0x0;
	vm2 =	veq.s32 v17, v10  }
0x174: {  	v16 =	vmul.f32 v16, v11;
	vm1 =	vmor vm1, vm2;
	v17 =	vsub.f32 $1.000000000e+00, v18;
	v11 =	vmovc v18  }
0x175: {  	s13 =	sadd.s32 $0x10, s13;
	v18 =	vnsel vm1, $0x3F800000, v7  }
0x176: {  	s17 =	ssub.s32 s13, s0;
	v14 =	vadd.f32 v16, v14;
	v19 =	vmul.f32 v18, v11;
	v17 =	vmul.f32 v13, v17  }
0x177: {  	s12 =	sadd.s32 $0x80, s12;
	v20 =	vmov s17;
	v15 =	vmul.f32 v16, v15;
	v13 =	vmul.f32 v13, v8  }
.Ltmp16:
0x178: {  	s17 =	sadd.s32 s14, s2;
	s14 =	sand.u32 $0xFFFFFC00, s12;
	v16 =	vbroadcast v20, $0x0;
	v17 =	vadd.f32 v17, v19;
	(pc) =	sbr.rel @p2 .LBB2_23-.Ltmp16, $4  }
0x179: {  	s18 =	sadd.s32 s14, s4;
	s17 =	sadd.s32 s6, s17;
	s6 =	sand.u32 $0x70, s13;
	v12 =	vadd.f32 v15, v12;
	v19 =	vmul.f32 v13, v11  }
0x17a: {  	v13 =	vadd.s32 v0, v16;
	v15 =	vld [tilespmem:s17+$0x0];
	[tilespmem:s15+$0x0] =	vst v17;
	s15 =	sadd.s32 s6, s18  }
0x17b: {  	v17 =	vand.u32 $0x3FF, v13;
	v16 =	vsub.f32 v18, v19;
	v13 =	vld [tilespmem:s15+$0x0]  }
0x17c: {  	s5 =	sadd.s32 $0xFFFFFFFF, s5;
	vm1 =	vlt.s32 v17, v9  }
.Ltmp17:
0x17d: {  	(pc) =	sbr.rel .LBB2_25-.Ltmp17, $2  }
0x17e: {  	_ =	sdelay $0x2  }
0x17f: {  	s5 =	smov.u32 s15  }
.LBB2_20:
.Ltmp18:
0x180: {  	(pc) =	sbr.rel .LBB2_25-.Ltmp18, $2  }
0x181: {  	_ =	sdelay $0x2  }
0x182: {  	s13 =	simm.s32 $0x0;
	v14 =	vmov v5;
	s12 =	simm.s32 $0x0;
	v12 =	vmov v6  }
.LBB2_22:
.Ltmp19:
0x183: {  	(pc) =	sbr.rel .LBB2_25-.Ltmp19, $2  }
0x184: {  	_ =	sdelay $0x2  }
0x185: {  	v14 =	vmov v5;
	v12 =	vmov v6;
	s5 =	smov.u32 s15  }
.LBB2_8:
.Ltmp20:
0x186: {  	(pc) =	sbr.rel .LBB2_15-.Ltmp20, $2  }
0x187: {  	_ =	sdelay $0x2  }
0x188: {  	s14 =	smov.u32 s15;
	v14 =	vmov v5;
	s19 =	smov.u32 s5;
	v12 =	vmov v6  }
.LBB2_10:
.Ltmp21:
0x189: {  	(pc) =	sbr.rel .LBB2_15-.Ltmp21, $2  }
0x18a: {  	_ =	sdelay $0x2  }
0x18b: {  	s14 =	smov.u32 s15;
	v14 =	vmov v5;
	s19 =	smov.u32 s5;
	v12 =	vmov v6  }
.LBB2_12:
.Ltmp22:
0x18c: {  	(pc) =	sbr.rel .LBB2_15-.Ltmp22, $2  }
0x18d: {  	_ =	sdelay $0x2  }
0x18e: {  	v14 =	vmov v5;
	v12 =	vmov v6;
	s22 =	smov.u32 s6  }
.LBB2_27:
0x18f: {  	[tilespmem:$0x19880] =	vst v6  }
0x190: {  	[tilespmem:$0x19890] =	vst v5;
	s0 =	simm.s32 $0x0;
	s2 =	rddreg [dreg:$0x6]  }
0x191: {  	[hbm4b:s2+s0] =	stream.linear.scatter [tilespmem:s30], [sflag:$0x2], $0x20, $0x38;
	[tilespmem:$0x19900] =	vst v63  }
0x192: {  	_ =	swait.ge [sflag:s16], $0x20  }
0x193: {  	[sflag:s16] =	ssyncset.done $0x0  }
0x194: {  	s12 =	rddreg [dreg:$0x7];
	[sflag:s16] =	ssyncadd.s32 $0xFFFFFFE0  }
0x195: {  	[tilespmem:s0], [sflag:$0x2] =	stream.linear.gather [hbm4b:s12+s0], $0x80, $0x38;
	[tilespmem:$0x19900] =	vst v63  }
0x196: {  	_ =	swait.ge [sflag:s16], $0x80  }
0x197: {  	[sflag:s16] =	ssyncset.done $0x0  }
0x198: {  	s4 =	simm.s32 $0x80;
	s13 =	rddreg [dreg:$0x8];
	[sflag:s16] =	ssyncadd.s32 $0xFFFFFF80  }
0x199: {  	[tilespmem:s4], [sflag:$0x2] =	stream.linear.gather [hbm4b:s13+s0], $0x1900, $0x38;
	[tilespmem:$0x19900] =	vst v63  }
0x19a: {  	_ =	swait.ge [sflag:s16], $0x1900  }
0x19b: {  	[sflag:s16] =	ssyncset.done $0x0  }
0x19c: {  	s15 =	simm.s32 $0x1C80;
	s14 =	rddreg [dreg:$0x9];
	[sflag:s16] =	ssyncadd.s32 $0xFFFFE700  }
0x19d: {  	[tilespmem:s15], [sflag:$0x2] =	stream.linear.gather [hbm4b:s14+s0], $0x1900, $0x38;
	[tilespmem:$0x19900] =	vst v63  }
0x19e: {  	_ =	swait.ge [sflag:s16], $0x1900  }
0x19f: {  	[sflag:s16] =	ssyncset.done $0x0  }
0x1a0: {  	[sflag:s16] =	ssyncadd.s32 $0xFFFFE700  }
0x1a1: {  	v5 =	vld [tilespmem:$0x0];
	_ =	sdelay $0x4  }
0x1a2: {  	v6 =	vshll.u32 v5, $0x3  }
0x1a3: {  	v5 =	vand.u32 $0x7, v5;
	v6 =	vand.u32 $0xFFFFFFC0, v6  }
0x1a4: {  	v5 =	vor.u32 v5, v6  }
0x1a5: {  	v6 =	vperm.xlane v5, v2;
	_ =	sdelay $0x1  }
0x1a6: {  	v6 =	vadd.s32 v3, v6;
	_ =	sdelay $0x3  }
0x1a7: {  	s17 =	simm.s32 $0x3880  }
0x1a8: {  	[tilespmem:s17], [sflag:$0x1] =	stream.indirect_vreg.gather [hbm4b:s1+s0], $0x80, v6, vm0, $0xb8;
	[tilespmem:$0x19900] =	vst v63  }
0x1a9: {  	s18 =	simm.s32 $0x4080;
	v5 =	vperm.xlane v5, v4  }
0x1aa: {  	[tilespmem:s18], [sflag:$0x1] =	stream.indirect_vreg.gather [hbm4b:s7+s0], $0x80, v6, vm0, $0xb8;
	[tilespmem:$0x19900] =	vst v63  }
0x1ab: {  	s19 =	simm.s32 $0x4880;
	v5 =	vadd.s32 v3, v5  }
0x1ac: {  	[tilespmem:s19], [sflag:$0x1] =	stream.indirect_vreg.gather [hbm4b:s8+s0], $0x80, v6, vm0, $0xb8;
	[tilespmem:$0x19900] =	vst v63  }
0x1ad: {  	s20 =	simm.s32 $0x5080  }
0x1ae: {  	[tilespmem:s20], [sflag:$0x1] =	stream.indirect_vreg.gather [hbm4b:s9+s0], $0x80, v6, vm0, $0xb8;
	[tilespmem:$0x19900] =	vst v63  }
0x1af: {  	s21 =	simm.s32 $0x5880  }
0x1b0: {  	[tilespmem:s21], [sflag:$0x1] =	stream.indirect_vreg.gather [hbm4b:s1+s0], $0x80, v5, vm0, $0xb8;
	[tilespmem:$0x19900] =	vst v63  }
0x1b1: {  	s22 =	simm.s32 $0x6080  }
0x1b2: {  	[tilespmem:s22], [sflag:$0x1] =	stream.indirect_vreg.gather [hbm4b:s7+s0], $0x80, v5, vm0, $0xb8;
	[tilespmem:$0x19900] =	vst v63  }
0x1b3: {  	s23 =	simm.s32 $0x6880  }
0x1b4: {  	[tilespmem:s23], [sflag:$0x1] =	stream.indirect_vreg.gather [hbm4b:s8+s0], $0x80, v5, vm0, $0xb8;
	[tilespmem:$0x19900] =	vst v63  }
0x1b5: {  	s24 =	simm.s32 $0x7080  }
0x1b6: {  	[tilespmem:s24], [sflag:$0x1] =	stream.indirect_vreg.gather [hbm4b:s9+s0], $0x80, v5, vm0, $0xb8;
	[tilespmem:$0x19900] =	vst v63  }
0x1b7: {  	v5 =	vld [tilespmem:$0x10];
	_ =	sdelay $0x4  }
0x1b8: {  	v6 =	vshll.u32 v5, $0x3  }
0x1b9: {  	v5 =	vand.u32 $0x7, v5;
	v6 =	vand.u32 $0xFFFFFFC0, v6  }
0x1ba: {  	v5 =	vor.u32 v5, v6  }
0x1bb: {  	v6 =	vperm.xlane v5, v2;
	_ =	sdelay $0x1  }
0x1bc: {  	v6 =	vadd.s32 v3, v6;
	_ =	sdelay $0x3  }
0x1bd: {  	s4 =	simm.s32 $0x7880  }
0x1be: {  	[tilespmem:s4], [sflag:$0x1] =	stream.indirect_vreg.gather [hbm4b:s1+s0], $0x80, v6, vm0, $0xb8;
	[tilespmem:$0x19900] =	vst v63  }
0x1bf: {  	s5 =	simm.s32 $0x8080;
	v5 =	vperm.xlane v5, v4  }
0x1c0: {  	[tilespmem:s5], [sflag:$0x1] =	stream.indirect_vreg.gather [hbm4b:s7+s0], $0x80, v6, vm0, $0xb8;
	[tilespmem:$0x19900] =	vst v63  }
0x1c1: {  	s6 =	simm.s32 $0x8880;
	v5 =	vadd.s32 v3, v5  }
0x1c2: {  	[tilespmem:s6], [sflag:$0x1] =	stream.indirect_vreg.gather [hbm4b:s8+s0], $0x80, v6, vm0, $0xb8;
	[tilespmem:$0x19900] =	vst v63  }
0x1c3: {  	s10 =	simm.s32 $0x9080  }
0x1c4: {  	[tilespmem:s10], [sflag:$0x1] =	stream.indirect_vreg.gather [hbm4b:s9+s0], $0x80, v6, vm0, $0xb8;
	[tilespmem:$0x19900] =	vst v63  }
0x1c5: {  	s11 =	simm.s32 $0x9880  }
0x1c6: {  	[tilespmem:s11], [sflag:$0x1] =	stream.indirect_vreg.gather [hbm4b:s1+s0], $0x80, v5, vm0, $0xb8;
	[tilespmem:$0x19900] =	vst v63  }
0x1c7: {  	s12 =	simm.s32 $0xA080  }
0x1c8: {  	[tilespmem:s12], [sflag:$0x1] =	stream.indirect_vreg.gather [hbm4b:s7+s0], $0x80, v5, vm0, $0xb8;
	[tilespmem:$0x19900] =	vst v63  }
0x1c9: {  	s13 =	simm.s32 $0xA880  }
0x1ca: {  	[tilespmem:s13], [sflag:$0x1] =	stream.indirect_vreg.gather [hbm4b:s8+s0], $0x80, v5, vm0, $0xb8;
	[tilespmem:$0x19900] =	vst v63  }
0x1cb: {  	s14 =	simm.s32 $0xB080  }
0x1cc: {  	[tilespmem:s14], [sflag:$0x1] =	stream.indirect_vreg.gather [hbm4b:s9+s0], $0x80, v5, vm0, $0xb8;
	[tilespmem:$0x19900] =	vst v63  }
0x1cd: {  	v5 =	vld [tilespmem:$0x20];
	_ =	sdelay $0x4  }
0x1ce: {  	v6 =	vshll.u32 v5, $0x3  }
0x1cf: {  	v5 =	vand.u32 $0x7, v5;
	v6 =	vand.u32 $0xFFFFFFC0, v6  }
0x1d0: {  	v5 =	vor.u32 v5, v6  }
0x1d1: {  	v6 =	vperm.xlane v5, v2;
	_ =	sdelay $0x1  }
0x1d2: {  	v6 =	vadd.s32 v3, v6;
	_ =	sdelay $0x3  }
0x1d3: {  	s15 =	simm.s32 $0xB880  }
0x1d4: {  	[tilespmem:s15], [sflag:$0x1] =	stream.indirect_vreg.gather [hbm4b:s1+s0], $0x80, v6, vm0, $0xb8;
	[tilespmem:$0x19900] =	vst v63  }
0x1d5: {  	s17 =	simm.s32 $0xC080;
	v5 =	vperm.xlane v5, v4  }
0x1d6: {  	[tilespmem:s17], [sflag:$0x1] =	stream.indirect_vreg.gather [hbm4b:s7+s0], $0x80, v6, vm0, $0xb8;
	[tilespmem:$0x19900] =	vst v63  }
0x1d7: {  	s18 =	simm.s32 $0xC880;
	v5 =	vadd.s32 v3, v5  }
0x1d8: {  	[tilespmem:s18], [sflag:$0x1] =	stream.indirect_vreg.gather [hbm4b:s8+s0], $0x80, v6, vm0, $0xb8;
	[tilespmem:$0x19900] =	vst v63  }
0x1d9: {  	s19 =	simm.s32 $0xD080  }
0x1da: {  	[tilespmem:s19], [sflag:$0x1] =	stream.indirect_vreg.gather [hbm4b:s9+s0], $0x80, v6, vm0, $0xb8;
	[tilespmem:$0x19900] =	vst v63  }
0x1db: {  	s20 =	simm.s32 $0xD880  }
0x1dc: {  	[tilespmem:s20], [sflag:$0x1] =	stream.indirect_vreg.gather [hbm4b:s1+s0], $0x80, v5, vm0, $0xb8;
	[tilespmem:$0x19900] =	vst v63  }
0x1dd: {  	s21 =	simm.s32 $0xE080  }
0x1de: {  	[tilespmem:s21], [sflag:$0x1] =	stream.indirect_vreg.gather [hbm4b:s7+s0], $0x80, v5, vm0, $0xb8;
	[tilespmem:$0x19900] =	vst v63  }
0x1df: {  	s22 =	simm.s32 $0xE880  }
0x1e0: {  	[tilespmem:s22], [sflag:$0x1] =	stream.indirect_vreg.gather [hbm4b:s8+s0], $0x80, v5, vm0, $0xb8;
	[tilespmem:$0x19900] =	vst v63  }
0x1e1: {  	s23 =	simm.s32 $0xF080  }
0x1e2: {  	[tilespmem:s23], [sflag:$0x1] =	stream.indirect_vreg.gather [hbm4b:s9+s0], $0x80, v5, vm0, $0xb8;
	[tilespmem:$0x19900] =	vst v63  }
0x1e3: {  	v5 =	vld.msk [tilespmem:$0x30], $0xff;
	_ =	sdelay $0x4  }
0x1e4: {  	v6 =	vshll.u32 v5, $0x3  }
0x1e5: {  	v5 =	vand.u32 $0x7, v5;
	v6 =	vand.u32 $0xFFFFFFC0, v6  }
0x1e6: {  	v5 =	vor.u32 v5, v6  }
0x1e7: {  	v5 =	vperm.xlane v5, v2;
	_ =	sdelay $0x1  }
0x1e8: {  	v5 =	vadd.s32 v3, v5;
	_ =	sdelay $0x3  }
0x1e9: {  	s24 =	simm.s32 $0xF880  }
0x1ea: {  	[tilespmem:s24], [sflag:$0x1] =	stream.indirect_vreg.gather [hbm4b:s1+s0], $0x80, v5, vm0, $0xb8;
	[tilespmem:$0x19900] =	vst v63  }
0x1eb: {  	_ = 	snop  }
0x1ec: {  	[tilespmem:s25], [sflag:$0x1] =	stream.indirect_vreg.gather [hbm4b:s7+s0], $0x80, v5, vm0, $0xb8;
	[tilespmem:$0x19900] =	vst v63  }
0x1ed: {  	_ = 	snop  }
0x1ee: {  	[tilespmem:s26], [sflag:$0x1] =	stream.indirect_vreg.gather [hbm4b:s8+s0], $0x80, v5, vm0, $0xb8;
	[tilespmem:$0x19900] =	vst v63  }
0x1ef: {  	_ = 	snop  }
0x1f0: {  	[tilespmem:s28], [sflag:$0x1] =	stream.indirect_vreg.gather [hbm4b:s9+s0], $0x80, v5, vm0, $0xb8;
	[tilespmem:$0x19900] =	vst v63  }
0x1f1: {  	_ =	swait.ge [sflag:s29], $0xE000  }
0x1f2: {  	[sflag:s29] =	ssyncset.done $0x0  }
0x1f3: {  	[sflag:s29] =	ssyncadd.s32 $0xFFFF2000  }
0x1f4: {  	v5 =	vld [tilespmem:$0x80];
	_ =	sdelay $0x4  }
0x1f5: {  	(v2sf) =	vpush v5, $0x3;
	_ =	sdelay $0xe  }
0x1f6: {  	s2 =	spop (v2sf)  }
0x1f7: {  	p0 =	slt.s32 s2, $0x1  }
.Ltmp23:
0x1f8: {  	_ = 	snop;
	(pc) =	sbr.rel @p0 .LBB2_31-.Ltmp23, $2  }
0x1f9: {  	_ =	sdelay $0x2  }
0x1fa: {  	s4 =	simm.s32 $0x0  }
.LBB2_28:
0x1fb: {  	s5 =	sshll.u32 s4, $0xA;
	s6 =	sshll.u32 s4, $0x7  }
0x1fc: {  	s5 =	sand.u32 $0xFFFFE000, s5;
	s6 =	sand.u32 $0x380, s6  }
0x1fd: {  	s5 =	sor.u32 s6, s5  }
0x1fe: {  	s24 =	sand.u32 $0x1C00, s0;
	s5 =	sadd.s32 $0x11880, s5  }
0x1ff: {  	s10 =	sand.u32 $0x70, s0;
	s11 =	sadd.s32 s24, s5  }
0x200: {  	s6 =	simm.s32 $0x10;
	s11 =	sadd.s32 s10, s11;
	s10 =	simm.s32 $0x0  }
.LBB2_29:
0x201: {  	p0 =	sne.s32 s6, $0x3F0  }
0x202: {  	[tilespmem:s11+$0x0] =	vst v1;
	s10 =	sadd.s32 $0x80, s10;
	s11 =	smov.u32 s6;
	s6 =	sadd.s32 $0x10, s6  }
.Ltmp24:
0x203: {  	(pc) =	sbr.rel @p0 .LBB2_29-.Ltmp24, $4  }
0x204: {  	_ = 	snop  }
0x205: {  	s12 =	sand.u32 $0x1C00, s10  }
0x206: {  	s11 =	sand.u32 $0x70, s11;
	s12 =	sadd.s32 s12, s5  }
0x207: {  	s11 =	sadd.s32 s11, s12  }
0x208: {  	s4 =	sadd.s32 $0x1, s4  }
0x209: {  	p0 =	sne.s32 s4, s2  }
.Ltmp25:
0x20a: {  	_ = 	snop;
	(pc) =	sbr.rel @p0 .LBB2_28-.Ltmp25, $2  }
0x20b: {  	_ =	sdelay $0x2  }
0x20c: {  	[tilespmem:s11+$0x0] =	vst v1  }
.LBB2_31:
.Ltmp26:
0x20d: {  	(pc) =	sbr.rel .LBB2_32-.Ltmp26, $2  }
0x20e: {  	_ =	sdelay $0x2  }
0x20f: {  	s10 =	simm.s32 $0x0;
	v5 =	vimm.f32 $0.0e+00;
	v6 =	vimm.f32 $0.0e+00  }
.LBB2_44:
0x210: {  	s13 =	simm.s32 $0x0;
	v14 =	vmov v5;
	s12 =	simm.s32 $0x0;
	v12 =	vmov v6  }
.LBB2_51:
0x211: {  	v18 =	vsel @p0 vm1, $0x3F800000, v1;
	vm1 =	veq.s32 @p0 v17, $0x0;
	vm2 =	veq.s32 @p0 v17, v10  }
0x212: {  	vm1 =	vmor @p0 vm1, vm2;
	v17 =	vsub.f32 @p0 $1.000000000e+00, v18  }
0x213: {  	v19 =	vnsel @p0 vm1, $0x3F800000, v7  }
0x214: {  	s12 =	sadd.s32 @p0 $0x80, s12;
	v20 =	vmul.f32 @p0 v19, v18;
	v17 =	vmul.f32 @p0 v13, v17  }
0x215: {  	s13 =	sadd.s32 @p0 $0x10, s13;
	s15 =	simm.s32 $0x0;
	s11 =	smov.u32 @p0 s12  }
0x216: {  	s12 =	sadd.s32 @p0 s14, s2;
	s15 =	smov.u32 @p0 s13;
	s11 =	sand.u32 $0xFFFFFC00, s11;
	v17 =	vadd.f32 @p0 v17, v20  }
0x217: {  	s6 =	sadd.s32 @p0 s6, s12;
	s23 =	sand.u32 $0x70, s15;
	s4 =	sadd.s32 s11, s4  }
0x218: {  	s0 =	ssub.s32 s15, s0;
	s4 =	sadd.s32 s23, s4;
	v20 =	vld @p0 [tilespmem:s6+$0x0];
	[tilespmem:s5+$0x0] =	vst @p0 v17  }
0x219: {  	v58 =	vmov s0;
	v13 =	vmul.f32 @p0 v13, v8;
	v21 =	vld [tilespmem:s4+$0x0]  }
0x21a: {  	v11 =	vmul.f32 @p1 v16, v11;
	v59 =	vbroadcast v58, $0x0  }
0x21b: {  	v13 =	vmul.f32 @p0 v13, v18  }
0x21c: {  	v14 =	vadd.f32 @p1 v11, v14;
	v16 =	vadd.s32 v0, v59  }
0x21d: {  	v11 =	vmul.f32 @p1 v11, v15;
	v60 =	vand.u32 $0x3FF, v16;
	v13 =	vsub.f32 @p0 v19, v13  }
0x21e: {  	vm1 =	vlt.s32 v60, v9;
	v9 =	vpsel p0, v18, v0;
	v8 =	vmul.f32 v21, v8  }
0x21f: {  	s24 =	sadd.s32 s11, s2;
	vm2 =	veq.s32 v60, v10;
	v61 =	vsel vm1, $0x3F800000, v1;
	vm1 =	veq.s32 v60, $0x0  }
0x220: {  	s0 =	sadd.s32 s23, s24;
	v10 =	vpsel p0, v13, v0;
	vm1 =	vmor vm1, vm2;
	v8 =	vmul.f32 v8, v61  }
0x221: {  	v62 =	vld [tilespmem:s0+$0x0];
	v9 =	vmul.f32 @p0 v10, v9;
	v7 =	vnsel vm1, $0x3F800000, v7  }
0x222: {  	v11 =	vadd.f32 @p1 v11, v12;
	v12 =	vpsel p0, v20, v0;
	v8 =	vsub.f32 v7, v8  }
0x223: {  	v14 =	vpsel p1, v14, v5;
	v63 =	vsub.f32 $1.000000000e+00, v61;
	v12 =	vmul.f32 @p0 v9, v12  }
0x224: {  	v11 =	vpsel p1, v11, v6;
	v9 =	vadd.f32 @p0 v9, v14;
	v8 =	vmul.f32 v8, v61  }
0x225: {  	v13 =	vmul.f32 v21, v63;
	v11 =	vadd.f32 @p0 v12, v11;
	v7 =	vmul.f32 v7, v61  }
0x226: {  	v10 =	vmul.f32 v8, v62  }
0x227: {  	v5 =	vpsel p0, v9, v5;
	v6 =	vpsel p0, v11, v6;
	v7 =	vadd.f32 v13, v7  }
0x228: {  	v5 =	vadd.f32 v8, v5;
	v6 =	vadd.f32 v10, v6  }
0x229: {  	[tilespmem:s4+$0x0] =	vst v7  }
.LBB2_52:
0x22a: {  	s10 =	sadd.s32 $0x1, s10  }
0x22b: {  	p0 =	sne.s32 s10, $0x32  }
.Ltmp27:
0x22c: {  	_ = 	snop;
	(pc) =	sbr.rel @!p0 .LBB2_53-.Ltmp27, $1  }
0x22d: {  	_ =	sdelay $0x3  }
.LBB2_32:
0x22e: {  	s6 =	sshll.u32 s10, $0x7  }
0x22f: {  	v9 =	vld [tilespmem:s6+$0x80];
	_ =	sdelay $0x4  }
0x230: {  	(v2sf) =	vpush v9, $0x0;
	_ =	sdelay $0x1  }
0x231: {  	(v2sf) =	vpush v9, $0x1;
	_ =	sdelay $0xc  }
0x232: {  	s11 =	spop (v2sf)  }
0x233: {  	s0 =	sand.u32 $0x3FF, s11  }
0x234: {  	s2 =	spop (v2sf);
	s4 =	ssub.s32 $0x400, s0  }
0x235: {  	(v2sf) =	vpush v9, $0x2;
	p0 =	slt.s32 s2, s4  }
0x236: {  	s4 =	smov.u32 @p0 s2  }
0x237: {  	s4 =	sadd.s32 s0, s4  }
0x238: {  	s5 =	sadd.s32 $0xF, s4  }
0x239: {  	s12 =	sand.u32 $0xF, s5  }
0x23a: {  	p6 =	slt.s32 s4, $0xFFFFFFF2;
	s13 =	sshra.s32 s5, $0x1F;
	p1 =	sne.s32 s12, $0x0  }
0x23b: {  	s23 =	sshrl.u32 s13, $0x1C;
	p0 =	por !p6, !p1  }
0x23c: {  	s12 =	simm.s32 $0x1;
	s4 =	sadd.s32 s23, s5;
	p0 =	por !p0, !p0  }
0x23d: {  	s4 =	sshra.s32 s4, $0x4;
	s12 =	simm.s32 @!p0 $0x0  }
0x23e: {  	v8 =	vld [tilespmem:s6+$0x1C80];
	s5 =	sshrl.u32 s0, $0x4;
	s12 =	ssub.s32 s4, s12  }
0x23f: {  	p1 =	sge.s32 s5, s12  }
.Ltmp28:
0x240: {  	_ = 	snop;
	(pc) =	sbr.rel @p1 .LBB2_42-.Ltmp28, $3  }
0x241: {  	_ =	sdelay $0x1  }
0x242: {  	s24 =	sshll.u32 s10, $0xA;
	v7 =	vbroadcast v8, $0x0  }
0x243: {  	s17 =	sand.u32 $0x380, s6;
	v8 =	vbroadcast v8, $0x1;
	v9 =	vbroadcast v9, $0x1;
	s13 =	sand.u32 $0xE000, s24;
	s12 =	spop (v2sf)  }
0x244: {  	s6 =	simm.s32 $0xFFFFFFFF  }
0x245: {  	s6 =	simm.s32 @!p0 $0x0  }
0x246: {  	s6 =	sadd.s32 s6, s4  }
0x247: {  	s6 =	ssub.s32 s6, s5  }
0x248: {  	p2 =	sne.s32 s6, $0x1  }
.Ltmp29:
0x249: {  	s14 =	sshll.u32 s12, $0xA;
	(pc) =	sbr.rel @!p2 .LBB2_34-.Ltmp29, $4  }
0x24a: {  	s15 =	sshll.u32 s12, $0x7;
	s18 =	sor.u32 s17, s13;
	s19 =	sshll.u32 s5, $0x7  }
0x24b: {  	p1 =	por $0x0, $0x0;
	s14 =	sand.u32 $0xFFFFE000, s14;
	s15 =	sand.u32 $0x380, s15  }
0x24c: {  	s18 =	sadd.s32 $0x3880, s18;
	p0 =	por $0x0, $0x0;
	s14 =	sor.u32 s15, s14  }
0x24d: {  	v10 =	vadd.s32 $0xFFFFFFFF, v9;
	s4 =	sadd.s32 $0x11880, s14;
	s14 =	sshll.u32 s5, $0x4;
	s5 =	sadd.s32 $0xFFFFFFFF, s6  }
0x24e: {  	s6 =	ssub.s32 s14, s0  }
0x24f: {  	p2 =	sne.s32 s5, $0x1;
	v11 =	vmov s6  }
.Ltmp30:
0x250: {  	v11 =	vbroadcast v11, $0x0;
	(pc) =	sbr.rel @!p2 .LBB2_36-.Ltmp30, $4  }
0x251: {  	s20 =	sand.u32 $0xFFFFFC00, s19  }
0x252: {  	s21 =	sand.u32 $0x70, s14;
	s24 =	sadd.s32 s20, s4;
	v11 =	vadd.s32 v0, v11  }
0x253: {  	s6 =	sadd.s32 s21, s24;
	v17 =	vand.u32 $0x3FF, v11  }
0x254: {  	s23 =	sadd.s32 $0xFFFFFFFF, s5;
	p0 =	por $0x1, $0x1;
	v13 =	vld [tilespmem:s6+$0x0];
	vm1 =	vlt.s32 v17, v9  }
0x255: {  	_ = 	snop  }
0x256: {  	v11 =	vsel vm1, $0x3F800000, v1;
	vm1 =	veq.s32 v17, $0x0;
	vm2 =	veq.s32 v17, v10  }
0x257: {  	vm1 =	vmor vm1, vm2;
	v12 =	vsub.f32 $1.000000000e+00, v11  }
0x258: {  	s15 =	sadd.s32 $0x10, s14;
	v14 =	vnsel vm1, $0x3F800000, v7  }
0x259: {  	s5 =	ssub.s32 s15, s0;
	v15 =	vmul.f32 v14, v11;
	v12 =	vmul.f32 v13, v12  }
0x25a: {  	p2 =	sne.s32 s23, $0x1;
	v16 =	vmov s5;
	s5 =	sadd.s32 $0x80, s19  }
.Ltmp31:
0x25b: {  	s22 =	sadd.s32 s20, s18;
	v16 =	vbroadcast v16, $0x0;
	s20 =	sand.u32 $0xFFFFFC00, s5;
	v13 =	vmul.f32 v13, v8;
	v12 =	vadd.f32 v12, v15;
	(pc) =	sbr.rel @!p2 .LBB2_38-.Ltmp31, $4  }
0x25c: {  	s22 =	sadd.s32 s21, s22;
	s21 =	sand.u32 $0x70, s15;
	s24 =	sadd.s32 s20, s4  }
0x25d: {  	v18 =	vmul.f32 v13, v11;
	v13 =	vadd.s32 v0, v16;
	v15 =	vld [tilespmem:s22+$0x0];
	s22 =	sadd.s32 s21, s24;
	[tilespmem:s6+$0x0] =	vst v12  }
0x25e: {  	v17 =	vand.u32 $0x3FF, v13;
	v13 =	vld [tilespmem:s22+$0x0]  }
0x25f: {  	p1 =	por $0x1, $0x1;
	v16 =	vsub.f32 v14, v18;
	s6 =	sadd.s32 $0xFFFFFFFF, s23;
	vm1 =	vlt.s32 v17, v9;
	v14 =	vmovc v5;
	v12 =	vmov v6  }
.LBB2_39:
0x260: {  	p2 =	sne.s32 s6, $0x1;
	v18 =	vsel vm1, $0x3F800000, v1;
	vm1 =	veq.s32 v17, $0x0;
	vm2 =	veq.s32 v17, v10  }
0x261: {  	v16 =	vmul.f32 v16, v11;
	vm1 =	vmor vm1, vm2;
	v17 =	vsub.f32 $1.000000000e+00, v18;
	v11 =	vmovc v18  }
0x262: {  	s15 =	sadd.s32 $0x10, s15;
	v18 =	vnsel vm1, $0x3F800000, v7  }
0x263: {  	s23 =	ssub.s32 s15, s0;
	v14 =	vadd.f32 v16, v14;
	v19 =	vmul.f32 v18, v11;
	v17 =	vmul.f32 v13, v17  }
0x264: {  	s5 =	sadd.s32 $0x80, s5;
	v20 =	vmov s23;
	v15 =	vmul.f32 v16, v15;
	v13 =	vmul.f32 v13, v8  }
.Ltmp32:
0x265: {  	s23 =	sadd.s32 s20, s18;
	s20 =	sand.u32 $0xFFFFFC00, s5;
	v16 =	vbroadcast v20, $0x0;
	v17 =	vadd.f32 v17, v19;
	(pc) =	sbr.rel @p2 .LBB2_39-.Ltmp32, $4  }
0x266: {  	s24 =	sadd.s32 s20, s4;
	s23 =	sadd.s32 s21, s23;
	s21 =	sand.u32 $0x70, s15;
	v12 =	vadd.f32 v15, v12;
	v19 =	vmul.f32 v13, v11  }
0x267: {  	v13 =	vadd.s32 v0, v16;
	v15 =	vld [tilespmem:s23+$0x0];
	[tilespmem:s22+$0x0] =	vst v17;
	s22 =	sadd.s32 s21, s24  }
0x268: {  	v17 =	vand.u32 $0x3FF, v13;
	v16 =	vsub.f32 v18, v19;
	v13 =	vld [tilespmem:s22+$0x0]  }
0x269: {  	s6 =	sadd.s32 $0xFFFFFFFF, s6;
	vm1 =	vlt.s32 v17, v9  }
0x26a: {  	s6 =	smov.u32 s22  }
.LBB2_41:
0x26b: {  	v18 =	vsel @p0 vm1, $0x3F800000, v1;
	vm1 =	veq.s32 @p0 v17, $0x0;
	vm2 =	veq.s32 @p0 v17, v10  }
0x26c: {  	vm1 =	vmor @p0 vm1, vm2;
	v17 =	vsub.f32 @p0 $1.000000000e+00, v18  }
0x26d: {  	v19 =	vnsel @p0 vm1, $0x3F800000, v7  }
0x26e: {  	s5 =	sadd.s32 @p0 $0x80, s5;
	v20 =	vmul.f32 @p0 v19, v18;
	v17 =	vmul.f32 @p0 v13, v17  }
0x26f: {  	s15 =	sadd.s32 @p0 $0x10, s15;
	s19 =	smov.u32 @p0 s5  }
0x270: {  	s5 =	sadd.s32 @p0 s20, s18;
	s14 =	smov.u32 @p0 s15;
	s20 =	sand.u32 $0xFFFFFC00, s19;
	v17 =	vadd.f32 @p0 v17, v20  }
0x271: {  	s5 =	sadd.s32 @p0 s21, s5;
	s22 =	sand.u32 $0x70, s14;
	s4 =	sadd.s32 s20, s4  }
0x272: {  	s23 =	ssub.s32 s14, s0;
	s4 =	sadd.s32 s22, s4;
	v20 =	vld @p0 [tilespmem:s5+$0x0];
	[tilespmem:s6+$0x0] =	vst @p0 v17  }
0x273: {  	v54 =	vmov s23;
	v13 =	vmul.f32 @p0 v13, v8;
	v21 =	vld [tilespmem:s4+$0x0]  }
0x274: {  	v11 =	vmul.f32 @p1 v16, v11;
	v55 =	vbroadcast v54, $0x0  }
0x275: {  	v13 =	vmul.f32 @p0 v13, v18  }
0x276: {  	v14 =	vadd.f32 @p1 v11, v14;
	v16 =	vadd.s32 v0, v55  }
0x277: {  	v11 =	vmul.f32 @p1 v11, v15;
	v56 =	vand.u32 $0x3FF, v16;
	v13 =	vsub.f32 @p0 v19, v13  }
0x278: {  	v16 =	vpsel p0, v18, v0;
	vm1 =	vlt.s32 v56, v9;
	v57 =	vmul.f32 v21, v8  }
0x279: {  	s24 =	sadd.s32 s20, s18;
	vm2 =	veq.s32 v56, $0x0;
	v58 =	vsel vm1, $0x3F800000, v1;
	vm1 =	veq.s32 v56, v10  }
0x27a: {  	s5 =	sadd.s32 s22, s24;
	v10 =	vpsel p0, v13, v0;
	vm1 =	vmor vm2, vm1;
	v59 =	vmul.f32 v57, v58  }
0x27b: {  	v61 =	vld [tilespmem:s5+$0x0];
	v10 =	vmul.f32 @p0 v10, v16;
	v60 =	vnsel vm1, $0x3F800000, v7  }
0x27c: {  	v11 =	vadd.f32 @p1 v11, v12;
	v16 =	vpsel p0, v20, v0;
	v13 =	vsub.f32 v60, v59  }
0x27d: {  	v14 =	vpsel p1, v14, v5;
	v62 =	vsub.f32 $1.000000000e+00, v58;
	v16 =	vmul.f32 @p0 v10, v16  }
0x27e: {  	v11 =	vpsel p1, v11, v6;
	v12 =	vmul.f32 v60, v58;
	v13 =	vmul.f32 v13, v58  }
0x27f: {  	v10 =	vadd.f32 @p0 v10, v14;
	v17 =	vmul.f32 v21, v62;
	v11 =	vadd.f32 @p0 v16, v11  }
0x280: {  	v63 =	vmul.f32 v13, v61  }
0x281: {  	v5 =	vpsel p0, v10, v5;
	v12 =	vadd.f32 v17, v12;
	v6 =	vpsel p0, v11, v6  }
0x282: {  	v5 =	vadd.f32 v13, v5;
	v6 =	vadd.f32 v63, v6  }
0x283: {  	[tilespmem:s4+$0x0] =	vst v12  }
.LBB2_42:
0x284: {  	s4 =	sor.u32 $0xFFFFFC00, s11  }
0x285: {  	s2 =	sadd.s32 s4, s2  }
0x286: {  	p0 =	sgt.s32 s2, $0x0  }
0x287: {  	s2 =	simm.s32 @!p0 $0x0  }
0x288: {  	s2 =	sadd.s32 $0xF, s2  }
0x289: {  	s23 =	sand.u32 $0xF, s2  }
0x28a: {  	s24 =	sshra.s32 s2, $0x1F;
	p1 =	slt.s32 s2, $0x0;
	p6 =	sne.s32 s23, $0x0  }
0x28b: {  	s4 =	sshrl.u32 s24, $0x1C;
	p0 =	por !p1, !p6  }
0x28c: {  	s2 =	sadd.s32 s4, s2;
	s4 =	simm.s32 $0x1;
	p0 =	por !p0, !p0  }
0x28d: {  	s2 =	sshra.s32 s2, $0x4;
	s4 =	simm.s32 @!p0 $0x0  }
0x28e: {  	s5 =	ssub.s32 s2, s4  }
0x28f: {  	p0 =	slt.s32 s5, $0x1  }
.Ltmp33:
0x290: {  	_ = 	snop;
	(pc) =	sbr.rel @p0 .LBB2_52-.Ltmp33, $1  }
0x291: {  	_ =	sdelay $0x3  }
0x292: {  	p2 =	sne.s32 s5, $0x1  }
.Ltmp34:
0x293: {  	_ = 	snop;
	(pc) =	sbr.rel @!p2 .LBB2_44-.Ltmp34, $4  }
0x294: {  	s2 =	sshll.u32 s12, $0xA;
	s4 =	sshll.u32 s12, $0x7;
	s6 =	sor.u32 s17, s13  }
0x295: {  	s12 =	sadd.s32 $0xFFFFFFFF, s5;
	s11 =	sand.u32 $0xFFFFE000, s2;
	s4 =	sand.u32 $0x380, s4  }
0x296: {  	p0 =	por $0x0, $0x0;
	p1 =	por $0x0, $0x0;
	s4 =	sor.u32 s4, s11  }
0x297: {  	v10 =	vadd.s32 $0xFFFFFFFF, v9;
	s2 =	sadd.s32 $0x3880, s6;
	s11 =	simm.s32 $0x0;
	s4 =	sadd.s32 $0x11880, s4  }
0x298: {  	s5 =	ssub.s32 $0x0, s0  }
0x299: {  	p2 =	sne.s32 s12, $0x1;
	v11 =	vmov s5  }
.Ltmp35:
0x29a: {  	s14 =	sand.u32 $0xFFFFFC00, s11;
	v11 =	vbroadcast v11, $0x0;
	(pc) =	sbr.rel @!p2 .LBB2_46-.Ltmp35, $4  }
0x29b: {  	s6 =	sand.u32 $0x70, s11;
	s24 =	sadd.s32 s14, s4  }
0x29c: {  	s5 =	sadd.s32 s6, s24;
	v11 =	vadd.s32 v0, v11  }
0x29d: {  	v13 =	vld [tilespmem:s5+$0x0];
	v17 =	vand.u32 $0x3FF, v11  }
0x29e: {  	s17 =	sadd.s32 $0xFFFFFFFF, s12;
	p0 =	por $0x1, $0x1;
	vm1 =	vlt.s32 v17, v9  }
0x29f: {  	v11 =	vsel vm1, $0x3F800000, v1;
	vm1 =	veq.s32 v17, $0x0;
	vm2 =	veq.s32 v17, v10  }
0x2a0: {  	vm1 =	vmor vm1, vm2;
	v12 =	vsub.f32 $1.000000000e+00, v11  }
0x2a1: {  	v14 =	vnsel vm1, $0x3F800000, v7  }
0x2a2: {  	s12 =	ssub.s32 $0x10, s0;
	v15 =	vmul.f32 v14, v11;
	v12 =	vmul.f32 v13, v12  }
0x2a3: {  	s15 =	sadd.s32 s14, s2;
	p2 =	sne.s32 s17, $0x1;
	v16 =	vmov s12;
	s12 =	simm.s32 $0x80  }
.Ltmp36:
0x2a4: {  	s13 =	simm.s32 $0x10;
	v16 =	vbroadcast v16, $0x0;
	s14 =	sand.u32 $0xFFFFFC00, s12;
	v13 =	vmul.f32 v13, v8;
	v12 =	vadd.f32 v12, v15;
	(pc) =	sbr.rel @!p2 .LBB2_48-.Ltmp36, $4  }
0x2a5: {  	s15 =	sadd.s32 s6, s15;
	s6 =	sand.u32 $0x70, s13;
	s18 =	sadd.s32 s14, s4  }
0x2a6: {  	v18 =	vmul.f32 v13, v11;
	v13 =	vadd.s32 v0, v16;
	v15 =	vld [tilespmem:s15+$0x0];
	s15 =	sadd.s32 s6, s18;
	[tilespmem:s5+$0x0] =	vst v12  }
0x2a7: {  	v17 =	vand.u32 $0x3FF, v13;
	v13 =	vld [tilespmem:s15+$0x0]  }
0x2a8: {  	p1 =	por $0x1, $0x1;
	v16 =	vsub.f32 v14, v18;
	s5 =	sadd.s32 $0xFFFFFFFF, s17;
	vm1 =	vlt.s32 v17, v9;
	v14 =	vmovc v5;
	v12 =	vmov v6  }
.LBB2_49:
0x2a9: {  	p2 =	sne.s32 s5, $0x1;
	v18 =	vsel vm1, $0x3F800000, v1;
	vm1 =	veq.s32 v17, $0x0;
	vm2 =	veq.s32 v17, v10  }
0x2aa: {  	v16 =	vmul.f32 v16, v11;
	vm1 =	vmor vm1, vm2;
	v17 =	vsub.f32 $1.000000000e+00, v18;
	v11 =	vmovc v18  }
0x2ab: {  	s13 =	sadd.s32 $0x10, s13;
	v18 =	vnsel vm1, $0x3F800000, v7  }
0x2ac: {  	s17 =	ssub.s32 s13, s0;
	v14 =	vadd.f32 v16, v14;
	v19 =	vmul.f32 v18, v11;
	v17 =	vmul.f32 v13, v17  }
0x2ad: {  	s12 =	sadd.s32 $0x80, s12;
	v20 =	vmov s17;
	v15 =	vmul.f32 v16, v15;
	v13 =	vmul.f32 v13, v8  }
.Ltmp37:
0x2ae: {  	s17 =	sadd.s32 s14, s2;
	s14 =	sand.u32 $0xFFFFFC00, s12;
	v16 =	vbroadcast v20, $0x0;
	v17 =	vadd.f32 v17, v19;
	(pc) =	sbr.rel @p2 .LBB2_49-.Ltmp37, $4  }
0x2af: {  	s18 =	sadd.s32 s14, s4;
	s17 =	sadd.s32 s6, s17;
	s6 =	sand.u32 $0x70, s13;
	v12 =	vadd.f32 v15, v12;
	v19 =	vmul.f32 v13, v11  }
0x2b0: {  	v13 =	vadd.s32 v0, v16;
	v15 =	vld [tilespmem:s17+$0x0];
	[tilespmem:s15+$0x0] =	vst v17;
	s15 =	sadd.s32 s6, s18  }
0x2b1: {  	v17 =	vand.u32 $0x3FF, v13;
	v16 =	vsub.f32 v18, v19;
	v13 =	vld [tilespmem:s15+$0x0]  }
0x2b2: {  	s5 =	sadd.s32 $0xFFFFFFFF, s5;
	vm1 =	vlt.s32 v17, v9  }
.Ltmp38:
0x2b3: {  	(pc) =	sbr.rel .LBB2_51-.Ltmp38, $2  }
0x2b4: {  	_ =	sdelay $0x2  }
0x2b5: {  	s5 =	smov.u32 s15  }
.LBB2_46:
.Ltmp39:
0x2b6: {  	(pc) =	sbr.rel .LBB2_51-.Ltmp39, $2  }
0x2b7: {  	_ =	sdelay $0x2  }
0x2b8: {  	s13 =	simm.s32 $0x0;
	v14 =	vmov v5;
	s12 =	simm.s32 $0x0;
	v12 =	vmov v6  }
.LBB2_48:
.Ltmp40:
0x2b9: {  	(pc) =	sbr.rel .LBB2_51-.Ltmp40, $2  }
0x2ba: {  	_ =	sdelay $0x2  }
0x2bb: {  	v14 =	vmov v5;
	v12 =	vmov v6;
	s5 =	smov.u32 s15  }
.LBB2_34:
.Ltmp41:
0x2bc: {  	(pc) =	sbr.rel .LBB2_41-.Ltmp41, $2  }
0x2bd: {  	_ =	sdelay $0x2  }
0x2be: {  	s15 =	smov.u32 s14;
	v14 =	vmov v5;
	s5 =	smov.u32 s19;
	v12 =	vmov v6  }
.LBB2_36:
.Ltmp42:
0x2bf: {  	(pc) =	sbr.rel .LBB2_41-.Ltmp42, $2  }
0x2c0: {  	_ =	sdelay $0x2  }
0x2c1: {  	s15 =	smov.u32 s14;
	v14 =	vmov v5;
	s5 =	smov.u32 s19;
	v12 =	vmov v6  }
.LBB2_38:
.Ltmp43:
0x2c2: {  	(pc) =	sbr.rel .LBB2_41-.Ltmp43, $2  }
0x2c3: {  	_ =	sdelay $0x2  }
0x2c4: {  	v14 =	vmov v5;
	v12 =	vmov v6;
	s6 =	smov.u32 s22  }
.LBB2_54:
0x2c5: {  	_ =	sfence.sel $0x180000  }
0x2c6: {  	[bflag:$0x0] =	sbarrier.arrive $0xFFFF  }
0x2c7: {  	_ =	strace $0x90000047  }
0x2c8: {  	s0 =	stileid.u32;
	[bflag:$0x2] =	sbarrier.arrive $0xFFFF  }
0x2c9: {  	p0 =	sne.s32 s0, $0x0;
	s0 =	rddreg [dreg:$0x2]  }
0x2ca: {  	s0 =	sadd.s32 @!p0 $0x100000, s0  }
0x2cb: {  	[sflag:s0] =	ssyncadd.tile.s32 @!p0 $0x1;
	_ =	shalt  }
.Lfunc_end2:
_tile_overlayer_lowered:
.L_overlay_start_2:
0x2cc: {  	(tag) =	ssettag $0x2  }
0x2cd: {  	s0 =	rddreg [dreg:$0x0];
	s2 =	stileid.u32  }
0x2ce: {  	s1 =	rddreg [dreg:$0x1];
	p0 =	sne.s32 s2, $0x0  }
0x2cf: {  	s3 =	rddreg [dreg:$0x2];
	[bflag:$0x3] =	sbarrier.arrive $0xFFFF;
	s2 =	simm.s32 @!p0 $0x1C02  }
0x2d0: {  	[timem:s3], [sflag:s2] =	dma.local @!p0 [hbm:s0], s1  }
0x2d1: {  	s0 =	simm.s32 @!p0 $0x2  }
0x2d2: {  	_ =	swait.ge @!p0 [sflag:s0], s1  }
0x2d3: {  	s1 =	ssub.s32 @!p0 $0x0, s1;
	[sflag:s0] =	ssyncset.done @!p0 $0x0  }
0x2d4: {  	[sflag:s0] =	ssyncadd.s32 @!p0 s1  }
0x2d5: {  	[bflag:$0x3] =	sbarrier.arrive $0xFFFF  }
0x2d6: {  	_ =	shalt  }

</sc_bundles>
